<compile_context>
chip_gen: v7x
topology: tpu7x:2x2x1
jax: 0.10.2.dev20260603
libtpu: 0.0.44.dev20260713+nightly
codegen_flags: <defaults>
</compile_context>

<pallas_src>
import functools

import jax
import jax.numpy as jnp
from jax import lax
from jax.experimental import pallas as pl
from jax.experimental.pallas import tpu as pltpu
from jax.experimental.pallas import tpu_sc as plsc

N = 10000
D = 128
OUT = 128

NC = 2
NS = 16
NW = NC * NS
CH = 128

N_PAD = 10240
ZCH = N_PAD // (NS * CH)
ROWS_PT = N_PAD // NS


def _sc_mesh():
    return plsc.VectorSubcoreMesh(core_axis_name="c", subcore_axis_name="s",
                                  num_cores=NC, num_subcores=NS)




def _make_sc_bincount(K, interpret=False):
    def body(dst_hbm, ones_hbm, zeros_hbm, out_hbm, didx, ones_v, cnt_sp):
        c = lax.axis_index("c")
        s = lax.axis_index("s")
        w = s * NC + c

        pltpu.sync_copy(zeros_hbm, ones_v)
        for z in range(ZCH):
            pltpu.sync_copy(ones_v, cnt_sp.at[pl.ds((s * ZCH + z) * CH, CH)])
        pltpu.sync_copy(ones_hbm, ones_v)
        pltpu.sync_copy(dst_hbm.at[w], didx)
        plsc.subcore_barrier()

        def step(k, carry):
            pltpu.sync_copy(ones_v, cnt_sp.at[didx.at[k]], add=True)
            return carry

        lax.fori_loop(0, K, step, 0)
        plsc.subcore_barrier()
        pltpu.sync_copy(cnt_sp.at[pl.ds(s * ROWS_PT, ROWS_PT)],
                        out_hbm.at[c, pl.ds(s * ROWS_PT, ROWS_PT)])

    return pl.kernel(
        body,
        mesh=_sc_mesh(),
        interpret=interpret,
        out_type=jax.ShapeDtypeStruct((NC, N_PAD, D), jnp.float32),
        scratch_types=[
            pltpu.VMEM((K + 2, CH), jnp.int32),
            pltpu.VMEM((CH, D), jnp.float32),
            pltpu.VMEM_SHARED((N_PAD, D), jnp.float32),
        ],
    )


def _make_sc_hop(K, frac0=680, interpret=False):
    def body(g_hbm, src_hbm, dst_hbm, zeros_hbm, out_hbm,
             src_v, dst_v, rows, acc_sp, gsem, ssem0, ssem1):
        c = lax.axis_index("c")
        s = lax.axis_index("s")
        ssems = (ssem0, ssem1)

        pltpu.sync_copy(zeros_hbm, rows.at[0])
        for z in range(ZCH):
            pltpu.sync_copy(rows.at[0], acc_sp.at[pl.ds((s * ZCH + z) * CH, CH)])
        pltpu.sync_copy(zeros_hbm, rows.at[1])
        plsc.subcore_barrier()

        K0 = ((2 * K * frac0) // 1000) | 1
        K1 = 2 * K - K0
        kc = jnp.where(c == 0, K0, K1)
        ebase = (s * 2 * K + jnp.where(c == 0, 0, K0)) * CH

        pltpu.sync_copy(dst_hbm.at[pl.ds(ebase, CH)], dst_v.at[0])
        for b in range(2):
            pltpu.async_copy(rows.at[b], acc_sp.at[dst_v.at[0]], ssems[b],
                             add=True)

        def chunk(k, b):
            e0 = ebase + k * CH
            pltpu.make_async_copy(rows.at[b], acc_sp.at[dst_v.at[b]],
                                  ssems[b]).wait()
            pltpu.sync_copy(src_hbm.at[pl.ds(e0, CH)], src_v)
            pltpu.async_copy(g_hbm.at[src_v], rows.at[b], gsem).wait()
            pltpu.sync_copy(dst_hbm.at[pl.ds(e0, CH)], dst_v.at[b])
            pltpu.async_copy(rows.at[b], acc_sp.at[dst_v.at[b]], ssems[b],
                             add=True)

        def pair(p, carry):
            chunk(p * 2, 0)
            chunk(p * 2 + 1, 1)
            return carry

        lax.fori_loop(0, (kc - 1) // 2, pair, 0)
        chunk(kc - 1, 0)
        for b in range(2):
            pltpu.make_async_copy(rows.at[b], acc_sp.at[dst_v.at[b]],
                                  ssems[b]).wait()
        plsc.subcore_barrier()
        pltpu.sync_copy(acc_sp.at[pl.ds(s * ROWS_PT, ROWS_PT)],
                        out_hbm.at[c, pl.ds(s * ROWS_PT, ROWS_PT)])

    return pl.kernel(
        body,
        mesh=_sc_mesh(),
        interpret=interpret,
        out_type=jax.ShapeDtypeStruct((NC, N_PAD, D), jnp.float32),
        scratch_types=[
            pltpu.VMEM((CH,), jnp.int32),
            pltpu.VMEM((2, CH), jnp.int32),
            pltpu.VMEM((2, CH, D), jnp.float32),
            pltpu.VMEM_SHARED((N_PAD, D), jnp.float32),
            pltpu.SemaphoreType.DMA,
            pltpu.SemaphoreType.DMA,
            pltpu.SemaphoreType.DMA,
        ],
    )


def _tc0_body(feats_ref, c0_ref, c1_ref, nb_ref, g_ref):
    deg = c0_ref[:, 0:1] + c1_ref[:, 0:1]
    nb = jnp.broadcast_to(lax.rsqrt(jnp.maximum(deg, 1.0)), (BLK, D))
    nb_ref[...] = nb
    g_ref[...] = feats_ref[...] * nb


def _tc_g_body(a0_ref, a1_ref, nb_ref, g_ref):
    nb = nb_ref[...]
    g_ref[...] = (a0_ref[...] + a1_ref[...]) * nb * nb


def _tc_fin_body(f_ref, a10_ref, a11_ref, a20_ref, a21_ref, nb_ref,
                 w0_ref, w1_ref, w2_ref, out_ref):
    nb = nb_ref[...]
    h1 = (a10_ref[...] + a11_ref[...]) * nb
    h2 = (a20_ref[...] + a21_ref[...]) * nb
    out_ref[:, 0:OUT] = jnp.dot(f_ref[...], w0_ref[...],
                                preferred_element_type=jnp.float32)
    out_ref[:, OUT:2 * OUT] = jnp.dot(h1, w1_ref[...],
                                      preferred_element_type=jnp.float32)
    out_ref[:, 2 * OUT:3 * OUT] = jnp.dot(h2, w2_ref[...],
                                          preferred_element_type=jnp.float32)


BLK = 1000
_GRID = (N // BLK,)
_ROWS = pl.BlockSpec((BLK, D), lambda i: (i, 0))
_WSPEC = pl.BlockSpec((D, OUT), lambda i: (0, 0))

_tc0 = pl.pallas_call(
    _tc0_body,
    grid=_GRID,
    in_specs=[_ROWS, _ROWS, _ROWS],
    out_specs=[_ROWS, _ROWS],
    out_shape=[jax.ShapeDtypeStruct((N_PAD, D), jnp.float32),
               jax.ShapeDtypeStruct((N_PAD, D), jnp.float32)],
)

_tc_g = pl.pallas_call(
    _tc_g_body,
    grid=_GRID,
    in_specs=[_ROWS, _ROWS, _ROWS],
    out_specs=_ROWS,
    out_shape=jax.ShapeDtypeStruct((N_PAD, D), jnp.float32),
)

_tc_fin = pl.pallas_call(
    _tc_fin_body,
    grid=_GRID,
    in_specs=[_ROWS] * 6 + [_WSPEC] * 3,
    out_specs=pl.BlockSpec((BLK, 3 * OUT), lambda i: (i, 0)),
    out_shape=jax.ShapeDtypeStruct((N, 3 * OUT), jnp.float32),
)


@functools.lru_cache(maxsize=None)
def _sc_kernels(K):
    return _make_sc_bincount(K), _make_sc_hop(K)


def kernel(feats, edge_index, W0, W1, W2):
    E = edge_index.shape[1]
    ew = NW * CH
    K = -(-E // ew)
    pad = K * ew - E

    src = jnp.concatenate([edge_index[0], jnp.full((pad,), N, jnp.int32)])
    dst = jnp.concatenate([edge_index[1], jnp.full((pad,), N, jnp.int32)])
    dst3 = jnp.concatenate([dst.reshape(NW, K, CH),
                            jnp.full((NW, 2, CH), N, jnp.int32)], axis=1)

    ones_rows = jnp.ones((CH, D), jnp.float32)
    zrows = jnp.zeros((CH, D), jnp.float32)

    sc_bincount, sc_hop = _sc_kernels(K)
    counts = sc_bincount(dst3, ones_rows, zrows)
    nb, g0 = _tc0(feats, counts[0], counts[1])
    acc1 = sc_hop(g0, src, dst, zrows)
    g1 = _tc_g(acc1[0], acc1[1], nb)
    acc2 = sc_hop(g1, src, dst, zrows)
    return _tc_fin(feats, acc1[0], acc1[1], acc2[0], acc2[1], nb, W0, W1, W2)

# --- scband reference (transcript-rebuilt; emitter-appended) ---
"""Pipeline reference for scband-mix-hop-conv-3951369912457 (READ-ONLY COPY).

The authoritative reference and input builder live on the scoring server;
editing this copy changes nothing except your own understanding.
"""

import jax, jax.numpy as jnp
import numpy as np

N = 10000
E = 320000
D = 128
OUT = 128
P = [0, 1, 2]


def setup_inputs(seed: int = 0) -> dict:
    key = jax.random.key(seed)
    k1, k2, k3, k4, k5 = jax.random.split(key, 5)
    feats = jax.random.normal(k1, (N, D), dtype=jnp.float32)
    edge_index = jax.random.randint(k2, (2, E), 0, N, dtype=jnp.int32)
    # Linear weights (no bias), one per power j in p; stored as [in_dim, out_dim]
    scale = 1.0 / np.sqrt(D)
    W0 = jax.random.uniform(k3, (D, OUT), dtype=jnp.float32, minval=-scale, maxval=scale)
    W1 = jax.random.uniform(k4, (D, OUT), dtype=jnp.float32, minval=-scale, maxval=scale)
    W2 = jax.random.uniform(k5, (D, OUT), dtype=jnp.float32, minval=-scale, maxval=scale)
    return {"feats": feats, "edge_index": edge_index, "W0": W0, "W1": W1, "W2": W2}


def reference(feats, edge_index, W0, W1, W2):
    src = edge_index[0]
    dst = edge_index[1]
    # in-degrees with self-loop-free graph; clamp(min=1)
    degs = jnp.maximum(jnp.bincount(dst, length=N).astype(jnp.float32), 1.0)
    norm = jnp.power(degs, -0.5)[:, None]
    weights = {0: W0, 1: W1, 2: W2}
    max_j = max(P) + 1
    outputs = []
    h = feats
    for j in range(max_j):
        if j in P:
            outputs.append(h @ weights[j])
        # symmetric normalization + copy_u/sum message passing
        h = h * norm
        h = jax.ops.segment_sum(h[src], dst, num_segments=N)
        h = h * norm
    final = jnp.concatenate(outputs, axis=1)
    # batchnorm=False, activation=None, dropout=0 -> identity
    return final

if __name__ == "__main__":
    import jax
    _d = setup_inputs()
    print(jax.jit(kernel)(*tuple(_d.values())))

</pallas_src>

<mosaic_0001>
#map = affine_map<(d0, d1) -> (0, 0)>
#map1 = affine_map<(d0, d1) -> (0)>
#map2 = affine_map<(d0, d1) -> (0, 0, 0)>
module attributes {stable_mosaic.version = 14 : i64} {
  func.func @body(%arg0: i32, %arg1: i32, %arg2: memref<10240x128xf32, #tpu.memory_space<hbm>>, %arg3: memref<323584xi32, #tpu.memory_space<hbm>>, %arg4: memref<323584xi32, #tpu.memory_space<hbm>>, %arg5: memref<128x128xf32, #tpu.memory_space<hbm>>, %arg6: memref<2x10240x128xf32, #tpu.memory_space<hbm>>, %arg7: memref<128xi32, #tpu.memory_space<vmem>>, %arg8: memref<2x128xi32, #tpu.memory_space<vmem>>, %arg9: memref<2x128x128xf32, #tpu.memory_space<vmem>>, %arg10: memref<10240x128xf32, #tpu.memory_space<vmem_shared>>, %arg11: memref<!tpu.dma_semaphore, #tpu.memory_space<semaphore_mem>>, %arg12: memref<!tpu.dma_semaphore, #tpu.memory_space<semaphore_mem>>, %arg13: memref<!tpu.dma_semaphore, #tpu.memory_space<semaphore_mem>>) attributes {dimension_semantics = [#tpu.dimension_semantics<core_parallel>, #tpu.dimension_semantics<subcore_parallel>], iteration_bounds = array<i64: 2, 16>, scalar_prefetch = 0 : i64, scratch_operands = 7 : i64, tpu.core_type = #tpu.core_type<sc_vector_subcore>, window_params = [{transform_indices = #map}, {transform_indices = #map1}, {transform_indices = #map1}, {transform_indices = #map}, {transform_indices = #map2}]} {
    %run_scoped3A = arith.constant 0 : i32
    "tpu.region"() ({
      %run_scoped3A_175 = tpu.sem_alloc : memref<!tpu.dma_semaphore, #tpu.memory_space<semaphore_mem>>
      %dma_start3A_176 = arith.constant 0 : i32
      %dma_start3A_177 = arith.constant 0 : i32
      %dma_start3A_178 = tpu.memref_slice %arg9[%run_scoped3A, %dma_start3A_176, %dma_start3A_177] : memref<2x128x128xf32, #tpu.memory_space<vmem>> -> memref<1x128x128xf32, #tpu.memory_space<vmem>>
      %dma_start3A_179 = tpu.memref_squeeze %dma_start3A_178 : memref<1x128x128xf32, #tpu.memory_space<vmem>> -> memref<128x128xf32, #tpu.memory_space<vmem>>
      %dma_start3A_180 = arith.constant 0 : i32
      %dma_start3A_181 = arith.constant 0 : i32
      %dma_start3A_182 = tpu.memref_slice %arg9[%run_scoped3A, %dma_start3A_180, %dma_start3A_181] : memref<2x128x128xf32, #tpu.memory_space<vmem>> -> memref<1x128x128xf32, #tpu.memory_space<vmem>>
      %dma_start3A_183 = tpu.memref_squeeze %dma_start3A_182 : memref<1x128x128xf32, #tpu.memory_space<vmem>> -> memref<128x128xf32, #tpu.memory_space<vmem>>
      tpu.enqueue_dma source(%arg5 : memref<128x128xf32, #tpu.memory_space<hbm>>) target(%dma_start3A_183 : memref<128x128xf32, #tpu.memory_space<vmem>>) target_semaphore(%run_scoped3A_175 : memref<!tpu.dma_semaphore, #tpu.memory_space<semaphore_mem>>)
      %dma_wait3A_184 = arith.constant 0 : i32
      %dma_wait3A_185 = arith.constant 0 : i32
      %dma_wait3A_186 = tpu.memref_slice %arg9[%run_scoped3A, %dma_wait3A_184, %dma_wait3A_185] : memref<2x128x128xf32, #tpu.memory_space<vmem>> -> memref<1x128x128xf32, #tpu.memory_space<vmem>>
      %dma_wait3A_187 = tpu.memref_squeeze %dma_wait3A_186 : memref<1x128x128xf32, #tpu.memory_space<vmem>> -> memref<128x128xf32, #tpu.memory_space<vmem>>
      %dma_wait3A_188 = arith.constant 0 : i32
      %dma_wait3A_189 = arith.constant 0 : i32
      %dma_wait3A_190 = tpu.memref_slice %arg9[%run_scoped3A, %dma_wait3A_188, %dma_wait3A_189] : memref<2x128x128xf32, #tpu.memory_space<vmem>> -> memref<1x128x128xf32, #tpu.memory_space<vmem>>
      %dma_wait3A_191 = tpu.memref_squeeze %dma_wait3A_190 : memref<1x128x128xf32, #tpu.memory_space<vmem>> -> memref<128x128xf32, #tpu.memory_space<vmem>>
      tpu.wait_dma2 semaphore(%run_scoped3A_175 : memref<!tpu.dma_semaphore, #tpu.memory_space<semaphore_mem>>) src(%arg5 : memref<128x128xf32, #tpu.memory_space<hbm>>) dst(%dma_wait3A_191 : memref<128x128xf32, #tpu.memory_space<vmem>>)
      tpu.yield
    }) : () -> ()
    %mul3A = arith.constant 5 : i32
    %mul3A_0 = arith.muli %arg1, %mul3A : i32
    %add3A = arith.constant 0 : i32
    %add3A_1 = arith.addi %mul3A_0, %add3A : i32
    %mul3A_2 = arith.constant 128 : i32
    %mul3A_3 = arith.muli %add3A_1, %mul3A_2 : i32
    %run_scoped3A_4 = arith.constant 0 : i32
    "tpu.region"() ({
      %run_scoped3A_175 = tpu.sem_alloc : memref<!tpu.dma_semaphore, #tpu.memory_space<semaphore_mem>>
      %dma_start3A_176 = arith.constant 0 : i32
      %dma_start3A_177 = arith.constant 0 : i32
      %dma_start3A_178 = tpu.memref_slice %arg9[%run_scoped3A_4, %dma_start3A_176, %dma_start3A_177] : memref<2x128x128xf32, #tpu.memory_space<vmem>> -> memref<1x128x128xf32, #tpu.memory_space<vmem>>
      %dma_start3A_179 = tpu.memref_squeeze %dma_start3A_178 : memref<1x128x128xf32, #tpu.memory_space<vmem>> -> memref<128x128xf32, #tpu.memory_space<vmem>>
      %dma_start3A_180 = arith.constant 0 : i32
      %dma_start3A_181 = tpu.memref_slice %arg10[%mul3A_3, %dma_start3A_180] : memref<10240x128xf32, #tpu.memory_space<vmem_shared>> -> memref<128x128xf32, #tpu.memory_space<vmem_shared>>
      %dma_start3A_182 = arith.constant 0 : i32
      %dma_start3A_183 = tpu.memref_slice %arg10[%mul3A_3, %dma_start3A_182] : memref<10240x128xf32, #tpu.memory_space<vmem_shared>> -> memref<128x128xf32, #tpu.memory_space<vmem_shared>>
      %dma_start3A_184 = arith.constant 0 : i32
      %dma_start3A_185 = arith.constant 0 : i32
      %dma_start3A_186 = tpu.memref_slice %arg9[%run_scoped3A_4, %dma_start3A_184, %dma_start3A_185] : memref<2x128x128xf32, #tpu.memory_space<vmem>> -> memref<1x128x128xf32, #tpu.memory_space<vmem>>
      %dma_start3A_187 = tpu.memref_squeeze %dma_start3A_186 : memref<1x128x128xf32, #tpu.memory_space<vmem>> -> memref<128x128xf32, #tpu.memory_space<vmem>>
      tpu.enqueue_dma source(%dma_start3A_187 : memref<128x128xf32, #tpu.memory_space<vmem>>) target(%dma_start3A_183 : memref<128x128xf32, #tpu.memory_space<vmem_shared>>) target_semaphore(%run_scoped3A_175 : memref<!tpu.dma_semaphore, #tpu.memory_space<semaphore_mem>>)
      %dma_wait3A_188 = arith.constant 0 : i32
      %dma_wait3A_189 = arith.constant 0 : i32
      %dma_wait3A_190 = tpu.memref_slice %arg9[%run_scoped3A_4, %dma_wait3A_188, %dma_wait3A_189] : memref<2x128x128xf32, #tpu.memory_space<vmem>> -> memref<1x128x128xf32, #tpu.memory_space<vmem>>
      %dma_wait3A_191 = tpu.memref_squeeze %dma_wait3A_190 : memref<1x128x128xf32, #tpu.memory_space<vmem>> -> memref<128x128xf32, #tpu.memory_space<vmem>>
      %dma_wait3A_192 = arith.constant 0 : i32
      %dma_wait3A_193 = tpu.memref_slice %arg10[%mul3A_3, %dma_wait3A_192] : memref<10240x128xf32, #tpu.memory_space<vmem_shared>> -> memref<128x128xf32, #tpu.memory_space<vmem_shared>>
      %dma_wait3A_194 = arith.constant 0 : i32
      %dma_wait3A_195 = tpu.memref_slice %arg10[%mul3A_3, %dma_wait3A_194] : memref<10240x128xf32, #tpu.memory_space<vmem_shared>> -> memref<128x128xf32, #tpu.memory_space<vmem_shared>>
      %dma_wait3A_196 = arith.constant 0 : i32
      %dma_wait3A_197 = arith.constant 0 : i32
      %dma_wait3A_198 = tpu.memref_slice %arg9[%run_scoped3A_4, %dma_wait3A_196, %dma_wait3A_197] : memref<2x128x128xf32, #tpu.memory_space<vmem>> -> memref<1x128x128xf32, #tpu.memory_space<vmem>>
      %dma_wait3A_199 = tpu.memref_squeeze %dma_wait3A_198 : memref<1x128x128xf32, #tpu.memory_space<vmem>> -> memref<128x128xf32, #tpu.memory_space<vmem>>
      tpu.wait_dma2 semaphore(%run_scoped3A_175 : memref<!tpu.dma_semaphore, #tpu.memory_space<semaphore_mem>>) src(%dma_wait3A_199 : memref<128x128xf32, #tpu.memory_space<vmem>>) dst(%dma_wait3A_195 : memref<128x128xf32, #tpu.memory_space<vmem_shared>>)
      tpu.yield
    }) : () -> ()
    %mul3A_5 = arith.constant 5 : i32
    %mul3A_6 = arith.muli %arg1, %mul3A_5 : i32
    %add3A_7 = arith.constant 1 : i32
    %add3A_8 = arith.addi %mul3A_6, %add3A_7 : i32
    %mul3A_9 = arith.constant 128 : i32
    %mul3A_10 = arith.muli %add3A_8, %mul3A_9 : i32
    %run_scoped3A_11 = arith.constant 0 : i32
    "tpu.region"() ({
      %run_scoped3A_175 = tpu.sem_alloc : memref<!tpu.dma_semaphore, #tpu.memory_space<semaphore_mem>>
      %dma_start3A_176 = arith.constant 0 : i32
      %dma_start3A_177 = arith.constant 0 : i32
      %dma_start3A_178 = tpu.memref_slice %arg9[%run_scoped3A_11, %dma_start3A_176, %dma_start3A_177] : memref<2x128x128xf32, #tpu.memory_space<vmem>> -> memref<1x128x128xf32, #tpu.memory_space<vmem>>
      %dma_start3A_179 = tpu.memref_squeeze %dma_start3A_178 : memref<1x128x128xf32, #tpu.memory_space<vmem>> -> memref<128x128xf32, #tpu.memory_space<vmem>>
      %dma_start3A_180 = arith.constant 0 : i32
      %dma_start3A_181 = tpu.memref_slice %arg10[%mul3A_10, %dma_start3A_180] : memref<10240x128xf32, #tpu.memory_space<vmem_shared>> -> memref<128x128xf32, #tpu.memory_space<vmem_shared>>
      %dma_start3A_182 = arith.constant 0 : i32
      %dma_start3A_183 = tpu.memref_slice %arg10[%mul3A_10, %dma_start3A_182] : memref<10240x128xf32, #tpu.memory_space<vmem_shared>> -> memref<128x128xf32, #tpu.memory_space<vmem_shared>>
      %dma_start3A_184 = arith.constant 0 : i32
      %dma_start3A_185 = arith.constant 0 : i32
      %dma_start3A_186 = tpu.memref_slice %arg9[%run_scoped3A_11, %dma_start3A_184, %dma_start3A_185] : memref<2x128x128xf32, #tpu.memory_space<vmem>> -> memref<1x128x128xf32, #tpu.memory_space<vmem>>
      %dma_start3A_187 = tpu.memref_squeeze %dma_start3A_186 : memref<1x128x128xf32, #tpu.memory_space<vmem>> -> memref<128x128xf32, #tpu.memory_space<vmem>>
      tpu.enqueue_dma source(%dma_start3A_187 : memref<128x128xf32, #tpu.memory_space<vmem>>) target(%dma_start3A_183 : memref<128x128xf32, #tpu.memory_space<vmem_shared>>) target_semaphore(%run_scoped3A_175 : memref<!tpu.dma_semaphore, #tpu.memory_space<semaphore_mem>>)
      %dma_wait3A_188 = arith.constant 0 : i32
      %dma_wait3A_189 = arith.constant 0 : i32
      %dma_wait3A_190 = tpu.memref_slice %arg9[%run_scoped3A_11, %dma_wait3A_188, %dma_wait3A_189] : memref<2x128x128xf32, #tpu.memory_space<vmem>> -> memref<1x128x128xf32, #tpu.memory_space<vmem>>
      %dma_wait3A_191 = tpu.memref_squeeze %dma_wait3A_190 : memref<1x128x128xf32, #tpu.memory_space<vmem>> -> memref<128x128xf32, #tpu.memory_space<vmem>>
      %dma_wait3A_192 = arith.constant 0 : i32
      %dma_wait3A_193 = tpu.memref_slice %arg10[%mul3A_10, %dma_wait3A_192] : memref<10240x128xf32, #tpu.memory_space<vmem_shared>> -> memref<128x128xf32, #tpu.memory_space<vmem_shared>>
      %dma_wait3A_194 = arith.constant 0 : i32
      %dma_wait3A_195 = tpu.memref_slice %arg10[%mul3A_10, %dma_wait3A_194] : memref<10240x128xf32, #tpu.memory_space<vmem_shared>> -> memref<128x128xf32, #tpu.memory_space<vmem_shared>>
      %dma_wait3A_196 = arith.constant 0 : i32
      %dma_wait3A_197 = arith.constant 0 : i32
      %dma_wait3A_198 = tpu.memref_slice %arg9[%run_scoped3A_11, %dma_wait3A_196, %dma_wait3A_197] : memref<2x128x128xf32, #tpu.memory_space<vmem>> -> memref<1x128x128xf32, #tpu.memory_space<vmem>>
      %dma_wait3A_199 = tpu.memref_squeeze %dma_wait3A_198 : memref<1x128x128xf32, #tpu.memory_space<vmem>> -> memref<128x128xf32, #tpu.memory_space<vmem>>
      tpu.wait_dma2 semaphore(%run_scoped3A_175 : memref<!tpu.dma_semaphore, #tpu.memory_space<semaphore_mem>>) src(%dma_wait3A_199 : memref<128x128xf32, #tpu.memory_space<vmem>>) dst(%dma_wait3A_195 : memref<128x128xf32, #tpu.memory_space<vmem_shared>>)
      tpu.yield
    }) : () -> ()
    %mul3A_12 = arith.constant 5 : i32
    %mul3A_13 = arith.muli %arg1, %mul3A_12 : i32
    %add3A_14 = arith.constant 2 : i32
    %add3A_15 = arith.addi %mul3A_13, %add3A_14 : i32
    %mul3A_16 = arith.constant 128 : i32
    %mul3A_17 = arith.muli %add3A_15, %mul3A_16 : i32
    %run_scoped3A_18 = arith.constant 0 : i32
    "tpu.region"() ({
      %run_scoped3A_175 = tpu.sem_alloc : memref<!tpu.dma_semaphore, #tpu.memory_space<semaphore_mem>>
      %dma_start3A_176 = arith.constant 0 : i32
      %dma_start3A_177 = arith.constant 0 : i32
      %dma_start3A_178 = tpu.memref_slice %arg9[%run_scoped3A_18, %dma_start3A_176, %dma_start3A_177] : memref<2x128x128xf32, #tpu.memory_space<vmem>> -> memref<1x128x128xf32, #tpu.memory_space<vmem>>
      %dma_start3A_179 = tpu.memref_squeeze %dma_start3A_178 : memref<1x128x128xf32, #tpu.memory_space<vmem>> -> memref<128x128xf32, #tpu.memory_space<vmem>>
      %dma_start3A_180 = arith.constant 0 : i32
      %dma_start3A_181 = tpu.memref_slice %arg10[%mul3A_17, %dma_start3A_180] : memref<10240x128xf32, #tpu.memory_space<vmem_shared>> -> memref<128x128xf32, #tpu.memory_space<vmem_shared>>
      %dma_start3A_182 = arith.constant 0 : i32
      %dma_start3A_183 = tpu.memref_slice %arg10[%mul3A_17, %dma_start3A_182] : memref<10240x128xf32, #tpu.memory_space<vmem_shared>> -> memref<128x128xf32, #tpu.memory_space<vmem_shared>>
      %dma_start3A_184 = arith.constant 0 : i32
      %dma_start3A_185 = arith.constant 0 : i32
      %dma_start3A_186 = tpu.memref_slice %arg9[%run_scoped3A_18, %dma_start3A_184, %dma_start3A_185] : memref<2x128x128xf32, #tpu.memory_space<vmem>> -> memref<1x128x128xf32, #tpu.memory_space<vmem>>
      %dma_start3A_187 = tpu.memref_squeeze %dma_start3A_186 : memref<1x128x128xf32, #tpu.memory_space<vmem>> -> memref<128x128xf32, #tpu.memory_space<vmem>>
      tpu.enqueue_dma source(%dma_start3A_187 : memref<128x128xf32, #tpu.memory_space<vmem>>) target(%dma_start3A_183 : memref<128x128xf32, #tpu.memory_space<vmem_shared>>) target_semaphore(%run_scoped3A_175 : memref<!tpu.dma_semaphore, #tpu.memory_space<semaphore_mem>>)
      %dma_wait3A_188 = arith.constant 0 : i32
      %dma_wait3A_189 = arith.constant 0 : i32
      %dma_wait3A_190 = tpu.memref_slice %arg9[%run_scoped3A_18, %dma_wait3A_188, %dma_wait3A_189] : memref<2x128x128xf32, #tpu.memory_space<vmem>> -> memref<1x128x128xf32, #tpu.memory_space<vmem>>
      %dma_wait3A_191 = tpu.memref_squeeze %dma_wait3A_190 : memref<1x128x128xf32, #tpu.memory_space<vmem>> -> memref<128x128xf32, #tpu.memory_space<vmem>>
      %dma_wait3A_192 = arith.constant 0 : i32
      %dma_wait3A_193 = tpu.memref_slice %arg10[%mul3A_17, %dma_wait3A_192] : memref<10240x128xf32, #tpu.memory_space<vmem_shared>> -> memref<128x128xf32, #tpu.memory_space<vmem_shared>>
      %dma_wait3A_194 = arith.constant 0 : i32
      %dma_wait3A_195 = tpu.memref_slice %arg10[%mul3A_17, %dma_wait3A_194] : memref<10240x128xf32, #tpu.memory_space<vmem_shared>> -> memref<128x128xf32, #tpu.memory_space<vmem_shared>>
      %dma_wait3A_196 = arith.constant 0 : i32
      %dma_wait3A_197 = arith.constant 0 : i32
      %dma_wait3A_198 = tpu.memref_slice %arg9[%run_scoped3A_18, %dma_wait3A_196, %dma_wait3A_197] : memref<2x128x128xf32, #tpu.memory_space<vmem>> -> memref<1x128x128xf32, #tpu.memory_space<vmem>>
      %dma_wait3A_199 = tpu.memref_squeeze %dma_wait3A_198 : memref<1x128x128xf32, #tpu.memory_space<vmem>> -> memref<128x128xf32, #tpu.memory_space<vmem>>
      tpu.wait_dma2 semaphore(%run_scoped3A_175 : memref<!tpu.dma_semaphore, #tpu.memory_space<semaphore_mem>>) src(%dma_wait3A_199 : memref<128x128xf32, #tpu.memory_space<vmem>>) dst(%dma_wait3A_195 : memref<128x128xf32, #tpu.memory_space<vmem_shared>>)
      tpu.yield
    }) : () -> ()
    %mul3A_19 = arith.constant 5 : i32
    %mul3A_20 = arith.muli %arg1, %mul3A_19 : i32
    %add3A_21 = arith.constant 3 : i32
    %add3A_22 = arith.addi %mul3A_20, %add3A_21 : i32
    %mul3A_23 = arith.constant 128 : i32
    %mul3A_24 = arith.muli %add3A_22, %mul3A_23 : i32
    %run_scoped3A_25 = arith.constant 0 : i32
    "tpu.region"() ({
      %run_scoped3A_175 = tpu.sem_alloc : memref<!tpu.dma_semaphore, #tpu.memory_space<semaphore_mem>>
      %dma_start3A_176 = arith.constant 0 : i32
      %dma_start3A_177 = arith.constant 0 : i32
      %dma_start3A_178 = tpu.memref_slice %arg9[%run_scoped3A_25, %dma_start3A_176, %dma_start3A_177] : memref<2x128x128xf32, #tpu.memory_space<vmem>> -> memref<1x128x128xf32, #tpu.memory_space<vmem>>
      %dma_start3A_179 = tpu.memref_squeeze %dma_start3A_178 : memref<1x128x128xf32, #tpu.memory_space<vmem>> -> memref<128x128xf32, #tpu.memory_space<vmem>>
      %dma_start3A_180 = arith.constant 0 : i32
      %dma_start3A_181 = tpu.memref_slice %arg10[%mul3A_24, %dma_start3A_180] : memref<10240x128xf32, #tpu.memory_space<vmem_shared>> -> memref<128x128xf32, #tpu.memory_space<vmem_shared>>
      %dma_start3A_182 = arith.constant 0 : i32
      %dma_start3A_183 = tpu.memref_slice %arg10[%mul3A_24, %dma_start3A_182] : memref<10240x128xf32, #tpu.memory_space<vmem_shared>> -> memref<128x128xf32, #tpu.memory_space<vmem_shared>>
      %dma_start3A_184 = arith.constant 0 : i32
      %dma_start3A_185 = arith.constant 0 : i32
      %dma_start3A_186 = tpu.memref_slice %arg9[%run_scoped3A_25, %dma_start3A_184, %dma_start3A_185] : memref<2x128x128xf32, #tpu.memory_space<vmem>> -> memref<1x128x128xf32, #tpu.memory_space<vmem>>
      %dma_start3A_187 = tpu.memref_squeeze %dma_start3A_186 : memref<1x128x128xf32, #tpu.memory_space<vmem>> -> memref<128x128xf32, #tpu.memory_space<vmem>>
      tpu.enqueue_dma source(%dma_start3A_187 : memref<128x128xf32, #tpu.memory_space<vmem>>) target(%dma_start3A_183 : memref<128x128xf32, #tpu.memory_space<vmem_shared>>) target_semaphore(%run_scoped3A_175 : memref<!tpu.dma_semaphore, #tpu.memory_space<semaphore_mem>>)
      %dma_wait3A_188 = arith.constant 0 : i32
      %dma_wait3A_189 = arith.constant 0 : i32
      %dma_wait3A_190 = tpu.memref_slice %arg9[%run_scoped3A_25, %dma_wait3A_188, %dma_wait3A_189] : memref<2x128x128xf32, #tpu.memory_space<vmem>> -> memref<1x128x128xf32, #tpu.memory_space<vmem>>
      %dma_wait3A_191 = tpu.memref_squeeze %dma_wait3A_190 : memref<1x128x128xf32, #tpu.memory_space<vmem>> -> memref<128x128xf32, #tpu.memory_space<vmem>>
      %dma_wait3A_192 = arith.constant 0 : i32
      %dma_wait3A_193 = tpu.memref_slice %arg10[%mul3A_24, %dma_wait3A_192] : memref<10240x128xf32, #tpu.memory_space<vmem_shared>> -> memref<128x128xf32, #tpu.memory_space<vmem_shared>>
      %dma_wait3A_194 = arith.constant 0 : i32
      %dma_wait3A_195 = tpu.memref_slice %arg10[%mul3A_24, %dma_wait3A_194] : memref<10240x128xf32, #tpu.memory_space<vmem_shared>> -> memref<128x128xf32, #tpu.memory_space<vmem_shared>>
      %dma_wait3A_196 = arith.constant 0 : i32
      %dma_wait3A_197 = arith.constant 0 : i32
      %dma_wait3A_198 = tpu.memref_slice %arg9[%run_scoped3A_25, %dma_wait3A_196, %dma_wait3A_197] : memref<2x128x128xf32, #tpu.memory_space<vmem>> -> memref<1x128x128xf32, #tpu.memory_space<vmem>>
      %dma_wait3A_199 = tpu.memref_squeeze %dma_wait3A_198 : memref<1x128x128xf32, #tpu.memory_space<vmem>> -> memref<128x128xf32, #tpu.memory_space<vmem>>
      tpu.wait_dma2 semaphore(%run_scoped3A_175 : memref<!tpu.dma_semaphore, #tpu.memory_space<semaphore_mem>>) src(%dma_wait3A_199 : memref<128x128xf32, #tpu.memory_space<vmem>>) dst(%dma_wait3A_195 : memref<128x128xf32, #tpu.memory_space<vmem_shared>>)
      tpu.yield
    }) : () -> ()
    %mul3A_26 = arith.constant 5 : i32
    %mul3A_27 = arith.muli %arg1, %mul3A_26 : i32
    %add3A_28 = arith.constant 4 : i32
    %add3A_29 = arith.addi %mul3A_27, %add3A_28 : i32
    %mul3A_30 = arith.constant 128 : i32
    %mul3A_31 = arith.muli %add3A_29, %mul3A_30 : i32
    %run_scoped3A_32 = arith.constant 0 : i32
    "tpu.region"() ({
      %run_scoped3A_175 = tpu.sem_alloc : memref<!tpu.dma_semaphore, #tpu.memory_space<semaphore_mem>>
      %dma_start3A_176 = arith.constant 0 : i32
      %dma_start3A_177 = arith.constant 0 : i32
      %dma_start3A_178 = tpu.memref_slice %arg9[%run_scoped3A_32, %dma_start3A_176, %dma_start3A_177] : memref<2x128x128xf32, #tpu.memory_space<vmem>> -> memref<1x128x128xf32, #tpu.memory_space<vmem>>
      %dma_start3A_179 = tpu.memref_squeeze %dma_start3A_178 : memref<1x128x128xf32, #tpu.memory_space<vmem>> -> memref<128x128xf32, #tpu.memory_space<vmem>>
      %dma_start3A_180 = arith.constant 0 : i32
      %dma_start3A_181 = tpu.memref_slice %arg10[%mul3A_31, %dma_start3A_180] : memref<10240x128xf32, #tpu.memory_space<vmem_shared>> -> memref<128x128xf32, #tpu.memory_space<vmem_shared>>
      %dma_start3A_182 = arith.constant 0 : i32
      %dma_start3A_183 = tpu.memref_slice %arg10[%mul3A_31, %dma_start3A_182] : memref<10240x128xf32, #tpu.memory_space<vmem_shared>> -> memref<128x128xf32, #tpu.memory_space<vmem_shared>>
      %dma_start3A_184 = arith.constant 0 : i32
      %dma_start3A_185 = arith.constant 0 : i32
      %dma_start3A_186 = tpu.memref_slice %arg9[%run_scoped3A_32, %dma_start3A_184, %dma_start3A_185] : memref<2x128x128xf32, #tpu.memory_space<vmem>> -> memref<1x128x128xf32, #tpu.memory_space<vmem>>
      %dma_start3A_187 = tpu.memref_squeeze %dma_start3A_186 : memref<1x128x128xf32, #tpu.memory_space<vmem>> -> memref<128x128xf32, #tpu.memory_space<vmem>>
      tpu.enqueue_dma source(%dma_start3A_187 : memref<128x128xf32, #tpu.memory_space<vmem>>) target(%dma_start3A_183 : memref<128x128xf32, #tpu.memory_space<vmem_shared>>) target_semaphore(%run_scoped3A_175 : memref<!tpu.dma_semaphore, #tpu.memory_space<semaphore_mem>>)
      %dma_wait3A_188 = arith.constant 0 : i32
      %dma_wait3A_189 = arith.constant 0 : i32
      %dma_wait3A_190 = tpu.memref_slice %arg9[%run_scoped3A_32, %dma_wait3A_188, %dma_wait3A_189] : memref<2x128x128xf32, #tpu.memory_space<vmem>> -> memref<1x128x128xf32, #tpu.memory_space<vmem>>
      %dma_wait3A_191 = tpu.memref_squeeze %dma_wait3A_190 : memref<1x128x128xf32, #tpu.memory_space<vmem>> -> memref<128x128xf32, #tpu.memory_space<vmem>>
      %dma_wait3A_192 = arith.constant 0 : i32
      %dma_wait3A_193 = tpu.memref_slice %arg10[%mul3A_31, %dma_wait3A_192] : memref<10240x128xf32, #tpu.memory_space<vmem_shared>> -> memref<128x128xf32, #tpu.memory_space<vmem_shared>>
      %dma_wait3A_194 = arith.constant 0 : i32
      %dma_wait3A_195 = tpu.memref_slice %arg10[%mul3A_31, %dma_wait3A_194] : memref<10240x128xf32, #tpu.memory_space<vmem_shared>> -> memref<128x128xf32, #tpu.memory_space<vmem_shared>>
      %dma_wait3A_196 = arith.constant 0 : i32
      %dma_wait3A_197 = arith.constant 0 : i32
      %dma_wait3A_198 = tpu.memref_slice %arg9[%run_scoped3A_32, %dma_wait3A_196, %dma_wait3A_197] : memref<2x128x128xf32, #tpu.memory_space<vmem>> -> memref<1x128x128xf32, #tpu.memory_space<vmem>>
      %dma_wait3A_199 = tpu.memref_squeeze %dma_wait3A_198 : memref<1x128x128xf32, #tpu.memory_space<vmem>> -> memref<128x128xf32, #tpu.memory_space<vmem>>
      tpu.wait_dma2 semaphore(%run_scoped3A_175 : memref<!tpu.dma_semaphore, #tpu.memory_space<semaphore_mem>>) src(%dma_wait3A_199 : memref<128x128xf32, #tpu.memory_space<vmem>>) dst(%dma_wait3A_195 : memref<128x128xf32, #tpu.memory_space<vmem_shared>>)
      tpu.yield
    }) : () -> ()
    %run_scoped3A_33 = arith.constant 1 : i32
    "tpu.region"() ({
      %run_scoped3A_175 = tpu.sem_alloc : memref<!tpu.dma_semaphore, #tpu.memory_space<semaphore_mem>>
      %dma_start3A_176 = arith.constant 0 : i32
      %dma_start3A_177 = arith.constant 0 : i32
      %dma_start3A_178 = tpu.memref_slice %arg9[%run_scoped3A_33, %dma_start3A_176, %dma_start3A_177] : memref<2x128x128xf32, #tpu.memory_space<vmem>> -> memref<1x128x128xf32, #tpu.memory_space<vmem>>
      %dma_start3A_179 = tpu.memref_squeeze %dma_start3A_178 : memref<1x128x128xf32, #tpu.memory_space<vmem>> -> memref<128x128xf32, #tpu.memory_space<vmem>>
      %dma_start3A_180 = arith.constant 0 : i32
      %dma_start3A_181 = arith.constant 0 : i32
      %dma_start3A_182 = tpu.memref_slice %arg9[%run_scoped3A_33, %dma_start3A_180, %dma_start3A_181] : memref<2x128x128xf32, #tpu.memory_space<vmem>> -> memref<1x128x128xf32, #tpu.memory_space<vmem>>
      %dma_start3A_183 = tpu.memref_squeeze %dma_start3A_182 : memref<1x128x128xf32, #tpu.memory_space<vmem>> -> memref<128x128xf32, #tpu.memory_space<vmem>>
      tpu.enqueue_dma source(%arg5 : memref<128x128xf32, #tpu.memory_space<hbm>>) target(%dma_start3A_183 : memref<128x128xf32, #tpu.memory_space<vmem>>) target_semaphore(%run_scoped3A_175 : memref<!tpu.dma_semaphore, #tpu.memory_space<semaphore_mem>>)
      %dma_wait3A_184 = arith.constant 0 : i32
      %dma_wait3A_185 = arith.constant 0 : i32
      %dma_wait3A_186 = tpu.memref_slice %arg9[%run_scoped3A_33, %dma_wait3A_184, %dma_wait3A_185] : memref<2x128x128xf32, #tpu.memory_space<vmem>> -> memref<1x128x128xf32, #tpu.memory_space<vmem>>
      %dma_wait3A_187 = tpu.memref_squeeze %dma_wait3A_186 : memref<1x128x128xf32, #tpu.memory_space<vmem>> -> memref<128x128xf32, #tpu.memory_space<vmem>>
      %dma_wait3A_188 = arith.constant 0 : i32
      %dma_wait3A_189 = arith.constant 0 : i32
      %dma_wait3A_190 = tpu.memref_slice %arg9[%run_scoped3A_33, %dma_wait3A_188, %dma_wait3A_189] : memref<2x128x128xf32, #tpu.memory_space<vmem>> -> memref<1x128x128xf32, #tpu.memory_space<vmem>>
      %dma_wait3A_191 = tpu.memref_squeeze %dma_wait3A_190 : memref<1x128x128xf32, #tpu.memory_space<vmem>> -> memref<128x128xf32, #tpu.memory_space<vmem>>
      tpu.wait_dma2 semaphore(%run_scoped3A_175 : memref<!tpu.dma_semaphore, #tpu.memory_space<semaphore_mem>>) src(%arg5 : memref<128x128xf32, #tpu.memory_space<hbm>>) dst(%dma_wait3A_191 : memref<128x128xf32, #tpu.memory_space<vmem>>)
      tpu.yield
    }) : () -> ()
    %barrier3A = arith.constant 0 : index
    tpu.barrier barrier_id(%barrier3A)
    %eq3A = arith.constant 0 : i32
    %eq3A_34 = arith.cmpi eq, %arg0, %eq3A : i32
    %jit3A = arith.constant 107 : i32
    %jit3A_35 = arith.constant 51 : i32
    %select_n3A = arith.select %eq3A_34, %jit3A, %jit3A_35 : i32
    %mul3A_36 = arith.constant 2 : i32
    %mul3A_37 = arith.muli %arg1, %mul3A_36 : i32
    %mul3A_38 = arith.constant 79 : i32
    %mul3A_39 = arith.muli %mul3A_37, %mul3A_38 : i32
    %eq3A_40 = arith.constant 0 : i32
    %eq3A_41 = arith.cmpi eq, %arg0, %eq3A_40 : i32
    %jit3A_42 = arith.constant 0 : i32
    %jit3A_43 = arith.constant 107 : i32
    %select_n3A_44 = arith.select %eq3A_41, %jit3A_42, %jit3A_43 : i32
    %add3A_45 = arith.addi %mul3A_39, %select_n3A_44 : i32
    %mul3A_46 = arith.constant 128 : i32
    %mul3A_47 = arith.muli %add3A_45, %mul3A_46 : i32
    %run_scoped3A_48 = arith.constant 0 : i32
    "tpu.region"() ({
      %run_scoped3A_175 = tpu.sem_alloc : memref<!tpu.dma_semaphore, #tpu.memory_space<semaphore_mem>>
      %dma_start3A_176 = arith.constant 0 : i32
      %dma_start3A_177 = tpu.memref_slice %arg8[%run_scoped3A_48, %dma_start3A_176] : memref<2x128xi32, #tpu.memory_space<vmem>> -> memref<1x128xi32, #tpu.memory_space<vmem>>
      %dma_start3A_178 = tpu.memref_squeeze %dma_start3A_177 : memref<1x128xi32, #tpu.memory_space<vmem>> -> memref<128xi32, #tpu.memory_space<vmem>>
      %dma_start3A_179 = tpu.memref_slice %arg4[%mul3A_47] : memref<323584xi32, #tpu.memory_space<hbm>> -> memref<128xi32, #tpu.memory_space<hbm>>
      %dma_start3A_180 = arith.constant 0 : i32
      %dma_start3A_181 = tpu.memref_slice %arg8[%run_scoped3A_48, %dma_start3A_180] : memref<2x128xi32, #tpu.memory_space<vmem>> -> memref<1x128xi32, #tpu.memory_space<vmem>>
      %dma_start3A_182 = tpu.memref_squeeze %dma_start3A_181 : memref<1x128xi32, #tpu.memory_space<vmem>> -> memref<128xi32, #tpu.memory_space<vmem>>
      %dma_start3A_183 = tpu.memref_slice %arg4[%mul3A_47] : memref<323584xi32, #tpu.memory_space<hbm>> -> memref<128xi32, #tpu.memory_space<hbm>>
      tpu.enqueue_dma source(%dma_start3A_183 : memref<128xi32, #tpu.memory_space<hbm>>) target(%dma_start3A_182 : memref<128xi32, #tpu.memory_space<vmem>>) target_semaphore(%run_scoped3A_175 : memref<!tpu.dma_semaphore, #tpu.memory_space<semaphore_mem>>)
      %dma_wait3A_184 = arith.constant 0 : i32
      %dma_wait3A_185 = tpu.memref_slice %arg8[%run_scoped3A_48, %dma_wait3A_184] : memref<2x128xi32, #tpu.memory_space<vmem>> -> memref<1x128xi32, #tpu.memory_space<vmem>>
      %dma_wait3A_186 = tpu.memref_squeeze %dma_wait3A_185 : memref<1x128xi32, #tpu.memory_space<vmem>> -> memref<128xi32, #tpu.memory_space<vmem>>
      %dma_wait3A_187 = tpu.memref_slice %arg4[%mul3A_47] : memref<323584xi32, #tpu.memory_space<hbm>> -> memref<128xi32, #tpu.memory_space<hbm>>
      %dma_wait3A_188 = arith.constant 0 : i32
      %dma_wait3A_189 = tpu.memref_slice %arg8[%run_scoped3A_48, %dma_wait3A_188] : memref<2x128xi32, #tpu.memory_space<vmem>> -> memref<1x128xi32, #tpu.memory_space<vmem>>
      %dma_wait3A_190 = tpu.memref_squeeze %dma_wait3A_189 : memref<1x128xi32, #tpu.memory_space<vmem>> -> memref<128xi32, #tpu.memory_space<vmem>>
      %dma_wait3A_191 = tpu.memref_slice %arg4[%mul3A_47] : memref<323584xi32, #tpu.memory_space<hbm>> -> memref<128xi32, #tpu.memory_space<hbm>>
      tpu.wait_dma2 semaphore(%run_scoped3A_175 : memref<!tpu.dma_semaphore, #tpu.memory_space<semaphore_mem>>) src(%dma_wait3A_191 : memref<128xi32, #tpu.memory_space<hbm>>) dst(%dma_wait3A_190 : memref<128xi32, #tpu.memory_space<vmem>>)
      tpu.yield
    }) : () -> ()
    %dma_start3A = arith.constant 0 : i32
    %dma_start3A_49 = arith.constant 0 : i32
    %dma_start3A_50 = arith.constant 0 : i32
    %dma_start3A_51 = arith.constant 0 : i32
    %dma_start3A_52 = tpu.memref_slice %arg9[%dma_start3A, %dma_start3A_50, %dma_start3A_51] : memref<2x128x128xf32, #tpu.memory_space<vmem>> -> memref<1x128x128xf32, #tpu.memory_space<vmem>>
    %dma_start3A_53 = tpu.memref_squeeze %dma_start3A_52 : memref<1x128x128xf32, #tpu.memory_space<vmem>> -> memref<128x128xf32, #tpu.memory_space<vmem>>
    %dma_start3A_54 = arith.constant 0 : i32
    %dma_start3A_55 = tpu.memref_slice %arg8[%dma_start3A_49, %dma_start3A_54] : memref<2x128xi32, #tpu.memory_space<vmem>> -> memref<1x128xi32, #tpu.memory_space<vmem>>
    %dma_start3A_56 = tpu.memref_squeeze %dma_start3A_55 : memref<1x128xi32, #tpu.memory_space<vmem>> -> memref<128xi32, #tpu.memory_space<vmem>>
    %dma_start3A_57 = arith.constant 0 : i32
    %dma_start3A_58 = arith.constant 0 : i32
    %dma_start3A_59 = tpu.memref_slice %arg10[%dma_start3A_57, %dma_start3A_58] : memref<10240x128xf32, #tpu.memory_space<vmem_shared>> -> memref<10240x128xf32, #tpu.memory_space<vmem_shared>>
    tpu.enqueue_indirect_dma source(%dma_start3A_53 : memref<128x128xf32, #tpu.memory_space<vmem>>) target(%dma_start3A_59 : memref<10240x128xf32, #tpu.memory_space<vmem_shared>>) offsets(%dma_start3A_56 : memref<128xi32, #tpu.memory_space<vmem>>) semaphore(%arg12 : memref<!tpu.dma_semaphore, #tpu.memory_space<semaphore_mem>>) {add = true}
    %dma_start3A_60 = arith.constant 1 : i32
    %dma_start3A_61 = arith.constant 0 : i32
    %dma_start3A_62 = arith.constant 0 : i32
    %dma_start3A_63 = arith.constant 0 : i32
    %dma_start3A_64 = tpu.memref_slice %arg9[%dma_start3A_60, %dma_start3A_62, %dma_start3A_63] : memref<2x128x128xf32, #tpu.memory_space<vmem>> -> memref<1x128x128xf32, #tpu.memory_space<vmem>>
    %dma_start3A_65 = tpu.memref_squeeze %dma_start3A_64 : memref<1x128x128xf32, #tpu.memory_space<vmem>> -> memref<128x128xf32, #tpu.memory_space<vmem>>
    %dma_start3A_66 = arith.constant 0 : i32
    %dma_start3A_67 = tpu.memref_slice %arg8[%dma_start3A_61, %dma_start3A_66] : memref<2x128xi32, #tpu.memory_space<vmem>> -> memref<1x128xi32, #tpu.memory_space<vmem>>
    %dma_start3A_68 = tpu.memref_squeeze %dma_start3A_67 : memref<1x128xi32, #tpu.memory_space<vmem>> -> memref<128xi32, #tpu.memory_space<vmem>>
    %dma_start3A_69 = arith.constant 0 : i32
    %dma_start3A_70 = arith.constant 0 : i32
    %dma_start3A_71 = tpu.memref_slice %arg10[%dma_start3A_69, %dma_start3A_70] : memref<10240x128xf32, #tpu.memory_space<vmem_shared>> -> memref<10240x128xf32, #tpu.memory_space<vmem_shared>>
    tpu.enqueue_indirect_dma source(%dma_start3A_65 : memref<128x128xf32, #tpu.memory_space<vmem>>) target(%dma_start3A_71 : memref<10240x128xf32, #tpu.memory_space<vmem_shared>>) offsets(%dma_start3A_68 : memref<128xi32, #tpu.memory_space<vmem>>) semaphore(%arg13 : memref<!tpu.dma_semaphore, #tpu.memory_space<semaphore_mem>>) {add = true}
    %sub3A = arith.constant 1 : i32
    %sub3A_72 = arith.subi %select_n3A, %sub3A : i32
    %jit3A_73 = arith.constant 2 : i32
    %div3A = arith.divsi %sub3A_72, %jit3A_73 : i32
    %sign3A = arith.constant 0 : i32
    %sign3A_74 = arith.cmpi sgt, %sub3A_72, %sign3A : i32
    %sign3A_75 = arith.extui %sign3A_74 : i1 to i32
    %sign3A_76 = arith.constant 0 : i32
    %sign3A_77 = arith.cmpi slt, %sub3A_72, %sign3A_76 : i32
    %sign3A_78 = arith.extui %sign3A_77 : i1 to i32
    %sign3A_79 = arith.subi %sign3A_75, %sign3A_78 : i32
    %sign3A_80 = arith.constant 0 : i32
    %sign3A_81 = arith.cmpi sgt, %jit3A_73, %sign3A_80 : i32
    %sign3A_82 = arith.extui %sign3A_81 : i1 to i32
    %sign3A_83 = arith.constant 0 : i32
    %sign3A_84 = arith.cmpi slt, %jit3A_73, %sign3A_83 : i32
    %sign3A_85 = arith.extui %sign3A_84 : i1 to i32
    %sign3A_86 = arith.subi %sign3A_82, %sign3A_85 : i32
    %ne3A = arith.cmpi ne, %sign3A_79, %sign3A_86 : i32
    %rem3A = arith.remsi %sub3A_72, %jit3A_73 : i32
    %ne3A_87 = arith.constant 0 : i32
    %ne3A_88 = arith.cmpi ne, %rem3A, %ne3A_87 : i32
    %and3A = arith.andi %ne3A, %ne3A_88 : i1
    %sub3A_89 = arith.constant 1 : i32
    %sub3A_90 = arith.subi %div3A, %sub3A_89 : i32
    %select_n3A_91 = arith.select %and3A, %sub3A_90, %div3A : i32
    %while3A = arith.constant 0 : i32
    %while3A_92 = arith.constant 0 : i32
    %while3A_93 = arith.subi %select_n3A_91, %while3A_92 : i32
    %while3A_94 = arith.addi %while3A_92, %while3A_93 : i32
    %while3A_95 = arith.constant 1 : i32
    %while3A_96 = arith.divsi %while3A_93, %while3A_95 : i32
    %while3A_97 = arith.muli %while3A_96, %while3A_95 : i32
    %while3A_98 = arith.addi %while3A_92, %while3A_97 : i32
    %while3A_99 = arith.constant 1 : i32
    scf.for %while3A_175 = %while3A_92 to %while3A_98 step %while3A_99  : i32 {
      %mul3A_176 = arith.constant 2 : i32
      %mul3A_177 = arith.muli %while3A_175, %mul3A_176 : i32
      %mul3A_178 = arith.constant 128 : i32
      %mul3A_179 = arith.muli %mul3A_177, %mul3A_178 : i32
      %add3A_180 = arith.addi %mul3A_47, %mul3A_179 : i32
      %dma_wait3A_181 = arith.constant 0 : i32
      %dma_wait3A_182 = arith.constant 0 : i32
      %dma_wait3A_183 = arith.constant 0 : i32
      %dma_wait3A_184 = arith.constant 0 : i32
      %dma_wait3A_185 = tpu.memref_slice %arg9[%dma_wait3A_181, %dma_wait3A_183, %dma_wait3A_184] : memref<2x128x128xf32, #tpu.memory_space<vmem>> -> memref<1x128x128xf32, #tpu.memory_space<vmem>>
      %dma_wait3A_186 = tpu.memref_squeeze %dma_wait3A_185 : memref<1x128x128xf32, #tpu.memory_space<vmem>> -> memref<128x128xf32, #tpu.memory_space<vmem>>
      %dma_wait3A_187 = arith.constant 0 : i32
      %dma_wait3A_188 = tpu.memref_slice %arg8[%dma_wait3A_182, %dma_wait3A_187] : memref<2x128xi32, #tpu.memory_space<vmem>> -> memref<1x128xi32, #tpu.memory_space<vmem>>
      %dma_wait3A_189 = tpu.memref_squeeze %dma_wait3A_188 : memref<1x128xi32, #tpu.memory_space<vmem>> -> memref<128xi32, #tpu.memory_space<vmem>>
      %dma_wait3A_190 = arith.constant 0 : i32
      %dma_wait3A_191 = arith.constant 0 : i32
      %dma_wait3A_192 = tpu.memref_slice %arg10[%dma_wait3A_190, %dma_wait3A_191] : memref<10240x128xf32, #tpu.memory_space<vmem_shared>> -> memref<10240x128xf32, #tpu.memory_space<vmem_shared>>
      tpu.wait_indirect_dma semaphore(%arg12 : memref<!tpu.dma_semaphore, #tpu.memory_space<semaphore_mem>>) src(%dma_wait3A_186 : memref<128x128xf32, #tpu.memory_space<vmem>>) dst(%dma_wait3A_192 : memref<10240x128xf32, #tpu.memory_space<vmem_shared>>)
      "tpu.region"() ({
        %run_scoped3A_270 = tpu.sem_alloc : memref<!tpu.dma_semaphore, #tpu.memory_space<semaphore_mem>>
        %dma_start3A_271 = tpu.memref_slice %arg3[%add3A_180] : memref<323584xi32, #tpu.memory_space<hbm>> -> memref<128xi32, #tpu.memory_space<hbm>>
        %dma_start3A_272 = tpu.memref_slice %arg3[%add3A_180] : memref<323584xi32, #tpu.memory_space<hbm>> -> memref<128xi32, #tpu.memory_space<hbm>>
        tpu.enqueue_dma source(%dma_start3A_272 : memref<128xi32, #tpu.memory_space<hbm>>) target(%arg7 : memref<128xi32, #tpu.memory_space<vmem>>) target_semaphore(%run_scoped3A_270 : memref<!tpu.dma_semaphore, #tpu.memory_space<semaphore_mem>>)
        %dma_wait3A_273 = tpu.memref_slice %arg3[%add3A_180] : memref<323584xi32, #tpu.memory_space<hbm>> -> memref<128xi32, #tpu.memory_space<hbm>>
        %dma_wait3A_274 = tpu.memref_slice %arg3[%add3A_180] : memref<323584xi32, #tpu.memory_space<hbm>> -> memref<128xi32, #tpu.memory_space<hbm>>
        tpu.wait_dma2 semaphore(%run_scoped3A_270 : memref<!tpu.dma_semaphore, #tpu.memory_space<semaphore_mem>>) src(%dma_wait3A_274 : memref<128xi32, #tpu.memory_space<hbm>>) dst(%arg7 : memref<128xi32, #tpu.memory_space<vmem>>)
        tpu.yield
      }) : () -> ()
      %dma_start3A_193 = arith.constant 0 : i32
      %dma_start3A_194 = arith.constant 0 : i32
      %dma_start3A_195 = arith.constant 0 : i32
      %dma_start3A_196 = tpu.memref_slice %arg9[%dma_start3A_193, %dma_start3A_194, %dma_start3A_195] : memref<2x128x128xf32, #tpu.memory_space<vmem>> -> memref<1x128x128xf32, #tpu.memory_space<vmem>>
      %dma_start3A_197 = tpu.memref_squeeze %dma_start3A_196 : memref<1x128x128xf32, #tpu.memory_space<vmem>> -> memref<128x128xf32, #tpu.memory_space<vmem>>
      %dma_start3A_198 = arith.constant 0 : i32
      %dma_start3A_199 = arith.constant 0 : i32
      %dma_start3A_200 = tpu.memref_slice %arg2[%dma_start3A_198, %dma_start3A_199] : memref<10240x128xf32, #tpu.memory_space<hbm>> -> memref<10240x128xf32, #tpu.memory_space<hbm>>
      tpu.enqueue_indirect_dma source(%dma_start3A_200 : memref<10240x128xf32, #tpu.memory_space<hbm>>) target(%dma_start3A_197 : memref<128x128xf32, #tpu.memory_space<vmem>>) offsets(%arg7 : memref<128xi32, #tpu.memory_space<vmem>>) semaphore(%arg11 : memref<!tpu.dma_semaphore, #tpu.memory_space<semaphore_mem>>)
      %dma_wait3A_201 = arith.constant 0 : i32
      %dma_wait3A_202 = arith.constant 0 : i32
      %dma_wait3A_203 = arith.constant 0 : i32
      %dma_wait3A_204 = tpu.memref_slice %arg9[%dma_wait3A_201, %dma_wait3A_202, %dma_wait3A_203] : memref<2x128x128xf32, #tpu.memory_space<vmem>> -> memref<1x128x128xf32, #tpu.memory_space<vmem>>
      %dma_wait3A_205 = tpu.memref_squeeze %dma_wait3A_204 : memref<1x128x128xf32, #tpu.memory_space<vmem>> -> memref<128x128xf32, #tpu.memory_space<vmem>>
      %dma_wait3A_206 = arith.constant 0 : i32
      %dma_wait3A_207 = arith.constant 0 : i32
      %dma_wait3A_208 = tpu.memref_slice %arg2[%dma_wait3A_206, %dma_wait3A_207] : memref<10240x128xf32, #tpu.memory_space<hbm>> -> memref<10240x128xf32, #tpu.memory_space<hbm>>
      tpu.wait_indirect_dma semaphore(%arg11 : memref<!tpu.dma_semaphore, #tpu.memory_space<semaphore_mem>>) src(%dma_wait3A_208 : memref<10240x128xf32, #tpu.memory_space<hbm>>) dst(%dma_wait3A_205 : memref<128x128xf32, #tpu.memory_space<vmem>>)
      %run_scoped3A_209 = arith.constant 0 : i32
      "tpu.region"() ({
        %run_scoped3A_270 = tpu.sem_alloc : memref<!tpu.dma_semaphore, #tpu.memory_space<semaphore_mem>>
        %dma_start3A_271 = arith.constant 0 : i32
        %dma_start3A_272 = tpu.memref_slice %arg8[%run_scoped3A_209, %dma_start3A_271] : memref<2x128xi32, #tpu.memory_space<vmem>> -> memref<1x128xi32, #tpu.memory_space<vmem>>
        %dma_start3A_273 = tpu.memref_squeeze %dma_start3A_272 : memref<1x128xi32, #tpu.memory_space<vmem>> -> memref<128xi32, #tpu.memory_space<vmem>>
        %dma_start3A_274 = tpu.memref_slice %arg4[%add3A_180] : memref<323584xi32, #tpu.memory_space<hbm>> -> memref<128xi32, #tpu.memory_space<hbm>>
        %dma_start3A_275 = arith.constant 0 : i32
        %dma_start3A_276 = tpu.memref_slice %arg8[%run_scoped3A_209, %dma_start3A_275] : memref<2x128xi32, #tpu.memory_space<vmem>> -> memref<1x128xi32, #tpu.memory_space<vmem>>
        %dma_start3A_277 = tpu.memref_squeeze %dma_start3A_276 : memref<1x128xi32, #tpu.memory_space<vmem>> -> memref<128xi32, #tpu.memory_space<vmem>>
        %dma_start3A_278 = tpu.memref_slice %arg4[%add3A_180] : memref<323584xi32, #tpu.memory_space<hbm>> -> memref<128xi32, #tpu.memory_space<hbm>>
        tpu.enqueue_dma source(%dma_start3A_278 : memref<128xi32, #tpu.memory_space<hbm>>) target(%dma_start3A_277 : memref<128xi32, #tpu.memory_space<vmem>>) target_semaphore(%run_scoped3A_270 : memref<!tpu.dma_semaphore, #tpu.memory_space<semaphore_mem>>)
        %dma_wait3A_279 = arith.constant 0 : i32
        %dma_wait3A_280 = tpu.memref_slice %arg8[%run_scoped3A_209, %dma_wait3A_279] : memref<2x128xi32, #tpu.memory_space<vmem>> -> memref<1x128xi32, #tpu.memory_space<vmem>>
        %dma_wait3A_281 = tpu.memref_squeeze %dma_wait3A_280 : memref<1x128xi32, #tpu.memory_space<vmem>> -> memref<128xi32, #tpu.memory_space<vmem>>
        %dma_wait3A_282 = tpu.memref_slice %arg4[%add3A_180] : memref<323584xi32, #tpu.memory_space<hbm>> -> memref<128xi32, #tpu.memory_space<hbm>>
        %dma_wait3A_283 = arith.constant 0 : i32
        %dma_wait3A_284 = tpu.memref_slice %arg8[%run_scoped3A_209, %dma_wait3A_283] : memref<2x128xi32, #tpu.memory_space<vmem>> -> memref<1x128xi32, #tpu.memory_space<vmem>>
        %dma_wait3A_285 = tpu.memref_squeeze %dma_wait3A_284 : memref<1x128xi32, #tpu.memory_space<vmem>> -> memref<128xi32, #tpu.memory_space<vmem>>
        %dma_wait3A_286 = tpu.memref_slice %arg4[%add3A_180] : memref<323584xi32, #tpu.memory_space<hbm>> -> memref<128xi32, #tpu.memory_space<hbm>>
        tpu.wait_dma2 semaphore(%run_scoped3A_270 : memref<!tpu.dma_semaphore, #tpu.memory_space<semaphore_mem>>) src(%dma_wait3A_286 : memref<128xi32, #tpu.memory_space<hbm>>) dst(%dma_wait3A_285 : memref<128xi32, #tpu.memory_space<vmem>>)
        tpu.yield
      }) : () -> ()
      %dma_start3A_210 = arith.constant 0 : i32
      %dma_start3A_211 = arith.constant 0 : i32
      %dma_start3A_212 = arith.constant 0 : i32
      %dma_start3A_213 = arith.constant 0 : i32
      %dma_start3A_214 = tpu.memref_slice %arg9[%dma_start3A_210, %dma_start3A_212, %dma_start3A_213] : memref<2x128x128xf32, #tpu.memory_space<vmem>> -> memref<1x128x128xf32, #tpu.memory_space<vmem>>
      %dma_start3A_215 = tpu.memref_squeeze %dma_start3A_214 : memref<1x128x128xf32, #tpu.memory_space<vmem>> -> memref<128x128xf32, #tpu.memory_space<vmem>>
      %dma_start3A_216 = arith.constant 0 : i32
      %dma_start3A_217 = tpu.memref_slice %arg8[%dma_start3A_211, %dma_start3A_216] : memref<2x128xi32, #tpu.memory_space<vmem>> -> memref<1x128xi32, #tpu.memory_space<vmem>>
      %dma_start3A_218 = tpu.memref_squeeze %dma_start3A_217 : memref<1x128xi32, #tpu.memory_space<vmem>> -> memref<128xi32, #tpu.memory_space<vmem>>
      %dma_start3A_219 = arith.constant 0 : i32
      %dma_start3A_220 = arith.constant 0 : i32
      %dma_start3A_221 = tpu.memref_slice %arg10[%dma_start3A_219, %dma_start3A_220] : memref<10240x128xf32, #tpu.memory_space<vmem_shared>> -> memref<10240x128xf32, #tpu.memory_space<vmem_shared>>
      tpu.enqueue_indirect_dma source(%dma_start3A_215 : memref<128x128xf32, #tpu.memory_space<vmem>>) target(%dma_start3A_221 : memref<10240x128xf32, #tpu.memory_space<vmem_shared>>) offsets(%dma_start3A_218 : memref<128xi32, #tpu.memory_space<vmem>>) semaphore(%arg12 : memref<!tpu.dma_semaphore, #tpu.memory_space<semaphore_mem>>) {add = true}
      %mul3A_222 = arith.constant 2 : i32
      %mul3A_223 = arith.muli %while3A_175, %mul3A_222 : i32
      %add3A_224 = arith.constant 1 : i32
      %add3A_225 = arith.addi %mul3A_223, %add3A_224 : i32
      %mul3A_226 = arith.constant 128 : i32
      %mul3A_227 = arith.muli %add3A_225, %mul3A_226 : i32
      %add3A_228 = arith.addi %mul3A_47, %mul3A_227 : i32
      %dma_wait3A_229 = arith.constant 1 : i32
      %dma_wait3A_230 = arith.constant 1 : i32
      %dma_wait3A_231 = arith.constant 0 : i32
      %dma_wait3A_232 = arith.constant 0 : i32
      %dma_wait3A_233 = tpu.memref_slice %arg9[%dma_wait3A_229, %dma_wait3A_231, %dma_wait3A_232] : memref<2x128x128xf32, #tpu.memory_space<vmem>> -> memref<1x128x128xf32, #tpu.memory_space<vmem>>
      %dma_wait3A_234 = tpu.memref_squeeze %dma_wait3A_233 : memref<1x128x128xf32, #tpu.memory_space<vmem>> -> memref<128x128xf32, #tpu.memory_space<vmem>>
      %dma_wait3A_235 = arith.constant 0 : i32
      %dma_wait3A_236 = tpu.memref_slice %arg8[%dma_wait3A_230, %dma_wait3A_235] : memref<2x128xi32, #tpu.memory_space<vmem>> -> memref<1x128xi32, #tpu.memory_space<vmem>>
      %dma_wait3A_237 = tpu.memref_squeeze %dma_wait3A_236 : memref<1x128xi32, #tpu.memory_space<vmem>> -> memref<128xi32, #tpu.memory_space<vmem>>
      %dma_wait3A_238 = arith.constant 0 : i32
      %dma_wait3A_239 = arith.constant 0 : i32
      %dma_wait3A_240 = tpu.memref_slice %arg10[%dma_wait3A_238, %dma_wait3A_239] : memref<10240x128xf32, #tpu.memory_space<vmem_shared>> -> memref<10240x128xf32, #tpu.memory_space<vmem_shared>>
      tpu.wait_indirect_dma semaphore(%arg13 : memref<!tpu.dma_semaphore, #tpu.memory_space<semaphore_mem>>) src(%dma_wait3A_234 : memref<128x128xf32, #tpu.memory_space<vmem>>) dst(%dma_wait3A_240 : memref<10240x128xf32, #tpu.memory_space<vmem_shared>>)
      "tpu.region"() ({
        %run_scoped3A_270 = tpu.sem_alloc : memref<!tpu.dma_semaphore, #tpu.memory_space<semaphore_mem>>
        %dma_start3A_271 = tpu.memref_slice %arg3[%add3A_228] : memref<323584xi32, #tpu.memory_space<hbm>> -> memref<128xi32, #tpu.memory_space<hbm>>
        %dma_start3A_272 = tpu.memref_slice %arg3[%add3A_228] : memref<323584xi32, #tpu.memory_space<hbm>> -> memref<128xi32, #tpu.memory_space<hbm>>
        tpu.enqueue_dma source(%dma_start3A_272 : memref<128xi32, #tpu.memory_space<hbm>>) target(%arg7 : memref<128xi32, #tpu.memory_space<vmem>>) target_semaphore(%run_scoped3A_270 : memref<!tpu.dma_semaphore, #tpu.memory_space<semaphore_mem>>)
        %dma_wait3A_273 = tpu.memref_slice %arg3[%add3A_228] : memref<323584xi32, #tpu.memory_space<hbm>> -> memref<128xi32, #tpu.memory_space<hbm>>
        %dma_wait3A_274 = tpu.memref_slice %arg3[%add3A_228] : memref<323584xi32, #tpu.memory_space<hbm>> -> memref<128xi32, #tpu.memory_space<hbm>>
        tpu.wait_dma2 semaphore(%run_scoped3A_270 : memref<!tpu.dma_semaphore, #tpu.memory_space<semaphore_mem>>) src(%dma_wait3A_274 : memref<128xi32, #tpu.memory_space<hbm>>) dst(%arg7 : memref<128xi32, #tpu.memory_space<vmem>>)
        tpu.yield
      }) : () -> ()
      %dma_start3A_241 = arith.constant 1 : i32
      %dma_start3A_242 = arith.constant 0 : i32
      %dma_start3A_243 = arith.constant 0 : i32
      %dma_start3A_244 = tpu.memref_slice %arg9[%dma_start3A_241, %dma_start3A_242, %dma_start3A_243] : memref<2x128x128xf32, #tpu.memory_space<vmem>> -> memref<1x128x128xf32, #tpu.memory_space<vmem>>
      %dma_start3A_245 = tpu.memref_squeeze %dma_start3A_244 : memref<1x128x128xf32, #tpu.memory_space<vmem>> -> memref<128x128xf32, #tpu.memory_space<vmem>>
      %dma_start3A_246 = arith.constant 0 : i32
      %dma_start3A_247 = arith.constant 0 : i32
      %dma_start3A_248 = tpu.memref_slice %arg2[%dma_start3A_246, %dma_start3A_247] : memref<10240x128xf32, #tpu.memory_space<hbm>> -> memref<10240x128xf32, #tpu.memory_space<hbm>>
      tpu.enqueue_indirect_dma source(%dma_start3A_248 : memref<10240x128xf32, #tpu.memory_space<hbm>>) target(%dma_start3A_245 : memref<128x128xf32, #tpu.memory_space<vmem>>) offsets(%arg7 : memref<128xi32, #tpu.memory_space<vmem>>) semaphore(%arg11 : memref<!tpu.dma_semaphore, #tpu.memory_space<semaphore_mem>>)
      %dma_wait3A_249 = arith.constant 1 : i32
      %dma_wait3A_250 = arith.constant 0 : i32
      %dma_wait3A_251 = arith.constant 0 : i32
      %dma_wait3A_252 = tpu.memref_slice %arg9[%dma_wait3A_249, %dma_wait3A_250, %dma_wait3A_251] : memref<2x128x128xf32, #tpu.memory_space<vmem>> -> memref<1x128x128xf32, #tpu.memory_space<vmem>>
      %dma_wait3A_253 = tpu.memref_squeeze %dma_wait3A_252 : memref<1x128x128xf32, #tpu.memory_space<vmem>> -> memref<128x128xf32, #tpu.memory_space<vmem>>
      %dma_wait3A_254 = arith.constant 0 : i32
      %dma_wait3A_255 = arith.constant 0 : i32
      %dma_wait3A_256 = tpu.memref_slice %arg2[%dma_wait3A_254, %dma_wait3A_255] : memref<10240x128xf32, #tpu.memory_space<hbm>> -> memref<10240x128xf32, #tpu.memory_space<hbm>>
      tpu.wait_indirect_dma semaphore(%arg11 : memref<!tpu.dma_semaphore, #tpu.memory_space<semaphore_mem>>) src(%dma_wait3A_256 : memref<10240x128xf32, #tpu.memory_space<hbm>>) dst(%dma_wait3A_253 : memref<128x128xf32, #tpu.memory_space<vmem>>)
      %run_scoped3A_257 = arith.constant 1 : i32
      "tpu.region"() ({
        %run_scoped3A_270 = tpu.sem_alloc : memref<!tpu.dma_semaphore, #tpu.memory_space<semaphore_mem>>
        %dma_start3A_271 = arith.constant 0 : i32
        %dma_start3A_272 = tpu.memref_slice %arg8[%run_scoped3A_257, %dma_start3A_271] : memref<2x128xi32, #tpu.memory_space<vmem>> -> memref<1x128xi32, #tpu.memory_space<vmem>>
        %dma_start3A_273 = tpu.memref_squeeze %dma_start3A_272 : memref<1x128xi32, #tpu.memory_space<vmem>> -> memref<128xi32, #tpu.memory_space<vmem>>
        %dma_start3A_274 = tpu.memref_slice %arg4[%add3A_228] : memref<323584xi32, #tpu.memory_space<hbm>> -> memref<128xi32, #tpu.memory_space<hbm>>
        %dma_start3A_275 = arith.constant 0 : i32
        %dma_start3A_276 = tpu.memref_slice %arg8[%run_scoped3A_257, %dma_start3A_275] : memref<2x128xi32, #tpu.memory_space<vmem>> -> memref<1x128xi32, #tpu.memory_space<vmem>>
        %dma_start3A_277 = tpu.memref_squeeze %dma_start3A_276 : memref<1x128xi32, #tpu.memory_space<vmem>> -> memref<128xi32, #tpu.memory_space<vmem>>
        %dma_start3A_278 = tpu.memref_slice %arg4[%add3A_228] : memref<323584xi32, #tpu.memory_space<hbm>> -> memref<128xi32, #tpu.memory_space<hbm>>
        tpu.enqueue_dma source(%dma_start3A_278 : memref<128xi32, #tpu.memory_space<hbm>>) target(%dma_start3A_277 : memref<128xi32, #tpu.memory_space<vmem>>) target_semaphore(%run_scoped3A_270 : memref<!tpu.dma_semaphore, #tpu.memory_space<semaphore_mem>>)
        %dma_wait3A_279 = arith.constant 0 : i32
        %dma_wait3A_280 = tpu.memref_slice %arg8[%run_scoped3A_257, %dma_wait3A_279] : memref<2x128xi32, #tpu.memory_space<vmem>> -> memref<1x128xi32, #tpu.memory_space<vmem>>
        %dma_wait3A_281 = tpu.memref_squeeze %dma_wait3A_280 : memref<1x128xi32, #tpu.memory_space<vmem>> -> memref<128xi32, #tpu.memory_space<vmem>>
        %dma_wait3A_282 = tpu.memref_slice %arg4[%add3A_228] : memref<323584xi32, #tpu.memory_space<hbm>> -> memref<128xi32, #tpu.memory_space<hbm>>
        %dma_wait3A_283 = arith.constant 0 : i32
        %dma_wait3A_284 = tpu.memref_slice %arg8[%run_scoped3A_257, %dma_wait3A_283] : memref<2x128xi32, #tpu.memory_space<vmem>> -> memref<1x128xi32, #tpu.memory_space<vmem>>
        %dma_wait3A_285 = tpu.memref_squeeze %dma_wait3A_284 : memref<1x128xi32, #tpu.memory_space<vmem>> -> memref<128xi32, #tpu.memory_space<vmem>>
        %dma_wait3A_286 = tpu.memref_slice %arg4[%add3A_228] : memref<323584xi32, #tpu.memory_space<hbm>> -> memref<128xi32, #tpu.memory_space<hbm>>
        tpu.wait_dma2 semaphore(%run_scoped3A_270 : memref<!tpu.dma_semaphore, #tpu.memory_space<semaphore_mem>>) src(%dma_wait3A_286 : memref<128xi32, #tpu.memory_space<hbm>>) dst(%dma_wait3A_285 : memref<128xi32, #tpu.memory_space<vmem>>)
        tpu.yield
      }) : () -> ()
      %dma_start3A_258 = arith.constant 1 : i32
      %dma_start3A_259 = arith.constant 1 : i32
      %dma_start3A_260 = arith.constant 0 : i32
      %dma_start3A_261 = arith.constant 0 : i32
      %dma_start3A_262 = tpu.memref_slice %arg9[%dma_start3A_258, %dma_start3A_260, %dma_start3A_261] : memref<2x128x128xf32, #tpu.memory_space<vmem>> -> memref<1x128x128xf32, #tpu.memory_space<vmem>>
      %dma_start3A_263 = tpu.memref_squeeze %dma_start3A_262 : memref<1x128x128xf32, #tpu.memory_space<vmem>> -> memref<128x128xf32, #tpu.memory_space<vmem>>
      %dma_start3A_264 = arith.constant 0 : i32
      %dma_start3A_265 = tpu.memref_slice %arg8[%dma_start3A_259, %dma_start3A_264] : memref<2x128xi32, #tpu.memory_space<vmem>> -> memref<1x128xi32, #tpu.memory_space<vmem>>
      %dma_start3A_266 = tpu.memref_squeeze %dma_start3A_265 : memref<1x128xi32, #tpu.memory_space<vmem>> -> memref<128xi32, #tpu.memory_space<vmem>>
      %dma_start3A_267 = arith.constant 0 : i32
      %dma_start3A_268 = arith.constant 0 : i32
      %dma_start3A_269 = tpu.memref_slice %arg10[%dma_start3A_267, %dma_start3A_268] : memref<10240x128xf32, #tpu.memory_space<vmem_shared>> -> memref<10240x128xf32, #tpu.memory_space<vmem_shared>>
      tpu.enqueue_indirect_dma source(%dma_start3A_263 : memref<128x128xf32, #tpu.memory_space<vmem>>) target(%dma_start3A_269 : memref<10240x128xf32, #tpu.memory_space<vmem_shared>>) offsets(%dma_start3A_266 : memref<128xi32, #tpu.memory_space<vmem>>) semaphore(%arg13 : memref<!tpu.dma_semaphore, #tpu.memory_space<semaphore_mem>>) {add = true}
    }
    %while3A_100 = arith.constant 1 : i32
    scf.for %while3A_175 = %while3A_98 to %while3A_94 step %while3A_100  : i32 {
      %mul3A_176 = arith.constant 2 : i32
      %mul3A_177 = arith.muli %while3A_175, %mul3A_176 : i32
      %mul3A_178 = arith.constant 128 : i32
      %mul3A_179 = arith.muli %mul3A_177, %mul3A_178 : i32
      %add3A_180 = arith.addi %mul3A_47, %mul3A_179 : i32
      %dma_wait3A_181 = arith.constant 0 : i32
      %dma_wait3A_182 = arith.constant 0 : i32
      %dma_wait3A_183 = arith.constant 0 : i32
      %dma_wait3A_184 = arith.constant 0 : i32
      %dma_wait3A_185 = tpu.memref_slice %arg9[%dma_wait3A_181, %dma_wait3A_183, %dma_wait3A_184] : memref<2x128x128xf32, #tpu.memory_space<vmem>> -> memref<1x128x128xf32, #tpu.memory_space<vmem>>
      %dma_wait3A_186 = tpu.memref_squeeze %dma_wait3A_185 : memref<1x128x128xf32, #tpu.memory_space<vmem>> -> memref<128x128xf32, #tpu.memory_space<vmem>>
      %dma_wait3A_187 = arith.constant 0 : i32
      %dma_wait3A_188 = tpu.memref_slice %arg8[%dma_wait3A_182, %dma_wait3A_187] : memref<2x128xi32, #tpu.memory_space<vmem>> -> memref<1x128xi32, #tpu.memory_space<vmem>>
      %dma_wait3A_189 = tpu.memref_squeeze %dma_wait3A_188 : memref<1x128xi32, #tpu.memory_space<vmem>> -> memref<128xi32, #tpu.memory_space<vmem>>
      %dma_wait3A_190 = arith.constant 0 : i32
      %dma_wait3A_191 = arith.constant 0 : i32
      %dma_wait3A_192 = tpu.memref_slice %arg10[%dma_wait3A_190, %dma_wait3A_191] : memref<10240x128xf32, #tpu.memory_space<vmem_shared>> -> memref<10240x128xf32, #tpu.memory_space<vmem_shared>>
      tpu.wait_indirect_dma semaphore(%arg12 : memref<!tpu.dma_semaphore, #tpu.memory_space<semaphore_mem>>) src(%dma_wait3A_186 : memref<128x128xf32, #tpu.memory_space<vmem>>) dst(%dma_wait3A_192 : memref<10240x128xf32, #tpu.memory_space<vmem_shared>>)
      "tpu.region"() ({
        %run_scoped3A_270 = tpu.sem_alloc : memref<!tpu.dma_semaphore, #tpu.memory_space<semaphore_mem>>
        %dma_start3A_271 = tpu.memref_slice %arg3[%add3A_180] : memref<323584xi32, #tpu.memory_space<hbm>> -> memref<128xi32, #tpu.memory_space<hbm>>
        %dma_start3A_272 = tpu.memref_slice %arg3[%add3A_180] : memref<323584xi32, #tpu.memory_space<hbm>> -> memref<128xi32, #tpu.memory_space<hbm>>
        tpu.enqueue_dma source(%dma_start3A_272 : memref<128xi32, #tpu.memory_space<hbm>>) target(%arg7 : memref<128xi32, #tpu.memory_space<vmem>>) target_semaphore(%run_scoped3A_270 : memref<!tpu.dma_semaphore, #tpu.memory_space<semaphore_mem>>)
        %dma_wait3A_273 = tpu.memref_slice %arg3[%add3A_180] : memref<323584xi32, #tpu.memory_space<hbm>> -> memref<128xi32, #tpu.memory_space<hbm>>
        %dma_wait3A_274 = tpu.memref_slice %arg3[%add3A_180] : memref<323584xi32, #tpu.memory_space<hbm>> -> memref<128xi32, #tpu.memory_space<hbm>>
        tpu.wait_dma2 semaphore(%run_scoped3A_270 : memref<!tpu.dma_semaphore, #tpu.memory_space<semaphore_mem>>) src(%dma_wait3A_274 : memref<128xi32, #tpu.memory_space<hbm>>) dst(%arg7 : memref<128xi32, #tpu.memory_space<vmem>>)
        tpu.yield
      }) : () -> ()
      %dma_start3A_193 = arith.constant 0 : i32
      %dma_start3A_194 = arith.constant 0 : i32
      %dma_start3A_195 = arith.constant 0 : i32
      %dma_start3A_196 = tpu.memref_slice %arg9[%dma_start3A_193, %dma_start3A_194, %dma_start3A_195] : memref<2x128x128xf32, #tpu.memory_space<vmem>> -> memref<1x128x128xf32, #tpu.memory_space<vmem>>
      %dma_start3A_197 = tpu.memref_squeeze %dma_start3A_196 : memref<1x128x128xf32, #tpu.memory_space<vmem>> -> memref<128x128xf32, #tpu.memory_space<vmem>>
      %dma_start3A_198 = arith.constant 0 : i32
      %dma_start3A_199 = arith.constant 0 : i32
      %dma_start3A_200 = tpu.memref_slice %arg2[%dma_start3A_198, %dma_start3A_199] : memref<10240x128xf32, #tpu.memory_space<hbm>> -> memref<10240x128xf32, #tpu.memory_space<hbm>>
      tpu.enqueue_indirect_dma source(%dma_start3A_200 : memref<10240x128xf32, #tpu.memory_space<hbm>>) target(%dma_start3A_197 : memref<128x128xf32, #tpu.memory_space<vmem>>) offsets(%arg7 : memref<128xi32, #tpu.memory_space<vmem>>) semaphore(%arg11 : memref<!tpu.dma_semaphore, #tpu.memory_space<semaphore_mem>>)
      %dma_wait3A_201 = arith.constant 0 : i32
      %dma_wait3A_202 = arith.constant 0 : i32
      %dma_wait3A_203 = arith.constant 0 : i32
      %dma_wait3A_204 = tpu.memref_slice %arg9[%dma_wait3A_201, %dma_wait3A_202, %dma_wait3A_203] : memref<2x128x128xf32, #tpu.memory_space<vmem>> -> memref<1x128x128xf32, #tpu.memory_space<vmem>>
      %dma_wait3A_205 = tpu.memref_squeeze %dma_wait3A_204 : memref<1x128x128xf32, #tpu.memory_space<vmem>> -> memref<128x128xf32, #tpu.memory_space<vmem>>
      %dma_wait3A_206 = arith.constant 0 : i32
      %dma_wait3A_207 = arith.constant 0 : i32
      %dma_wait3A_208 = tpu.memref_slice %arg2[%dma_wait3A_206, %dma_wait3A_207] : memref<10240x128xf32, #tpu.memory_space<hbm>> -> memref<10240x128xf32, #tpu.memory_space<hbm>>
      tpu.wait_indirect_dma semaphore(%arg11 : memref<!tpu.dma_semaphore, #tpu.memory_space<semaphore_mem>>) src(%dma_wait3A_208 : memref<10240x128xf32, #tpu.memory_space<hbm>>) dst(%dma_wait3A_205 : memref<128x128xf32, #tpu.memory_space<vmem>>)
      %run_scoped3A_209 = arith.constant 0 : i32
      "tpu.region"() ({
        %run_scoped3A_270 = tpu.sem_alloc : memref<!tpu.dma_semaphore, #tpu.memory_space<semaphore_mem>>
        %dma_start3A_271 = arith.constant 0 : i32
        %dma_start3A_272 = tpu.memref_slice %arg8[%run_scoped3A_209, %dma_start3A_271] : memref<2x128xi32, #tpu.memory_space<vmem>> -> memref<1x128xi32, #tpu.memory_space<vmem>>
        %dma_start3A_273 = tpu.memref_squeeze %dma_start3A_272 : memref<1x128xi32, #tpu.memory_space<vmem>> -> memref<128xi32, #tpu.memory_space<vmem>>
        %dma_start3A_274 = tpu.memref_slice %arg4[%add3A_180] : memref<323584xi32, #tpu.memory_space<hbm>> -> memref<128xi32, #tpu.memory_space<hbm>>
        %dma_start3A_275 = arith.constant 0 : i32
        %dma_start3A_276 = tpu.memref_slice %arg8[%run_scoped3A_209, %dma_start3A_275] : memref<2x128xi32, #tpu.memory_space<vmem>> -> memref<1x128xi32, #tpu.memory_space<vmem>>
        %dma_start3A_277 = tpu.memref_squeeze %dma_start3A_276 : memref<1x128xi32, #tpu.memory_space<vmem>> -> memref<128xi32, #tpu.memory_space<vmem>>
        %dma_start3A_278 = tpu.memref_slice %arg4[%add3A_180] : memref<323584xi32, #tpu.memory_space<hbm>> -> memref<128xi32, #tpu.memory_space<hbm>>
        tpu.enqueue_dma source(%dma_start3A_278 : memref<128xi32, #tpu.memory_space<hbm>>) target(%dma_start3A_277 : memref<128xi32, #tpu.memory_space<vmem>>) target_semaphore(%run_scoped3A_270 : memref<!tpu.dma_semaphore, #tpu.memory_space<semaphore_mem>>)
        %dma_wait3A_279 = arith.constant 0 : i32
        %dma_wait3A_280 = tpu.memref_slice %arg8[%run_scoped3A_209, %dma_wait3A_279] : memref<2x128xi32, #tpu.memory_space<vmem>> -> memref<1x128xi32, #tpu.memory_space<vmem>>
        %dma_wait3A_281 = tpu.memref_squeeze %dma_wait3A_280 : memref<1x128xi32, #tpu.memory_space<vmem>> -> memref<128xi32, #tpu.memory_space<vmem>>
        %dma_wait3A_282 = tpu.memref_slice %arg4[%add3A_180] : memref<323584xi32, #tpu.memory_space<hbm>> -> memref<128xi32, #tpu.memory_space<hbm>>
        %dma_wait3A_283 = arith.constant 0 : i32
        %dma_wait3A_284 = tpu.memref_slice %arg8[%run_scoped3A_209, %dma_wait3A_283] : memref<2x128xi32, #tpu.memory_space<vmem>> -> memref<1x128xi32, #tpu.memory_space<vmem>>
        %dma_wait3A_285 = tpu.memref_squeeze %dma_wait3A_284 : memref<1x128xi32, #tpu.memory_space<vmem>> -> memref<128xi32, #tpu.memory_space<vmem>>
        %dma_wait3A_286 = tpu.memref_slice %arg4[%add3A_180] : memref<323584xi32, #tpu.memory_space<hbm>> -> memref<128xi32, #tpu.memory_space<hbm>>
        tpu.wait_dma2 semaphore(%run_scoped3A_270 : memref<!tpu.dma_semaphore, #tpu.memory_space<semaphore_mem>>) src(%dma_wait3A_286 : memref<128xi32, #tpu.memory_space<hbm>>) dst(%dma_wait3A_285 : memref<128xi32, #tpu.memory_space<vmem>>)
        tpu.yield
      }) : () -> ()
      %dma_start3A_210 = arith.constant 0 : i32
      %dma_start3A_211 = arith.constant 0 : i32
      %dma_start3A_212 = arith.constant 0 : i32
      %dma_start3A_213 = arith.constant 0 : i32
      %dma_start3A_214 = tpu.memref_slice %arg9[%dma_start3A_210, %dma_start3A_212, %dma_start3A_213] : memref<2x128x128xf32, #tpu.memory_space<vmem>> -> memref<1x128x128xf32, #tpu.memory_space<vmem>>
      %dma_start3A_215 = tpu.memref_squeeze %dma_start3A_214 : memref<1x128x128xf32, #tpu.memory_space<vmem>> -> memref<128x128xf32, #tpu.memory_space<vmem>>
      %dma_start3A_216 = arith.constant 0 : i32
      %dma_start3A_217 = tpu.memref_slice %arg8[%dma_start3A_211, %dma_start3A_216] : memref<2x128xi32, #tpu.memory_space<vmem>> -> memref<1x128xi32, #tpu.memory_space<vmem>>
      %dma_start3A_218 = tpu.memref_squeeze %dma_start3A_217 : memref<1x128xi32, #tpu.memory_space<vmem>> -> memref<128xi32, #tpu.memory_space<vmem>>
      %dma_start3A_219 = arith.constant 0 : i32
      %dma_start3A_220 = arith.constant 0 : i32
      %dma_start3A_221 = tpu.memref_slice %arg10[%dma_start3A_219, %dma_start3A_220] : memref<10240x128xf32, #tpu.memory_space<vmem_shared>> -> memref<10240x128xf32, #tpu.memory_space<vmem_shared>>
      tpu.enqueue_indirect_dma source(%dma_start3A_215 : memref<128x128xf32, #tpu.memory_space<vmem>>) target(%dma_start3A_221 : memref<10240x128xf32, #tpu.memory_space<vmem_shared>>) offsets(%dma_start3A_218 : memref<128xi32, #tpu.memory_space<vmem>>) semaphore(%arg12 : memref<!tpu.dma_semaphore, #tpu.memory_space<semaphore_mem>>) {add = true}
      %mul3A_222 = arith.constant 2 : i32
      %mul3A_223 = arith.muli %while3A_175, %mul3A_222 : i32
      %add3A_224 = arith.constant 1 : i32
      %add3A_225 = arith.addi %mul3A_223, %add3A_224 : i32
      %mul3A_226 = arith.constant 128 : i32
      %mul3A_227 = arith.muli %add3A_225, %mul3A_226 : i32
      %add3A_228 = arith.addi %mul3A_47, %mul3A_227 : i32
      %dma_wait3A_229 = arith.constant 1 : i32
      %dma_wait3A_230 = arith.constant 1 : i32
      %dma_wait3A_231 = arith.constant 0 : i32
      %dma_wait3A_232 = arith.constant 0 : i32
      %dma_wait3A_233 = tpu.memref_slice %arg9[%dma_wait3A_229, %dma_wait3A_231, %dma_wait3A_232] : memref<2x128x128xf32, #tpu.memory_space<vmem>> -> memref<1x128x128xf32, #tpu.memory_space<vmem>>
      %dma_wait3A_234 = tpu.memref_squeeze %dma_wait3A_233 : memref<1x128x128xf32, #tpu.memory_space<vmem>> -> memref<128x128xf32, #tpu.memory_space<vmem>>
      %dma_wait3A_235 = arith.constant 0 : i32
      %dma_wait3A_236 = tpu.memref_slice %arg8[%dma_wait3A_230, %dma_wait3A_235] : memref<2x128xi32, #tpu.memory_space<vmem>> -> memref<1x128xi32, #tpu.memory_space<vmem>>
      %dma_wait3A_237 = tpu.memref_squeeze %dma_wait3A_236 : memref<1x128xi32, #tpu.memory_space<vmem>> -> memref<128xi32, #tpu.memory_space<vmem>>
      %dma_wait3A_238 = arith.constant 0 : i32
      %dma_wait3A_239 = arith.constant 0 : i32
      %dma_wait3A_240 = tpu.memref_slice %arg10[%dma_wait3A_238, %dma_wait3A_239] : memref<10240x128xf32, #tpu.memory_space<vmem_shared>> -> memref<10240x128xf32, #tpu.memory_space<vmem_shared>>
      tpu.wait_indirect_dma semaphore(%arg13 : memref<!tpu.dma_semaphore, #tpu.memory_space<semaphore_mem>>) src(%dma_wait3A_234 : memref<128x128xf32, #tpu.memory_space<vmem>>) dst(%dma_wait3A_240 : memref<10240x128xf32, #tpu.memory_space<vmem_shared>>)
      "tpu.region"() ({
        %run_scoped3A_270 = tpu.sem_alloc : memref<!tpu.dma_semaphore, #tpu.memory_space<semaphore_mem>>
        %dma_start3A_271 = tpu.memref_slice %arg3[%add3A_228] : memref<323584xi32, #tpu.memory_space<hbm>> -> memref<128xi32, #tpu.memory_space<hbm>>
        %dma_start3A_272 = tpu.memref_slice %arg3[%add3A_228] : memref<323584xi32, #tpu.memory_space<hbm>> -> memref<128xi32, #tpu.memory_space<hbm>>
        tpu.enqueue_dma source(%dma_start3A_272 : memref<128xi32, #tpu.memory_space<hbm>>) target(%arg7 : memref<128xi32, #tpu.memory_space<vmem>>) target_semaphore(%run_scoped3A_270 : memref<!tpu.dma_semaphore, #tpu.memory_space<semaphore_mem>>)
        %dma_wait3A_273 = tpu.memref_slice %arg3[%add3A_228] : memref<323584xi32, #tpu.memory_space<hbm>> -> memref<128xi32, #tpu.memory_space<hbm>>
        %dma_wait3A_274 = tpu.memref_slice %arg3[%add3A_228] : memref<323584xi32, #tpu.memory_space<hbm>> -> memref<128xi32, #tpu.memory_space<hbm>>
        tpu.wait_dma2 semaphore(%run_scoped3A_270 : memref<!tpu.dma_semaphore, #tpu.memory_space<semaphore_mem>>) src(%dma_wait3A_274 : memref<128xi32, #tpu.memory_space<hbm>>) dst(%arg7 : memref<128xi32, #tpu.memory_space<vmem>>)
        tpu.yield
      }) : () -> ()
      %dma_start3A_241 = arith.constant 1 : i32
      %dma_start3A_242 = arith.constant 0 : i32
      %dma_start3A_243 = arith.constant 0 : i32
      %dma_start3A_244 = tpu.memref_slice %arg9[%dma_start3A_241, %dma_start3A_242, %dma_start3A_243] : memref<2x128x128xf32, #tpu.memory_space<vmem>> -> memref<1x128x128xf32, #tpu.memory_space<vmem>>
      %dma_start3A_245 = tpu.memref_squeeze %dma_start3A_244 : memref<1x128x128xf32, #tpu.memory_space<vmem>> -> memref<128x128xf32, #tpu.memory_space<vmem>>
      %dma_start3A_246 = arith.constant 0 : i32
      %dma_start3A_247 = arith.constant 0 : i32
      %dma_start3A_248 = tpu.memref_slice %arg2[%dma_start3A_246, %dma_start3A_247] : memref<10240x128xf32, #tpu.memory_space<hbm>> -> memref<10240x128xf32, #tpu.memory_space<hbm>>
      tpu.enqueue_indirect_dma source(%dma_start3A_248 : memref<10240x128xf32, #tpu.memory_space<hbm>>) target(%dma_start3A_245 : memref<128x128xf32, #tpu.memory_space<vmem>>) offsets(%arg7 : memref<128xi32, #tpu.memory_space<vmem>>) semaphore(%arg11 : memref<!tpu.dma_semaphore, #tpu.memory_space<semaphore_mem>>)
      %dma_wait3A_249 = arith.constant 1 : i32
      %dma_wait3A_250 = arith.constant 0 : i32
      %dma_wait3A_251 = arith.constant 0 : i32
      %dma_wait3A_252 = tpu.memref_slice %arg9[%dma_wait3A_249, %dma_wait3A_250, %dma_wait3A_251] : memref<2x128x128xf32, #tpu.memory_space<vmem>> -> memref<1x128x128xf32, #tpu.memory_space<vmem>>
      %dma_wait3A_253 = tpu.memref_squeeze %dma_wait3A_252 : memref<1x128x128xf32, #tpu.memory_space<vmem>> -> memref<128x128xf32, #tpu.memory_space<vmem>>
      %dma_wait3A_254 = arith.constant 0 : i32
      %dma_wait3A_255 = arith.constant 0 : i32
      %dma_wait3A_256 = tpu.memref_slice %arg2[%dma_wait3A_254, %dma_wait3A_255] : memref<10240x128xf32, #tpu.memory_space<hbm>> -> memref<10240x128xf32, #tpu.memory_space<hbm>>
      tpu.wait_indirect_dma semaphore(%arg11 : memref<!tpu.dma_semaphore, #tpu.memory_space<semaphore_mem>>) src(%dma_wait3A_256 : memref<10240x128xf32, #tpu.memory_space<hbm>>) dst(%dma_wait3A_253 : memref<128x128xf32, #tpu.memory_space<vmem>>)
      %run_scoped3A_257 = arith.constant 1 : i32
      "tpu.region"() ({
        %run_scoped3A_270 = tpu.sem_alloc : memref<!tpu.dma_semaphore, #tpu.memory_space<semaphore_mem>>
        %dma_start3A_271 = arith.constant 0 : i32
        %dma_start3A_272 = tpu.memref_slice %arg8[%run_scoped3A_257, %dma_start3A_271] : memref<2x128xi32, #tpu.memory_space<vmem>> -> memref<1x128xi32, #tpu.memory_space<vmem>>
        %dma_start3A_273 = tpu.memref_squeeze %dma_start3A_272 : memref<1x128xi32, #tpu.memory_space<vmem>> -> memref<128xi32, #tpu.memory_space<vmem>>
        %dma_start3A_274 = tpu.memref_slice %arg4[%add3A_228] : memref<323584xi32, #tpu.memory_space<hbm>> -> memref<128xi32, #tpu.memory_space<hbm>>
        %dma_start3A_275 = arith.constant 0 : i32
        %dma_start3A_276 = tpu.memref_slice %arg8[%run_scoped3A_257, %dma_start3A_275] : memref<2x128xi32, #tpu.memory_space<vmem>> -> memref<1x128xi32, #tpu.memory_space<vmem>>
        %dma_start3A_277 = tpu.memref_squeeze %dma_start3A_276 : memref<1x128xi32, #tpu.memory_space<vmem>> -> memref<128xi32, #tpu.memory_space<vmem>>
        %dma_start3A_278 = tpu.memref_slice %arg4[%add3A_228] : memref<323584xi32, #tpu.memory_space<hbm>> -> memref<128xi32, #tpu.memory_space<hbm>>
        tpu.enqueue_dma source(%dma_start3A_278 : memref<128xi32, #tpu.memory_space<hbm>>) target(%dma_start3A_277 : memref<128xi32, #tpu.memory_space<vmem>>) target_semaphore(%run_scoped3A_270 : memref<!tpu.dma_semaphore, #tpu.memory_space<semaphore_mem>>)
        %dma_wait3A_279 = arith.constant 0 : i32
        %dma_wait3A_280 = tpu.memref_slice %arg8[%run_scoped3A_257, %dma_wait3A_279] : memref<2x128xi32, #tpu.memory_space<vmem>> -> memref<1x128xi32, #tpu.memory_space<vmem>>
        %dma_wait3A_281 = tpu.memref_squeeze %dma_wait3A_280 : memref<1x128xi32, #tpu.memory_space<vmem>> -> memref<128xi32, #tpu.memory_space<vmem>>
        %dma_wait3A_282 = tpu.memref_slice %arg4[%add3A_228] : memref<323584xi32, #tpu.memory_space<hbm>> -> memref<128xi32, #tpu.memory_space<hbm>>
        %dma_wait3A_283 = arith.constant 0 : i32
        %dma_wait3A_284 = tpu.memref_slice %arg8[%run_scoped3A_257, %dma_wait3A_283] : memref<2x128xi32, #tpu.memory_space<vmem>> -> memref<1x128xi32, #tpu.memory_space<vmem>>
        %dma_wait3A_285 = tpu.memref_squeeze %dma_wait3A_284 : memref<1x128xi32, #tpu.memory_space<vmem>> -> memref<128xi32, #tpu.memory_space<vmem>>
        %dma_wait3A_286 = tpu.memref_slice %arg4[%add3A_228] : memref<323584xi32, #tpu.memory_space<hbm>> -> memref<128xi32, #tpu.memory_space<hbm>>
        tpu.wait_dma2 semaphore(%run_scoped3A_270 : memref<!tpu.dma_semaphore, #tpu.memory_space<semaphore_mem>>) src(%dma_wait3A_286 : memref<128xi32, #tpu.memory_space<hbm>>) dst(%dma_wait3A_285 : memref<128xi32, #tpu.memory_space<vmem>>)
        tpu.yield
      }) : () -> ()
      %dma_start3A_258 = arith.constant 1 : i32
      %dma_start3A_259 = arith.constant 1 : i32
      %dma_start3A_260 = arith.constant 0 : i32
      %dma_start3A_261 = arith.constant 0 : i32
      %dma_start3A_262 = tpu.memref_slice %arg9[%dma_start3A_258, %dma_start3A_260, %dma_start3A_261] : memref<2x128x128xf32, #tpu.memory_space<vmem>> -> memref<1x128x128xf32, #tpu.memory_space<vmem>>
      %dma_start3A_263 = tpu.memref_squeeze %dma_start3A_262 : memref<1x128x128xf32, #tpu.memory_space<vmem>> -> memref<128x128xf32, #tpu.memory_space<vmem>>
      %dma_start3A_264 = arith.constant 0 : i32
      %dma_start3A_265 = tpu.memref_slice %arg8[%dma_start3A_259, %dma_start3A_264] : memref<2x128xi32, #tpu.memory_space<vmem>> -> memref<1x128xi32, #tpu.memory_space<vmem>>
      %dma_start3A_266 = tpu.memref_squeeze %dma_start3A_265 : memref<1x128xi32, #tpu.memory_space<vmem>> -> memref<128xi32, #tpu.memory_space<vmem>>
      %dma_start3A_267 = arith.constant 0 : i32
      %dma_start3A_268 = arith.constant 0 : i32
      %dma_start3A_269 = tpu.memref_slice %arg10[%dma_start3A_267, %dma_start3A_268] : memref<10240x128xf32, #tpu.memory_space<vmem_shared>> -> memref<10240x128xf32, #tpu.memory_space<vmem_shared>>
      tpu.enqueue_indirect_dma source(%dma_start3A_263 : memref<128x128xf32, #tpu.memory_space<vmem>>) target(%dma_start3A_269 : memref<10240x128xf32, #tpu.memory_space<vmem_shared>>) offsets(%dma_start3A_266 : memref<128xi32, #tpu.memory_space<vmem>>) semaphore(%arg13 : memref<!tpu.dma_semaphore, #tpu.memory_space<semaphore_mem>>) {add = true}
    }
    %sub3A_101 = arith.constant 1 : i32
    %sub3A_102 = arith.subi %select_n3A, %sub3A_101 : i32
    %mul3A_103 = arith.constant 128 : i32
    %mul3A_104 = arith.muli %sub3A_102, %mul3A_103 : i32
    %add3A_105 = arith.addi %mul3A_47, %mul3A_104 : i32
    %dma_wait3A = arith.constant 0 : i32
    %dma_wait3A_106 = arith.constant 0 : i32
    %dma_wait3A_107 = arith.constant 0 : i32
    %dma_wait3A_108 = arith.constant 0 : i32
    %dma_wait3A_109 = tpu.memref_slice %arg9[%dma_wait3A, %dma_wait3A_107, %dma_wait3A_108] : memref<2x128x128xf32, #tpu.memory_space<vmem>> -> memref<1x128x128xf32, #tpu.memory_space<vmem>>
    %dma_wait3A_110 = tpu.memref_squeeze %dma_wait3A_109 : memref<1x128x128xf32, #tpu.memory_space<vmem>> -> memref<128x128xf32, #tpu.memory_space<vmem>>
    %dma_wait3A_111 = arith.constant 0 : i32
    %dma_wait3A_112 = tpu.memref_slice %arg8[%dma_wait3A_106, %dma_wait3A_111] : memref<2x128xi32, #tpu.memory_space<vmem>> -> memref<1x128xi32, #tpu.memory_space<vmem>>
    %dma_wait3A_113 = tpu.memref_squeeze %dma_wait3A_112 : memref<1x128xi32, #tpu.memory_space<vmem>> -> memref<128xi32, #tpu.memory_space<vmem>>
    %dma_wait3A_114 = arith.constant 0 : i32
    %dma_wait3A_115 = arith.constant 0 : i32
    %dma_wait3A_116 = tpu.memref_slice %arg10[%dma_wait3A_114, %dma_wait3A_115] : memref<10240x128xf32, #tpu.memory_space<vmem_shared>> -> memref<10240x128xf32, #tpu.memory_space<vmem_shared>>
    tpu.wait_indirect_dma semaphore(%arg12 : memref<!tpu.dma_semaphore, #tpu.memory_space<semaphore_mem>>) src(%dma_wait3A_110 : memref<128x128xf32, #tpu.memory_space<vmem>>) dst(%dma_wait3A_116 : memref<10240x128xf32, #tpu.memory_space<vmem_shared>>)
    "tpu.region"() ({
      %run_scoped3A_175 = tpu.sem_alloc : memref<!tpu.dma_semaphore, #tpu.memory_space<semaphore_mem>>
      %dma_start3A_176 = tpu.memref_slice %arg3[%add3A_105] : memref<323584xi32, #tpu.memory_space<hbm>> -> memref<128xi32, #tpu.memory_space<hbm>>
      %dma_start3A_177 = tpu.memref_slice %arg3[%add3A_105] : memref<323584xi32, #tpu.memory_space<hbm>> -> memref<128xi32, #tpu.memory_space<hbm>>
      tpu.enqueue_dma source(%dma_start3A_177 : memref<128xi32, #tpu.memory_space<hbm>>) target(%arg7 : memref<128xi32, #tpu.memory_space<vmem>>) target_semaphore(%run_scoped3A_175 : memref<!tpu.dma_semaphore, #tpu.memory_space<semaphore_mem>>)
      %dma_wait3A_178 = tpu.memref_slice %arg3[%add3A_105] : memref<323584xi32, #tpu.memory_space<hbm>> -> memref<128xi32, #tpu.memory_space<hbm>>
      %dma_wait3A_179 = tpu.memref_slice %arg3[%add3A_105] : memref<323584xi32, #tpu.memory_space<hbm>> -> memref<128xi32, #tpu.memory_space<hbm>>
      tpu.wait_dma2 semaphore(%run_scoped3A_175 : memref<!tpu.dma_semaphore, #tpu.memory_space<semaphore_mem>>) src(%dma_wait3A_179 : memref<128xi32, #tpu.memory_space<hbm>>) dst(%arg7 : memref<128xi32, #tpu.memory_space<vmem>>)
      tpu.yield
    }) : () -> ()
    %dma_start3A_117 = arith.constant 0 : i32
    %dma_start3A_118 = arith.constant 0 : i32
    %dma_start3A_119 = arith.constant 0 : i32
    %dma_start3A_120 = tpu.memref_slice %arg9[%dma_start3A_117, %dma_start3A_118, %dma_start3A_119] : memref<2x128x128xf32, #tpu.memory_space<vmem>> -> memref<1x128x128xf32, #tpu.memory_space<vmem>>
    %dma_start3A_121 = tpu.memref_squeeze %dma_start3A_120 : memref<1x128x128xf32, #tpu.memory_space<vmem>> -> memref<128x128xf32, #tpu.memory_space<vmem>>
    %dma_start3A_122 = arith.constant 0 : i32
    %dma_start3A_123 = arith.constant 0 : i32
    %dma_start3A_124 = tpu.memref_slice %arg2[%dma_start3A_122, %dma_start3A_123] : memref<10240x128xf32, #tpu.memory_space<hbm>> -> memref<10240x128xf32, #tpu.memory_space<hbm>>
    tpu.enqueue_indirect_dma source(%dma_start3A_124 : memref<10240x128xf32, #tpu.memory_space<hbm>>) target(%dma_start3A_121 : memref<128x128xf32, #tpu.memory_space<vmem>>) offsets(%arg7 : memref<128xi32, #tpu.memory_space<vmem>>) semaphore(%arg11 : memref<!tpu.dma_semaphore, #tpu.memory_space<semaphore_mem>>)
    %dma_wait3A_125 = arith.constant 0 : i32
    %dma_wait3A_126 = arith.constant 0 : i32
    %dma_wait3A_127 = arith.constant 0 : i32
    %dma_wait3A_128 = tpu.memref_slice %arg9[%dma_wait3A_125, %dma_wait3A_126, %dma_wait3A_127] : memref<2x128x128xf32, #tpu.memory_space<vmem>> -> memref<1x128x128xf32, #tpu.memory_space<vmem>>
    %dma_wait3A_129 = tpu.memref_squeeze %dma_wait3A_128 : memref<1x128x128xf32, #tpu.memory_space<vmem>> -> memref<128x128xf32, #tpu.memory_space<vmem>>
    %dma_wait3A_130 = arith.constant 0 : i32
    %dma_wait3A_131 = arith.constant 0 : i32
    %dma_wait3A_132 = tpu.memref_slice %arg2[%dma_wait3A_130, %dma_wait3A_131] : memref<10240x128xf32, #tpu.memory_space<hbm>> -> memref<10240x128xf32, #tpu.memory_space<hbm>>
    tpu.wait_indirect_dma semaphore(%arg11 : memref<!tpu.dma_semaphore, #tpu.memory_space<semaphore_mem>>) src(%dma_wait3A_132 : memref<10240x128xf32, #tpu.memory_space<hbm>>) dst(%dma_wait3A_129 : memref<128x128xf32, #tpu.memory_space<vmem>>)
    %run_scoped3A_133 = arith.constant 0 : i32
    "tpu.region"() ({
      %run_scoped3A_175 = tpu.sem_alloc : memref<!tpu.dma_semaphore, #tpu.memory_space<semaphore_mem>>
      %dma_start3A_176 = arith.constant 0 : i32
      %dma_start3A_177 = tpu.memref_slice %arg8[%run_scoped3A_133, %dma_start3A_176] : memref<2x128xi32, #tpu.memory_space<vmem>> -> memref<1x128xi32, #tpu.memory_space<vmem>>
      %dma_start3A_178 = tpu.memref_squeeze %dma_start3A_177 : memref<1x128xi32, #tpu.memory_space<vmem>> -> memref<128xi32, #tpu.memory_space<vmem>>
      %dma_start3A_179 = tpu.memref_slice %arg4[%add3A_105] : memref<323584xi32, #tpu.memory_space<hbm>> -> memref<128xi32, #tpu.memory_space<hbm>>
      %dma_start3A_180 = arith.constant 0 : i32
      %dma_start3A_181 = tpu.memref_slice %arg8[%run_scoped3A_133, %dma_start3A_180] : memref<2x128xi32, #tpu.memory_space<vmem>> -> memref<1x128xi32, #tpu.memory_space<vmem>>
      %dma_start3A_182 = tpu.memref_squeeze %dma_start3A_181 : memref<1x128xi32, #tpu.memory_space<vmem>> -> memref<128xi32, #tpu.memory_space<vmem>>
      %dma_start3A_183 = tpu.memref_slice %arg4[%add3A_105] : memref<323584xi32, #tpu.memory_space<hbm>> -> memref<128xi32, #tpu.memory_space<hbm>>
      tpu.enqueue_dma source(%dma_start3A_183 : memref<128xi32, #tpu.memory_space<hbm>>) target(%dma_start3A_182 : memref<128xi32, #tpu.memory_space<vmem>>) target_semaphore(%run_scoped3A_175 : memref<!tpu.dma_semaphore, #tpu.memory_space<semaphore_mem>>)
      %dma_wait3A_184 = arith.constant 0 : i32
      %dma_wait3A_185 = tpu.memref_slice %arg8[%run_scoped3A_133, %dma_wait3A_184] : memref<2x128xi32, #tpu.memory_space<vmem>> -> memref<1x128xi32, #tpu.memory_space<vmem>>
      %dma_wait3A_186 = tpu.memref_squeeze %dma_wait3A_185 : memref<1x128xi32, #tpu.memory_space<vmem>> -> memref<128xi32, #tpu.memory_space<vmem>>
      %dma_wait3A_187 = tpu.memref_slice %arg4[%add3A_105] : memref<323584xi32, #tpu.memory_space<hbm>> -> memref<128xi32, #tpu.memory_space<hbm>>
      %dma_wait3A_188 = arith.constant 0 : i32
      %dma_wait3A_189 = tpu.memref_slice %arg8[%run_scoped3A_133, %dma_wait3A_188] : memref<2x128xi32, #tpu.memory_space<vmem>> -> memref<1x128xi32, #tpu.memory_space<vmem>>
      %dma_wait3A_190 = tpu.memref_squeeze %dma_wait3A_189 : memref<1x128xi32, #tpu.memory_space<vmem>> -> memref<128xi32, #tpu.memory_space<vmem>>
      %dma_wait3A_191 = tpu.memref_slice %arg4[%add3A_105] : memref<323584xi32, #tpu.memory_space<hbm>> -> memref<128xi32, #tpu.memory_space<hbm>>
      tpu.wait_dma2 semaphore(%run_scoped3A_175 : memref<!tpu.dma_semaphore, #tpu.memory_space<semaphore_mem>>) src(%dma_wait3A_191 : memref<128xi32, #tpu.memory_space<hbm>>) dst(%dma_wait3A_190 : memref<128xi32, #tpu.memory_space<vmem>>)
      tpu.yield
    }) : () -> ()
    %dma_start3A_134 = arith.constant 0 : i32
    %dma_start3A_135 = arith.constant 0 : i32
    %dma_start3A_136 = arith.constant 0 : i32
    %dma_start3A_137 = arith.constant 0 : i32
    %dma_start3A_138 = tpu.memref_slice %arg9[%dma_start3A_134, %dma_start3A_136, %dma_start3A_137] : memref<2x128x128xf32, #tpu.memory_space<vmem>> -> memref<1x128x128xf32, #tpu.memory_space<vmem>>
    %dma_start3A_139 = tpu.memref_squeeze %dma_start3A_138 : memref<1x128x128xf32, #tpu.memory_space<vmem>> -> memref<128x128xf32, #tpu.memory_space<vmem>>
    %dma_start3A_140 = arith.constant 0 : i32
    %dma_start3A_141 = tpu.memref_slice %arg8[%dma_start3A_135, %dma_start3A_140] : memref<2x128xi32, #tpu.memory_space<vmem>> -> memref<1x128xi32, #tpu.memory_space<vmem>>
    %dma_start3A_142 = tpu.memref_squeeze %dma_start3A_141 : memref<1x128xi32, #tpu.memory_space<vmem>> -> memref<128xi32, #tpu.memory_space<vmem>>
    %dma_start3A_143 = arith.constant 0 : i32
    %dma_start3A_144 = arith.constant 0 : i32
    %dma_start3A_145 = tpu.memref_slice %arg10[%dma_start3A_143, %dma_start3A_144] : memref<10240x128xf32, #tpu.memory_space<vmem_shared>> -> memref<10240x128xf32, #tpu.memory_space<vmem_shared>>
    tpu.enqueue_indirect_dma source(%dma_start3A_139 : memref<128x128xf32, #tpu.memory_space<vmem>>) target(%dma_start3A_145 : memref<10240x128xf32, #tpu.memory_space<vmem_shared>>) offsets(%dma_start3A_142 : memref<128xi32, #tpu.memory_space<vmem>>) semaphore(%arg12 : memref<!tpu.dma_semaphore, #tpu.memory_space<semaphore_mem>>) {add = true}
    %dma_wait3A_146 = arith.constant 0 : i32
    %dma_wait3A_147 = arith.constant 0 : i32
    %dma_wait3A_148 = arith.constant 0 : i32
    %dma_wait3A_149 = arith.constant 0 : i32
    %dma_wait3A_150 = tpu.memref_slice %arg9[%dma_wait3A_146, %dma_wait3A_148, %dma_wait3A_149] : memref<2x128x128xf32, #tpu.memory_space<vmem>> -> memref<1x128x128xf32, #tpu.memory_space<vmem>>
    %dma_wait3A_151 = tpu.memref_squeeze %dma_wait3A_150 : memref<1x128x128xf32, #tpu.memory_space<vmem>> -> memref<128x128xf32, #tpu.memory_space<vmem>>
    %dma_wait3A_152 = arith.constant 0 : i32
    %dma_wait3A_153 = tpu.memref_slice %arg8[%dma_wait3A_147, %dma_wait3A_152] : memref<2x128xi32, #tpu.memory_space<vmem>> -> memref<1x128xi32, #tpu.memory_space<vmem>>
    %dma_wait3A_154 = tpu.memref_squeeze %dma_wait3A_153 : memref<1x128xi32, #tpu.memory_space<vmem>> -> memref<128xi32, #tpu.memory_space<vmem>>
    %dma_wait3A_155 = arith.constant 0 : i32
    %dma_wait3A_156 = arith.constant 0 : i32
    %dma_wait3A_157 = tpu.memref_slice %arg10[%dma_wait3A_155, %dma_wait3A_156] : memref<10240x128xf32, #tpu.memory_space<vmem_shared>> -> memref<10240x128xf32, #tpu.memory_space<vmem_shared>>
    tpu.wait_indirect_dma semaphore(%arg12 : memref<!tpu.dma_semaphore, #tpu.memory_space<semaphore_mem>>) src(%dma_wait3A_151 : memref<128x128xf32, #tpu.memory_space<vmem>>) dst(%dma_wait3A_157 : memref<10240x128xf32, #tpu.memory_space<vmem_shared>>)
    %dma_wait3A_158 = arith.constant 1 : i32
    %dma_wait3A_159 = arith.constant 1 : i32
    %dma_wait3A_160 = arith.constant 0 : i32
    %dma_wait3A_161 = arith.constant 0 : i32
    %dma_wait3A_162 = tpu.memref_slice %arg9[%dma_wait3A_158, %dma_wait3A_160, %dma_wait3A_161] : memref<2x128x128xf32, #tpu.memory_space<vmem>> -> memref<1x128x128xf32, #tpu.memory_space<vmem>>
    %dma_wait3A_163 = tpu.memref_squeeze %dma_wait3A_162 : memref<1x128x128xf32, #tpu.memory_space<vmem>> -> memref<128x128xf32, #tpu.memory_space<vmem>>
    %dma_wait3A_164 = arith.constant 0 : i32
    %dma_wait3A_165 = tpu.memref_slice %arg8[%dma_wait3A_159, %dma_wait3A_164] : memref<2x128xi32, #tpu.memory_space<vmem>> -> memref<1x128xi32, #tpu.memory_space<vmem>>
    %dma_wait3A_166 = tpu.memref_squeeze %dma_wait3A_165 : memref<1x128xi32, #tpu.memory_space<vmem>> -> memref<128xi32, #tpu.memory_space<vmem>>
    %dma_wait3A_167 = arith.constant 0 : i32
    %dma_wait3A_168 = arith.constant 0 : i32
    %dma_wait3A_169 = tpu.memref_slice %arg10[%dma_wait3A_167, %dma_wait3A_168] : memref<10240x128xf32, #tpu.memory_space<vmem_shared>> -> memref<10240x128xf32, #tpu.memory_space<vmem_shared>>
    tpu.wait_indirect_dma semaphore(%arg13 : memref<!tpu.dma_semaphore, #tpu.memory_space<semaphore_mem>>) src(%dma_wait3A_163 : memref<128x128xf32, #tpu.memory_space<vmem>>) dst(%dma_wait3A_169 : memref<10240x128xf32, #tpu.memory_space<vmem_shared>>)
    %barrier3A_170 = arith.constant 0 : index
    tpu.barrier barrier_id(%barrier3A_170)
    %mul3A_171 = arith.constant 640 : i32
    %mul3A_172 = arith.muli %arg1, %mul3A_171 : i32
    %mul3A_173 = arith.constant 640 : i32
    %mul3A_174 = arith.muli %arg1, %mul3A_173 : i32
    "tpu.region"() ({
      %run_scoped3A_175 = tpu.sem_alloc : memref<!tpu.dma_semaphore, #tpu.memory_space<semaphore_mem>>
      %dma_start3A_176 = arith.constant 0 : i32
      %dma_start3A_177 = tpu.memref_slice %arg6[%arg0, %mul3A_174, %dma_start3A_176] : memref<2x10240x128xf32, #tpu.memory_space<hbm>> -> memref<1x640x128xf32, #tpu.memory_space<hbm>>
      %dma_start3A_178 = tpu.memref_squeeze %dma_start3A_177 : memref<1x640x128xf32, #tpu.memory_space<hbm>> -> memref<640x128xf32, #tpu.memory_space<hbm>>
      %dma_start3A_179 = arith.constant 0 : i32
      %dma_start3A_180 = tpu.memref_slice %arg10[%mul3A_172, %dma_start3A_179] : memref<10240x128xf32, #tpu.memory_space<vmem_shared>> -> memref<640x128xf32, #tpu.memory_space<vmem_shared>>
      tpu.enqueue_dma source(%dma_start3A_180 : memref<640x128xf32, #tpu.memory_space<vmem_shared>>) target(%dma_start3A_178 : memref<640x128xf32, #tpu.memory_space<hbm>>) target_semaphore(%run_scoped3A_175 : memref<!tpu.dma_semaphore, #tpu.memory_space<semaphore_mem>>)
      %dma_wait3A_181 = arith.constant 0 : i32
      %dma_wait3A_182 = tpu.memref_slice %arg6[%arg0, %mul3A_174, %dma_wait3A_181] : memref<2x10240x128xf32, #tpu.memory_space<hbm>> -> memref<1x640x128xf32, #tpu.memory_space<hbm>>
      %dma_wait3A_183 = tpu.memref_squeeze %dma_wait3A_182 : memref<1x640x128xf32, #tpu.memory_space<hbm>> -> memref<640x128xf32, #tpu.memory_space<hbm>>
      %dma_wait3A_184 = arith.constant 0 : i32
      %dma_wait3A_185 = tpu.memref_slice %arg10[%mul3A_172, %dma_wait3A_184] : memref<10240x128xf32, #tpu.memory_space<vmem_shared>> -> memref<640x128xf32, #tpu.memory_space<vmem_shared>>
      tpu.wait_dma2 semaphore(%run_scoped3A_175 : memref<!tpu.dma_semaphore, #tpu.memory_space<semaphore_mem>>) src(%dma_wait3A_185 : memref<640x128xf32, #tpu.memory_space<vmem_shared>>) dst(%dma_wait3A_183 : memref<640x128xf32, #tpu.memory_space<hbm>>)
      tpu.yield
    }) : () -> ()
    return
  }
}

#map = affine_map<(d0, d1) -> (0, 0, 0)>
#map1 = affine_map<(d0, d1) -> (0, 0)>
module attributes {stable_mosaic.version = 14 : i64} {
  func.func @body(%arg0: i32, %arg1: i32, %arg2: memref<32x81x128xi32, #tpu.memory_space<hbm>>, %arg3: memref<128x128xf32, #tpu.memory_space<hbm>>, %arg4: memref<128x128xf32, #tpu.memory_space<hbm>>, %arg5: memref<2x10240x128xf32, #tpu.memory_space<hbm>>, %arg6: memref<81x128xi32, #tpu.memory_space<vmem>>, %arg7: memref<128x128xf32, #tpu.memory_space<vmem>>, %arg8: memref<10240x128xf32, #tpu.memory_space<vmem_shared>>) attributes {dimension_semantics = [#tpu.dimension_semantics<core_parallel>, #tpu.dimension_semantics<subcore_parallel>], iteration_bounds = array<i64: 2, 16>, scalar_prefetch = 0 : i64, scratch_operands = 3 : i64, tpu.core_type = #tpu.core_type<sc_vector_subcore>, window_params = [{transform_indices = #map}, {transform_indices = #map1}, {transform_indices = #map1}, {transform_indices = #map}]} {
    %mul3A = arith.constant 2 : i32
    %mul3A_0 = arith.muli %arg1, %mul3A : i32
    %add3A = arith.addi %mul3A_0, %arg0 : i32
    "tpu.region"() ({
      %run_scoped3A = tpu.sem_alloc : memref<!tpu.dma_semaphore, #tpu.memory_space<semaphore_mem>>
      tpu.enqueue_dma source(%arg4 : memref<128x128xf32, #tpu.memory_space<hbm>>) target(%arg7 : memref<128x128xf32, #tpu.memory_space<vmem>>) target_semaphore(%run_scoped3A : memref<!tpu.dma_semaphore, #tpu.memory_space<semaphore_mem>>)
      tpu.wait_dma2 semaphore(%run_scoped3A : memref<!tpu.dma_semaphore, #tpu.memory_space<semaphore_mem>>) src(%arg4 : memref<128x128xf32, #tpu.memory_space<hbm>>) dst(%arg7 : memref<128x128xf32, #tpu.memory_space<vmem>>)
      tpu.yield
    }) : () -> ()
    %mul3A_1 = arith.constant 5 : i32
    %mul3A_2 = arith.muli %arg1, %mul3A_1 : i32
    %add3A_3 = arith.constant 0 : i32
    %add3A_4 = arith.addi %mul3A_2, %add3A_3 : i32
    %mul3A_5 = arith.constant 128 : i32
    %mul3A_6 = arith.muli %add3A_4, %mul3A_5 : i32
    "tpu.region"() ({
      %run_scoped3A = tpu.sem_alloc : memref<!tpu.dma_semaphore, #tpu.memory_space<semaphore_mem>>
      %dma_start3A = arith.constant 0 : i32
      %dma_start3A_41 = tpu.memref_slice %arg8[%mul3A_6, %dma_start3A] : memref<10240x128xf32, #tpu.memory_space<vmem_shared>> -> memref<128x128xf32, #tpu.memory_space<vmem_shared>>
      %dma_start3A_42 = arith.constant 0 : i32
      %dma_start3A_43 = tpu.memref_slice %arg8[%mul3A_6, %dma_start3A_42] : memref<10240x128xf32, #tpu.memory_space<vmem_shared>> -> memref<128x128xf32, #tpu.memory_space<vmem_shared>>
      tpu.enqueue_dma source(%arg7 : memref<128x128xf32, #tpu.memory_space<vmem>>) target(%dma_start3A_43 : memref<128x128xf32, #tpu.memory_space<vmem_shared>>) target_semaphore(%run_scoped3A : memref<!tpu.dma_semaphore, #tpu.memory_space<semaphore_mem>>)
      %dma_wait3A = arith.constant 0 : i32
      %dma_wait3A_44 = tpu.memref_slice %arg8[%mul3A_6, %dma_wait3A] : memref<10240x128xf32, #tpu.memory_space<vmem_shared>> -> memref<128x128xf32, #tpu.memory_space<vmem_shared>>
      %dma_wait3A_45 = arith.constant 0 : i32
      %dma_wait3A_46 = tpu.memref_slice %arg8[%mul3A_6, %dma_wait3A_45] : memref<10240x128xf32, #tpu.memory_space<vmem_shared>> -> memref<128x128xf32, #tpu.memory_space<vmem_shared>>
      tpu.wait_dma2 semaphore(%run_scoped3A : memref<!tpu.dma_semaphore, #tpu.memory_space<semaphore_mem>>) src(%arg7 : memref<128x128xf32, #tpu.memory_space<vmem>>) dst(%dma_wait3A_46 : memref<128x128xf32, #tpu.memory_space<vmem_shared>>)
      tpu.yield
    }) : () -> ()
    %mul3A_7 = arith.constant 5 : i32
    %mul3A_8 = arith.muli %arg1, %mul3A_7 : i32
    %add3A_9 = arith.constant 1 : i32
    %add3A_10 = arith.addi %mul3A_8, %add3A_9 : i32
    %mul3A_11 = arith.constant 128 : i32
    %mul3A_12 = arith.muli %add3A_10, %mul3A_11 : i32
    "tpu.region"() ({
      %run_scoped3A = tpu.sem_alloc : memref<!tpu.dma_semaphore, #tpu.memory_space<semaphore_mem>>
      %dma_start3A = arith.constant 0 : i32
      %dma_start3A_41 = tpu.memref_slice %arg8[%mul3A_12, %dma_start3A] : memref<10240x128xf32, #tpu.memory_space<vmem_shared>> -> memref<128x128xf32, #tpu.memory_space<vmem_shared>>
      %dma_start3A_42 = arith.constant 0 : i32
      %dma_start3A_43 = tpu.memref_slice %arg8[%mul3A_12, %dma_start3A_42] : memref<10240x128xf32, #tpu.memory_space<vmem_shared>> -> memref<128x128xf32, #tpu.memory_space<vmem_shared>>
      tpu.enqueue_dma source(%arg7 : memref<128x128xf32, #tpu.memory_space<vmem>>) target(%dma_start3A_43 : memref<128x128xf32, #tpu.memory_space<vmem_shared>>) target_semaphore(%run_scoped3A : memref<!tpu.dma_semaphore, #tpu.memory_space<semaphore_mem>>)
      %dma_wait3A = arith.constant 0 : i32
      %dma_wait3A_44 = tpu.memref_slice %arg8[%mul3A_12, %dma_wait3A] : memref<10240x128xf32, #tpu.memory_space<vmem_shared>> -> memref<128x128xf32, #tpu.memory_space<vmem_shared>>
      %dma_wait3A_45 = arith.constant 0 : i32
      %dma_wait3A_46 = tpu.memref_slice %arg8[%mul3A_12, %dma_wait3A_45] : memref<10240x128xf32, #tpu.memory_space<vmem_shared>> -> memref<128x128xf32, #tpu.memory_space<vmem_shared>>
      tpu.wait_dma2 semaphore(%run_scoped3A : memref<!tpu.dma_semaphore, #tpu.memory_space<semaphore_mem>>) src(%arg7 : memref<128x128xf32, #tpu.memory_space<vmem>>) dst(%dma_wait3A_46 : memref<128x128xf32, #tpu.memory_space<vmem_shared>>)
      tpu.yield
    }) : () -> ()
    %mul3A_13 = arith.constant 5 : i32
    %mul3A_14 = arith.muli %arg1, %mul3A_13 : i32
    %add3A_15 = arith.constant 2 : i32
    %add3A_16 = arith.addi %mul3A_14, %add3A_15 : i32
    %mul3A_17 = arith.constant 128 : i32
    %mul3A_18 = arith.muli %add3A_16, %mul3A_17 : i32
    "tpu.region"() ({
      %run_scoped3A = tpu.sem_alloc : memref<!tpu.dma_semaphore, #tpu.memory_space<semaphore_mem>>
      %dma_start3A = arith.constant 0 : i32
      %dma_start3A_41 = tpu.memref_slice %arg8[%mul3A_18, %dma_start3A] : memref<10240x128xf32, #tpu.memory_space<vmem_shared>> -> memref<128x128xf32, #tpu.memory_space<vmem_shared>>
      %dma_start3A_42 = arith.constant 0 : i32
      %dma_start3A_43 = tpu.memref_slice %arg8[%mul3A_18, %dma_start3A_42] : memref<10240x128xf32, #tpu.memory_space<vmem_shared>> -> memref<128x128xf32, #tpu.memory_space<vmem_shared>>
      tpu.enqueue_dma source(%arg7 : memref<128x128xf32, #tpu.memory_space<vmem>>) target(%dma_start3A_43 : memref<128x128xf32, #tpu.memory_space<vmem_shared>>) target_semaphore(%run_scoped3A : memref<!tpu.dma_semaphore, #tpu.memory_space<semaphore_mem>>)
      %dma_wait3A = arith.constant 0 : i32
      %dma_wait3A_44 = tpu.memref_slice %arg8[%mul3A_18, %dma_wait3A] : memref<10240x128xf32, #tpu.memory_space<vmem_shared>> -> memref<128x128xf32, #tpu.memory_space<vmem_shared>>
      %dma_wait3A_45 = arith.constant 0 : i32
      %dma_wait3A_46 = tpu.memref_slice %arg8[%mul3A_18, %dma_wait3A_45] : memref<10240x128xf32, #tpu.memory_space<vmem_shared>> -> memref<128x128xf32, #tpu.memory_space<vmem_shared>>
      tpu.wait_dma2 semaphore(%run_scoped3A : memref<!tpu.dma_semaphore, #tpu.memory_space<semaphore_mem>>) src(%arg7 : memref<128x128xf32, #tpu.memory_space<vmem>>) dst(%dma_wait3A_46 : memref<128x128xf32, #tpu.memory_space<vmem_shared>>)
      tpu.yield
    }) : () -> ()
    %mul3A_19 = arith.constant 5 : i32
    %mul3A_20 = arith.muli %arg1, %mul3A_19 : i32
    %add3A_21 = arith.constant 3 : i32
    %add3A_22 = arith.addi %mul3A_20, %add3A_21 : i32
    %mul3A_23 = arith.constant 128 : i32
    %mul3A_24 = arith.muli %add3A_22, %mul3A_23 : i32
    "tpu.region"() ({
      %run_scoped3A = tpu.sem_alloc : memref<!tpu.dma_semaphore, #tpu.memory_space<semaphore_mem>>
      %dma_start3A = arith.constant 0 : i32
      %dma_start3A_41 = tpu.memref_slice %arg8[%mul3A_24, %dma_start3A] : memref<10240x128xf32, #tpu.memory_space<vmem_shared>> -> memref<128x128xf32, #tpu.memory_space<vmem_shared>>
      %dma_start3A_42 = arith.constant 0 : i32
      %dma_start3A_43 = tpu.memref_slice %arg8[%mul3A_24, %dma_start3A_42] : memref<10240x128xf32, #tpu.memory_space<vmem_shared>> -> memref<128x128xf32, #tpu.memory_space<vmem_shared>>
      tpu.enqueue_dma source(%arg7 : memref<128x128xf32, #tpu.memory_space<vmem>>) target(%dma_start3A_43 : memref<128x128xf32, #tpu.memory_space<vmem_shared>>) target_semaphore(%run_scoped3A : memref<!tpu.dma_semaphore, #tpu.memory_space<semaphore_mem>>)
      %dma_wait3A = arith.constant 0 : i32
      %dma_wait3A_44 = tpu.memref_slice %arg8[%mul3A_24, %dma_wait3A] : memref<10240x128xf32, #tpu.memory_space<vmem_shared>> -> memref<128x128xf32, #tpu.memory_space<vmem_shared>>
      %dma_wait3A_45 = arith.constant 0 : i32
      %dma_wait3A_46 = tpu.memref_slice %arg8[%mul3A_24, %dma_wait3A_45] : memref<10240x128xf32, #tpu.memory_space<vmem_shared>> -> memref<128x128xf32, #tpu.memory_space<vmem_shared>>
      tpu.wait_dma2 semaphore(%run_scoped3A : memref<!tpu.dma_semaphore, #tpu.memory_space<semaphore_mem>>) src(%arg7 : memref<128x128xf32, #tpu.memory_space<vmem>>) dst(%dma_wait3A_46 : memref<128x128xf32, #tpu.memory_space<vmem_shared>>)
      tpu.yield
    }) : () -> ()
    %mul3A_25 = arith.constant 5 : i32
    %mul3A_26 = arith.muli %arg1, %mul3A_25 : i32
    %add3A_27 = arith.constant 4 : i32
    %add3A_28 = arith.addi %mul3A_26, %add3A_27 : i32
    %mul3A_29 = arith.constant 128 : i32
    %mul3A_30 = arith.muli %add3A_28, %mul3A_29 : i32
    "tpu.region"() ({
      %run_scoped3A = tpu.sem_alloc : memref<!tpu.dma_semaphore, #tpu.memory_space<semaphore_mem>>
      %dma_start3A = arith.constant 0 : i32
      %dma_start3A_41 = tpu.memref_slice %arg8[%mul3A_30, %dma_start3A] : memref<10240x128xf32, #tpu.memory_space<vmem_shared>> -> memref<128x128xf32, #tpu.memory_space<vmem_shared>>
      %dma_start3A_42 = arith.constant 0 : i32
      %dma_start3A_43 = tpu.memref_slice %arg8[%mul3A_30, %dma_start3A_42] : memref<10240x128xf32, #tpu.memory_space<vmem_shared>> -> memref<128x128xf32, #tpu.memory_space<vmem_shared>>
      tpu.enqueue_dma source(%arg7 : memref<128x128xf32, #tpu.memory_space<vmem>>) target(%dma_start3A_43 : memref<128x128xf32, #tpu.memory_space<vmem_shared>>) target_semaphore(%run_scoped3A : memref<!tpu.dma_semaphore, #tpu.memory_space<semaphore_mem>>)
      %dma_wait3A = arith.constant 0 : i32
      %dma_wait3A_44 = tpu.memref_slice %arg8[%mul3A_30, %dma_wait3A] : memref<10240x128xf32, #tpu.memory_space<vmem_shared>> -> memref<128x128xf32, #tpu.memory_space<vmem_shared>>
      %dma_wait3A_45 = arith.constant 0 : i32
      %dma_wait3A_46 = tpu.memref_slice %arg8[%mul3A_30, %dma_wait3A_45] : memref<10240x128xf32, #tpu.memory_space<vmem_shared>> -> memref<128x128xf32, #tpu.memory_space<vmem_shared>>
      tpu.wait_dma2 semaphore(%run_scoped3A : memref<!tpu.dma_semaphore, #tpu.memory_space<semaphore_mem>>) src(%arg7 : memref<128x128xf32, #tpu.memory_space<vmem>>) dst(%dma_wait3A_46 : memref<128x128xf32, #tpu.memory_space<vmem_shared>>)
      tpu.yield
    }) : () -> ()
    "tpu.region"() ({
      %run_scoped3A = tpu.sem_alloc : memref<!tpu.dma_semaphore, #tpu.memory_space<semaphore_mem>>
      tpu.enqueue_dma source(%arg3 : memref<128x128xf32, #tpu.memory_space<hbm>>) target(%arg7 : memref<128x128xf32, #tpu.memory_space<vmem>>) target_semaphore(%run_scoped3A : memref<!tpu.dma_semaphore, #tpu.memory_space<semaphore_mem>>)
      tpu.wait_dma2 semaphore(%run_scoped3A : memref<!tpu.dma_semaphore, #tpu.memory_space<semaphore_mem>>) src(%arg3 : memref<128x128xf32, #tpu.memory_space<hbm>>) dst(%arg7 : memref<128x128xf32, #tpu.memory_space<vmem>>)
      tpu.yield
    }) : () -> ()
    "tpu.region"() ({
      %run_scoped3A = tpu.sem_alloc : memref<!tpu.dma_semaphore, #tpu.memory_space<semaphore_mem>>
      %dma_start3A = arith.constant 0 : i32
      %dma_start3A_41 = arith.constant 0 : i32
      %dma_start3A_42 = tpu.memref_slice %arg2[%add3A, %dma_start3A, %dma_start3A_41] : memref<32x81x128xi32, #tpu.memory_space<hbm>> -> memref<1x81x128xi32, #tpu.memory_space<hbm>>
      %dma_start3A_43 = tpu.memref_squeeze %dma_start3A_42 : memref<1x81x128xi32, #tpu.memory_space<hbm>> -> memref<81x128xi32, #tpu.memory_space<hbm>>
      %dma_start3A_44 = arith.constant 0 : i32
      %dma_start3A_45 = arith.constant 0 : i32
      %dma_start3A_46 = tpu.memref_slice %arg2[%add3A, %dma_start3A_44, %dma_start3A_45] : memref<32x81x128xi32, #tpu.memory_space<hbm>> -> memref<1x81x128xi32, #tpu.memory_space<hbm>>
      %dma_start3A_47 = tpu.memref_squeeze %dma_start3A_46 : memref<1x81x128xi32, #tpu.memory_space<hbm>> -> memref<81x128xi32, #tpu.memory_space<hbm>>
      tpu.enqueue_dma source(%dma_start3A_47 : memref<81x128xi32, #tpu.memory_space<hbm>>) target(%arg6 : memref<81x128xi32, #tpu.memory_space<vmem>>) target_semaphore(%run_scoped3A : memref<!tpu.dma_semaphore, #tpu.memory_space<semaphore_mem>>)
      %dma_wait3A = arith.constant 0 : i32
      %dma_wait3A_48 = arith.constant 0 : i32
      %dma_wait3A_49 = tpu.memref_slice %arg2[%add3A, %dma_wait3A, %dma_wait3A_48] : memref<32x81x128xi32, #tpu.memory_space<hbm>> -> memref<1x81x128xi32, #tpu.memory_space<hbm>>
      %dma_wait3A_50 = tpu.memref_squeeze %dma_wait3A_49 : memref<1x81x128xi32, #tpu.memory_space<hbm>> -> memref<81x128xi32, #tpu.memory_space<hbm>>
      %dma_wait3A_51 = arith.constant 0 : i32
      %dma_wait3A_52 = arith.constant 0 : i32
      %dma_wait3A_53 = tpu.memref_slice %arg2[%add3A, %dma_wait3A_51, %dma_wait3A_52] : memref<32x81x128xi32, #tpu.memory_space<hbm>> -> memref<1x81x128xi32, #tpu.memory_space<hbm>>
      %dma_wait3A_54 = tpu.memref_squeeze %dma_wait3A_53 : memref<1x81x128xi32, #tpu.memory_space<hbm>> -> memref<81x128xi32, #tpu.memory_space<hbm>>
      tpu.wait_dma2 semaphore(%run_scoped3A : memref<!tpu.dma_semaphore, #tpu.memory_space<semaphore_mem>>) src(%dma_wait3A_54 : memref<81x128xi32, #tpu.memory_space<hbm>>) dst(%arg6 : memref<81x128xi32, #tpu.memory_space<vmem>>)
      tpu.yield
    }) : () -> ()
    %barrier3A = arith.constant 0 : index
    tpu.barrier barrier_id(%barrier3A)
    %scan3A = arith.constant 0 : i32
    %scan3A_31 = arith.constant 0 : i32
    %scan3A_32 = arith.constant 79 : i32
    %scan3A_33 = arith.addi %scan3A_31, %scan3A_32 : i32
    %scan3A_34 = arith.constant 1 : i32
    scf.for %scan3A_41 = %scan3A_31 to %scan3A_33 step %scan3A_34  : i32 {
      "tpu.region"() ({
        %run_scoped3A = tpu.sem_alloc : memref<!tpu.dma_semaphore, #tpu.memory_space<semaphore_mem>>
        %dma_start3A = arith.constant 0 : i32
        %dma_start3A_42 = tpu.memref_slice %arg6[%scan3A_41, %dma_start3A] : memref<81x128xi32, #tpu.memory_space<vmem>> -> memref<1x128xi32, #tpu.memory_space<vmem>>
        %dma_start3A_43 = tpu.memref_squeeze %dma_start3A_42 : memref<1x128xi32, #tpu.memory_space<vmem>> -> memref<128xi32, #tpu.memory_space<vmem>>
        %dma_start3A_44 = arith.constant 0 : i32
        %dma_start3A_45 = arith.constant 0 : i32
        %dma_start3A_46 = tpu.memref_slice %arg8[%dma_start3A_44, %dma_start3A_45] : memref<10240x128xf32, #tpu.memory_space<vmem_shared>> -> memref<10240x128xf32, #tpu.memory_space<vmem_shared>>
        tpu.enqueue_indirect_dma source(%arg7 : memref<128x128xf32, #tpu.memory_space<vmem>>) target(%dma_start3A_46 : memref<10240x128xf32, #tpu.memory_space<vmem_shared>>) offsets(%dma_start3A_43 : memref<128xi32, #tpu.memory_space<vmem>>) semaphore(%run_scoped3A : memref<!tpu.dma_semaphore, #tpu.memory_space<semaphore_mem>>) {add = true}
        %dma_wait3A = arith.constant 0 : i32
        %dma_wait3A_47 = tpu.memref_slice %arg6[%scan3A_41, %dma_wait3A] : memref<81x128xi32, #tpu.memory_space<vmem>> -> memref<1x128xi32, #tpu.memory_space<vmem>>
        %dma_wait3A_48 = tpu.memref_squeeze %dma_wait3A_47 : memref<1x128xi32, #tpu.memory_space<vmem>> -> memref<128xi32, #tpu.memory_space<vmem>>
        %dma_wait3A_49 = arith.constant 0 : i32
        %dma_wait3A_50 = arith.constant 0 : i32
        %dma_wait3A_51 = tpu.memref_slice %arg8[%dma_wait3A_49, %dma_wait3A_50] : memref<10240x128xf32, #tpu.memory_space<vmem_shared>> -> memref<10240x128xf32, #tpu.memory_space<vmem_shared>>
        tpu.wait_indirect_dma semaphore(%run_scoped3A : memref<!tpu.dma_semaphore, #tpu.memory_space<semaphore_mem>>) src(%arg7 : memref<128x128xf32, #tpu.memory_space<vmem>>) dst(%dma_wait3A_51 : memref<10240x128xf32, #tpu.memory_space<vmem_shared>>)
        tpu.yield
      }) : () -> ()
    }
    %scan3A_35 = arith.constant 79 : i32
    %barrier3A_36 = arith.constant 0 : index
    tpu.barrier barrier_id(%barrier3A_36)
    %mul3A_37 = arith.constant 640 : i32
    %mul3A_38 = arith.muli %arg1, %mul3A_37 : i32
    %mul3A_39 = arith.constant 640 : i32
    %mul3A_40 = arith.muli %arg1, %mul3A_39 : i32
    "tpu.region"() ({
      %run_scoped3A = tpu.sem_alloc : memref<!tpu.dma_semaphore, #tpu.memory_space<semaphore_mem>>
      %dma_start3A = arith.constant 0 : i32
      %dma_start3A_41 = tpu.memref_slice %arg5[%arg0, %mul3A_40, %dma_start3A] : memref<2x10240x128xf32, #tpu.memory_space<hbm>> -> memref<1x640x128xf32, #tpu.memory_space<hbm>>
      %dma_start3A_42 = tpu.memref_squeeze %dma_start3A_41 : memref<1x640x128xf32, #tpu.memory_space<hbm>> -> memref<640x128xf32, #tpu.memory_space<hbm>>
      %dma_start3A_43 = arith.constant 0 : i32
      %dma_start3A_44 = tpu.memref_slice %arg8[%mul3A_38, %dma_start3A_43] : memref<10240x128xf32, #tpu.memory_space<vmem_shared>> -> memref<640x128xf32, #tpu.memory_space<vmem_shared>>
      tpu.enqueue_dma source(%dma_start3A_44 : memref<640x128xf32, #tpu.memory_space<vmem_shared>>) target(%dma_start3A_42 : memref<640x128xf32, #tpu.memory_space<hbm>>) target_semaphore(%run_scoped3A : memref<!tpu.dma_semaphore, #tpu.memory_space<semaphore_mem>>)
      %dma_wait3A = arith.constant 0 : i32
      %dma_wait3A_45 = tpu.memref_slice %arg5[%arg0, %mul3A_40, %dma_wait3A] : memref<2x10240x128xf32, #tpu.memory_space<hbm>> -> memref<1x640x128xf32, #tpu.memory_space<hbm>>
      %dma_wait3A_46 = tpu.memref_squeeze %dma_wait3A_45 : memref<1x640x128xf32, #tpu.memory_space<hbm>> -> memref<640x128xf32, #tpu.memory_space<hbm>>
      %dma_wait3A_47 = arith.constant 0 : i32
      %dma_wait3A_48 = tpu.memref_slice %arg8[%mul3A_38, %dma_wait3A_47] : memref<10240x128xf32, #tpu.memory_space<vmem_shared>> -> memref<640x128xf32, #tpu.memory_space<vmem_shared>>
      tpu.wait_dma2 semaphore(%run_scoped3A : memref<!tpu.dma_semaphore, #tpu.memory_space<semaphore_mem>>) src(%dma_wait3A_48 : memref<640x128xf32, #tpu.memory_space<vmem_shared>>) dst(%dma_wait3A_46 : memref<640x128xf32, #tpu.memory_space<hbm>>)
      tpu.yield
    }) : () -> ()
    return
  }
}

#map = affine_map<(d0, d1) -> (0, 0)>
#map1 = affine_map<(d0, d1) -> (0)>
#map2 = affine_map<(d0, d1) -> (0, 0, 0)>
module attributes {stable_mosaic.version = 14 : i64} {
  func.func @body(%arg0: i32, %arg1: i32, %arg2: memref<10240x128xf32, #tpu.memory_space<hbm>>, %arg3: memref<323584xi32, #tpu.memory_space<hbm>>, %arg4: memref<323584xi32, #tpu.memory_space<hbm>>, %arg5: memref<128x128xf32, #tpu.memory_space<hbm>>, %arg6: memref<2x10240x128xf32, #tpu.memory_space<hbm>>, %arg7: memref<128xi32, #tpu.memory_space<vmem>>, %arg8: memref<2x128xi32, #tpu.memory_space<vmem>>, %arg9: memref<2x128x128xf32, #tpu.memory_space<vmem>>, %arg10: memref<10240x128xf32, #tpu.memory_space<vmem_shared>>, %arg11: memref<!tpu.dma_semaphore, #tpu.memory_space<semaphore_mem>>, %arg12: memref<!tpu.dma_semaphore, #tpu.memory_space<semaphore_mem>>, %arg13: memref<!tpu.dma_semaphore, #tpu.memory_space<semaphore_mem>>) attributes {dimension_semantics = [#tpu.dimension_semantics<core_parallel>, #tpu.dimension_semantics<subcore_parallel>], iteration_bounds = array<i64: 2, 16>, scalar_prefetch = 0 : i64, scratch_operands = 7 : i64, tpu.core_type = #tpu.core_type<sc_vector_subcore>, window_params = [{transform_indices = #map}, {transform_indices = #map1}, {transform_indices = #map1}, {transform_indices = #map}, {transform_indices = #map2}]} {
    %run_scoped3A = arith.constant 0 : i32
    "tpu.region"() ({
      %run_scoped3A_175 = tpu.sem_alloc : memref<!tpu.dma_semaphore, #tpu.memory_space<semaphore_mem>>
      %dma_start3A_176 = arith.constant 0 : i32
      %dma_start3A_177 = arith.constant 0 : i32
      %dma_start3A_178 = tpu.memref_slice %arg9[%run_scoped3A, %dma_start3A_176, %dma_start3A_177] : memref<2x128x128xf32, #tpu.memory_space<vmem>> -> memref<1x128x128xf32, #tpu.memory_space<vmem>>
      %dma_start3A_179 = tpu.memref_squeeze %dma_start3A_178 : memref<1x128x128xf32, #tpu.memory_space<vmem>> -> memref<128x128xf32, #tpu.memory_space<vmem>>
      %dma_start3A_180 = arith.constant 0 : i32
      %dma_start3A_181 = arith.constant 0 : i32
      %dma_start3A_182 = tpu.memref_slice %arg9[%run_scoped3A, %dma_start3A_180, %dma_start3A_181] : memref<2x128x128xf32, #tpu.memory_space<vmem>> -> memref<1x128x128xf32, #tpu.memory_space<vmem>>
      %dma_start3A_183 = tpu.memref_squeeze %dma_start3A_182 : memref<1x128x128xf32, #tpu.memory_space<vmem>> -> memref<128x128xf32, #tpu.memory_space<vmem>>
      tpu.enqueue_dma source(%arg5 : memref<128x128xf32, #tpu.memory_space<hbm>>) target(%dma_start3A_183 : memref<128x128xf32, #tpu.memory_space<vmem>>) target_semaphore(%run_scoped3A_175 : memref<!tpu.dma_semaphore, #tpu.memory_space<semaphore_mem>>)
      %dma_wait3A_184 = arith.constant 0 : i32
      %dma_wait3A_185 = arith.constant 0 : i32
      %dma_wait3A_186 = tpu.memref_slice %arg9[%run_scoped3A, %dma_wait3A_184, %dma_wait3A_185] : memref<2x128x128xf32, #tpu.memory_space<vmem>> -> memref<1x128x128xf32, #tpu.memory_space<vmem>>
      %dma_wait3A_187 = tpu.memref_squeeze %dma_wait3A_186 : memref<1x128x128xf32, #tpu.memory_space<vmem>> -> memref<128x128xf32, #tpu.memory_space<vmem>>
      %dma_wait3A_188 = arith.constant 0 : i32
      %dma_wait3A_189 = arith.constant 0 : i32
      %dma_wait3A_190 = tpu.memref_slice %arg9[%run_scoped3A, %dma_wait3A_188, %dma_wait3A_189] : memref<2x128x128xf32, #tpu.memory_space<vmem>> -> memref<1x128x128xf32, #tpu.memory_space<vmem>>
      %dma_wait3A_191 = tpu.memref_squeeze %dma_wait3A_190 : memref<1x128x128xf32, #tpu.memory_space<vmem>> -> memref<128x128xf32, #tpu.memory_space<vmem>>
      tpu.wait_dma2 semaphore(%run_scoped3A_175 : memref<!tpu.dma_semaphore, #tpu.memory_space<semaphore_mem>>) src(%arg5 : memref<128x128xf32, #tpu.memory_space<hbm>>) dst(%dma_wait3A_191 : memref<128x128xf32, #tpu.memory_space<vmem>>)
      tpu.yield
    }) : () -> ()
    %mul3A = arith.constant 5 : i32
    %mul3A_0 = arith.muli %arg1, %mul3A : i32
    %add3A = arith.constant 0 : i32
    %add3A_1 = arith.addi %mul3A_0, %add3A : i32
    %mul3A_2 = arith.constant 128 : i32
    %mul3A_3 = arith.muli %add3A_1, %mul3A_2 : i32
    %run_scoped3A_4 = arith.constant 0 : i32
    "tpu.region"() ({
      %run_scoped3A_175 = tpu.sem_alloc : memref<!tpu.dma_semaphore, #tpu.memory_space<semaphore_mem>>
      %dma_start3A_176 = arith.constant 0 : i32
      %dma_start3A_177 = arith.constant 0 : i32
      %dma_start3A_178 = tpu.memref_slice %arg9[%run_scoped3A_4, %dma_start3A_176, %dma_start3A_177] : memref<2x128x128xf32, #tpu.memory_space<vmem>> -> memref<1x128x128xf32, #tpu.memory_space<vmem>>
      %dma_start3A_179 = tpu.memref_squeeze %dma_start3A_178 : memref<1x128x128xf32, #tpu.memory_space<vmem>> -> memref<128x128xf32, #tpu.memory_space<vmem>>
      %dma_start3A_180 = arith.constant 0 : i32
      %dma_start3A_181 = tpu.memref_slice %arg10[%mul3A_3, %dma_start3A_180] : memref<10240x128xf32, #tpu.memory_space<vmem_shared>> -> memref<128x128xf32, #tpu.memory_space<vmem_shared>>
      %dma_start3A_182 = arith.constant 0 : i32
      %dma_start3A_183 = tpu.memref_slice %arg10[%mul3A_3, %dma_start3A_182] : memref<10240x128xf32, #tpu.memory_space<vmem_shared>> -> memref<128x128xf32, #tpu.memory_space<vmem_shared>>
      %dma_start3A_184 = arith.constant 0 : i32
      %dma_start3A_185 = arith.constant 0 : i32
      %dma_start3A_186 = tpu.memref_slice %arg9[%run_scoped3A_4, %dma_start3A_184, %dma_start3A_185] : memref<2x128x128xf32, #tpu.memory_space<vmem>> -> memref<1x128x128xf32, #tpu.memory_space<vmem>>
      %dma_start3A_187 = tpu.memref_squeeze %dma_start3A_186 : memref<1x128x128xf32, #tpu.memory_space<vmem>> -> memref<128x128xf32, #tpu.memory_space<vmem>>
      tpu.enqueue_dma source(%dma_start3A_187 : memref<128x128xf32, #tpu.memory_space<vmem>>) target(%dma_start3A_183 : memref<128x128xf32, #tpu.memory_space<vmem_shared>>) target_semaphore(%run_scoped3A_175 : memref<!tpu.dma_semaphore, #tpu.memory_space<semaphore_mem>>)
      %dma_wait3A_188 = arith.constant 0 : i32
      %dma_wait3A_189 = arith.constant 0 : i32
      %dma_wait3A_190 = tpu.memref_slice %arg9[%run_scoped3A_4, %dma_wait3A_188, %dma_wait3A_189] : memref<2x128x128xf32, #tpu.memory_space<vmem>> -> memref<1x128x128xf32, #tpu.memory_space<vmem>>
      %dma_wait3A_191 = tpu.memref_squeeze %dma_wait3A_190 : memref<1x128x128xf32, #tpu.memory_space<vmem>> -> memref<128x128xf32, #tpu.memory_space<vmem>>
      %dma_wait3A_192 = arith.constant 0 : i32
      %dma_wait3A_193 = tpu.memref_slice %arg10[%mul3A_3, %dma_wait3A_192] : memref<10240x128xf32, #tpu.memory_space<vmem_shared>> -> memref<128x128xf32, #tpu.memory_space<vmem_shared>>
      %dma_wait3A_194 = arith.constant 0 : i32
      %dma_wait3A_195 = tpu.memref_slice %arg10[%mul3A_3, %dma_wait3A_194] : memref<10240x128xf32, #tpu.memory_space<vmem_shared>> -> memref<128x128xf32, #tpu.memory_space<vmem_shared>>
      %dma_wait3A_196 = arith.constant 0 : i32
      %dma_wait3A_197 = arith.constant 0 : i32
      %dma_wait3A_198 = tpu.memref_slice %arg9[%run_scoped3A_4, %dma_wait3A_196, %dma_wait3A_197] : memref<2x128x128xf32, #tpu.memory_space<vmem>> -> memref<1x128x128xf32, #tpu.memory_space<vmem>>
      %dma_wait3A_199 = tpu.memref_squeeze %dma_wait3A_198 : memref<1x128x128xf32, #tpu.memory_space<vmem>> -> memref<128x128xf32, #tpu.memory_space<vmem>>
      tpu.wait_dma2 semaphore(%run_scoped3A_175 : memref<!tpu.dma_semaphore, #tpu.memory_space<semaphore_mem>>) src(%dma_wait3A_199 : memref<128x128xf32, #tpu.memory_space<vmem>>) dst(%dma_wait3A_195 : memref<128x128xf32, #tpu.memory_space<vmem_shared>>)
      tpu.yield
    }) : () -> ()
    %mul3A_5 = arith.constant 5 : i32
    %mul3A_6 = arith.muli %arg1, %mul3A_5 : i32
    %add3A_7 = arith.constant 1 : i32
    %add3A_8 = arith.addi %mul3A_6, %add3A_7 : i32
    %mul3A_9 = arith.constant 128 : i32
    %mul3A_10 = arith.muli %add3A_8, %mul3A_9 : i32
    %run_scoped3A_11 = arith.constant 0 : i32
    "tpu.region"() ({
      %run_scoped3A_175 = tpu.sem_alloc : memref<!tpu.dma_semaphore, #tpu.memory_space<semaphore_mem>>
      %dma_start3A_176 = arith.constant 0 : i32
      %dma_start3A_177 = arith.constant 0 : i32
      %dma_start3A_178 = tpu.memref_slice %arg9[%run_scoped3A_11, %dma_start3A_176, %dma_start3A_177] : memref<2x128x128xf32, #tpu.memory_space<vmem>> -> memref<1x128x128xf32, #tpu.memory_space<vmem>>
      %dma_start3A_179 = tpu.memref_squeeze %dma_start3A_178 : memref<1x128x128xf32, #tpu.memory_space<vmem>> -> memref<128x128xf32, #tpu.memory_space<vmem>>
      %dma_start3A_180 = arith.constant 0 : i32
      %dma_start3A_181 = tpu.memref_slice %arg10[%mul3A_10, %dma_start3A_180] : memref<10240x128xf32, #tpu.memory_space<vmem_shared>> -> memref<128x128xf32, #tpu.memory_space<vmem_shared>>
      %dma_start3A_182 = arith.constant 0 : i32
      %dma_start3A_183 = tpu.memref_slice %arg10[%mul3A_10, %dma_start3A_182] : memref<10240x128xf32, #tpu.memory_space<vmem_shared>> -> memref<128x128xf32, #tpu.memory_space<vmem_shared>>
      %dma_start3A_184 = arith.constant 0 : i32
      %dma_start3A_185 = arith.constant 0 : i32
      %dma_start3A_186 = tpu.memref_slice %arg9[%run_scoped3A_11, %dma_start3A_184, %dma_start3A_185] : memref<2x128x128xf32, #tpu.memory_space<vmem>> -> memref<1x128x128xf32, #tpu.memory_space<vmem>>
      %dma_start3A_187 = tpu.memref_squeeze %dma_start3A_186 : memref<1x128x128xf32, #tpu.memory_space<vmem>> -> memref<128x128xf32, #tpu.memory_space<vmem>>
      tpu.enqueue_dma source(%dma_start3A_187 : memref<128x128xf32, #tpu.memory_space<vmem>>) target(%dma_start3A_183 : memref<128x128xf32, #tpu.memory_space<vmem_shared>>) target_semaphore(%run_scoped3A_175 : memref<!tpu.dma_semaphore, #tpu.memory_space<semaphore_mem>>)
      %dma_wait3A_188 = arith.constant 0 : i32
      %dma_wait3A_189 = arith.constant 0 : i32
      %dma_wait3A_190 = tpu.memref_slice %arg9[%run_scoped3A_11, %dma_wait3A_188, %dma_wait3A_189] : memref<2x128x128xf32, #tpu.memory_space<vmem>> -> memref<1x128x128xf32, #tpu.memory_space<vmem>>
      %dma_wait3A_191 = tpu.memref_squeeze %dma_wait3A_190 : memref<1x128x128xf32, #tpu.memory_space<vmem>> -> memref<128x128xf32, #tpu.memory_space<vmem>>
      %dma_wait3A_192 = arith.constant 0 : i32
      %dma_wait3A_193 = tpu.memref_slice %arg10[%mul3A_10, %dma_wait3A_192] : memref<10240x128xf32, #tpu.memory_space<vmem_shared>> -> memref<128x128xf32, #tpu.memory_space<vmem_shared>>
      %dma_wait3A_194 = arith.constant 0 : i32
      %dma_wait3A_195 = tpu.memref_slice %arg10[%mul3A_10, %dma_wait3A_194] : memref<10240x128xf32, #tpu.memory_space<vmem_shared>> -> memref<128x128xf32, #tpu.memory_space<vmem_shared>>
      %dma_wait3A_196 = arith.constant 0 : i32
      %dma_wait3A_197 = arith.constant 0 : i32
      %dma_wait3A_198 = tpu.memref_slice %arg9[%run_scoped3A_11, %dma_wait3A_196, %dma_wait3A_197] : memref<2x128x128xf32, #tpu.memory_space<vmem>> -> memref<1x128x128xf32, #tpu.memory_space<vmem>>
      %dma_wait3A_199 = tpu.memref_squeeze %dma_wait3A_198 : memref<1x128x128xf32, #tpu.memory_space<vmem>> -> memref<128x128xf32, #tpu.memory_space<vmem>>
      tpu.wait_dma2 semaphore(%run_scoped3A_175 : memref<!tpu.dma_semaphore, #tpu.memory_space<semaphore_mem>>) src(%dma_wait3A_199 : memref<128x128xf32, #tpu.memory_space<vmem>>) dst(%dma_wait3A_195 : memref<128x128xf32, #tpu.memory_space<vmem_shared>>)
      tpu.yield
    }) : () -> ()
    %mul3A_12 = arith.constant 5 : i32
    %mul3A_13 = arith.muli %arg1, %mul3A_12 : i32
    %add3A_14 = arith.constant 2 : i32
    %add3A_15 = arith.addi %mul3A_13, %add3A_14 : i32
    %mul3A_16 = arith.constant 128 : i32
    %mul3A_17 = arith.muli %add3A_15, %mul3A_16 : i32
    %run_scoped3A_18 = arith.constant 0 : i32
    "tpu.region"() ({
      %run_scoped3A_175 = tpu.sem_alloc : memref<!tpu.dma_semaphore, #tpu.memory_space<semaphore_mem>>
      %dma_start3A_176 = arith.constant 0 : i32
      %dma_start3A_177 = arith.constant 0 : i32
      %dma_start3A_178 = tpu.memref_slice %arg9[%run_scoped3A_18, %dma_start3A_176, %dma_start3A_177] : memref<2x128x128xf32, #tpu.memory_space<vmem>> -> memref<1x128x128xf32, #tpu.memory_space<vmem>>
      %dma_start3A_179 = tpu.memref_squeeze %dma_start3A_178 : memref<1x128x128xf32, #tpu.memory_space<vmem>> -> memref<128x128xf32, #tpu.memory_space<vmem>>
      %dma_start3A_180 = arith.constant 0 : i32
      %dma_start3A_181 = tpu.memref_slice %arg10[%mul3A_17, %dma_start3A_180] : memref<10240x128xf32, #tpu.memory_space<vmem_shared>> -> memref<128x128xf32, #tpu.memory_space<vmem_shared>>
      %dma_start3A_182 = arith.constant 0 : i32
      %dma_start3A_183 = tpu.memref_slice %arg10[%mul3A_17, %dma_start3A_182] : memref<10240x128xf32, #tpu.memory_space<vmem_shared>> -> memref<128x128xf32, #tpu.memory_space<vmem_shared>>
      %dma_start3A_184 = arith.constant 0 : i32
      %dma_start3A_185 = arith.constant 0 : i32
      %dma_start3A_186 = tpu.memref_slice %arg9[%run_scoped3A_18, %dma_start3A_184, %dma_start3A_185] : memref<2x128x128xf32, #tpu.memory_space<vmem>> -> memref<1x128x128xf32, #tpu.memory_space<vmem>>
      %dma_start3A_187 = tpu.memref_squeeze %dma_start3A_186 : memref<1x128x128xf32, #tpu.memory_space<vmem>> -> memref<128x128xf32, #tpu.memory_space<vmem>>
      tpu.enqueue_dma source(%dma_start3A_187 : memref<128x128xf32, #tpu.memory_space<vmem>>) target(%dma_start3A_183 : memref<128x128xf32, #tpu.memory_space<vmem_shared>>) target_semaphore(%run_scoped3A_175 : memref<!tpu.dma_semaphore, #tpu.memory_space<semaphore_mem>>)
      %dma_wait3A_188 = arith.constant 0 : i32
      %dma_wait3A_189 = arith.constant 0 : i32
      %dma_wait3A_190 = tpu.memref_slice %arg9[%run_scoped3A_18, %dma_wait3A_188, %dma_wait3A_189] : memref<2x128x128xf32, #tpu.memory_space<vmem>> -> memref<1x128x128xf32, #tpu.memory_space<vmem>>
      %dma_wait3A_191 = tpu.memref_squeeze %dma_wait3A_190 : memref<1x128x128xf32, #tpu.memory_space<vmem>> -> memref<128x128xf32, #tpu.memory_space<vmem>>
      %dma_wait3A_192 = arith.constant 0 : i32
      %dma_wait3A_193 = tpu.memref_slice %arg10[%mul3A_17, %dma_wait3A_192] : memref<10240x128xf32, #tpu.memory_space<vmem_shared>> -> memref<128x128xf32, #tpu.memory_space<vmem_shared>>
      %dma_wait3A_194 = arith.constant 0 : i32
      %dma_wait3A_195 = tpu.memref_slice %arg10[%mul3A_17, %dma_wait3A_194] : memref<10240x128xf32, #tpu.memory_space<vmem_shared>> -> memref<128x128xf32, #tpu.memory_space<vmem_shared>>
      %dma_wait3A_196 = arith.constant 0 : i32
      %dma_wait3A_197 = arith.constant 0 : i32
      %dma_wait3A_198 = tpu.memref_slice %arg9[%run_scoped3A_18, %dma_wait3A_196, %dma_wait3A_197] : memref<2x128x128xf32, #tpu.memory_space<vmem>> -> memref<1x128x128xf32, #tpu.memory_space<vmem>>
      %dma_wait3A_199 = tpu.memref_squeeze %dma_wait3A_198 : memref<1x128x128xf32, #tpu.memory_space<vmem>> -> memref<128x128xf32, #tpu.memory_space<vmem>>
      tpu.wait_dma2 semaphore(%run_scoped3A_175 : memref<!tpu.dma_semaphore, #tpu.memory_space<semaphore_mem>>) src(%dma_wait3A_199 : memref<128x128xf32, #tpu.memory_space<vmem>>) dst(%dma_wait3A_195 : memref<128x128xf32, #tpu.memory_space<vmem_shared>>)
      tpu.yield
    }) : () -> ()
    %mul3A_19 = arith.constant 5 : i32
    %mul3A_20 = arith.muli %arg1, %mul3A_19 : i32
    %add3A_21 = arith.constant 3 : i32
    %add3A_22 = arith.addi %mul3A_20, %add3A_21 : i32
    %mul3A_23 = arith.constant 128 : i32
    %mul3A_24 = arith.muli %add3A_22, %mul3A_23 : i32
    %run_scoped3A_25 = arith.constant 0 : i32
    "tpu.region"() ({
      %run_scoped3A_175 = tpu.sem_alloc : memref<!tpu.dma_semaphore, #tpu.memory_space<semaphore_mem>>
      %dma_start3A_176 = arith.constant 0 : i32
      %dma_start3A_177 = arith.constant 0 : i32
      %dma_start3A_178 = tpu.memref_slice %arg9[%run_scoped3A_25, %dma_start3A_176, %dma_start3A_177] : memref<2x128x128xf32, #tpu.memory_space<vmem>> -> memref<1x128x128xf32, #tpu.memory_space<vmem>>
      %dma_start3A_179 = tpu.memref_squeeze %dma_start3A_178 : memref<1x128x128xf32, #tpu.memory_space<vmem>> -> memref<128x128xf32, #tpu.memory_space<vmem>>
      %dma_start3A_180 = arith.constant 0 : i32
      %dma_start3A_181 = tpu.memref_slice %arg10[%mul3A_24, %dma_start3A_180] : memref<10240x128xf32, #tpu.memory_space<vmem_shared>> -> memref<128x128xf32, #tpu.memory_space<vmem_shared>>
      %dma_start3A_182 = arith.constant 0 : i32
      %dma_start3A_183 = tpu.memref_slice %arg10[%mul3A_24, %dma_start3A_182] : memref<10240x128xf32, #tpu.memory_space<vmem_shared>> -> memref<128x128xf32, #tpu.memory_space<vmem_shared>>
      %dma_start3A_184 = arith.constant 0 : i32
      %dma_start3A_185 = arith.constant 0 : i32
      %dma_start3A_186 = tpu.memref_slice %arg9[%run_scoped3A_25, %dma_start3A_184, %dma_start3A_185] : memref<2x128x128xf32, #tpu.memory_space<vmem>> -> memref<1x128x128xf32, #tpu.memory_space<vmem>>
      %dma_start3A_187 = tpu.memref_squeeze %dma_start3A_186 : memref<1x128x128xf32, #tpu.memory_space<vmem>> -> memref<128x128xf32, #tpu.memory_space<vmem>>
      tpu.enqueue_dma source(%dma_start3A_187 : memref<128x128xf32, #tpu.memory_space<vmem>>) target(%dma_start3A_183 : memref<128x128xf32, #tpu.memory_space<vmem_shared>>) target_semaphore(%run_scoped3A_175 : memref<!tpu.dma_semaphore, #tpu.memory_space<semaphore_mem>>)
      %dma_wait3A_188 = arith.constant 0 : i32
      %dma_wait3A_189 = arith.constant 0 : i32
      %dma_wait3A_190 = tpu.memref_slice %arg9[%run_scoped3A_25, %dma_wait3A_188, %dma_wait3A_189] : memref<2x128x128xf32, #tpu.memory_space<vmem>> -> memref<1x128x128xf32, #tpu.memory_space<vmem>>
      %dma_wait3A_191 = tpu.memref_squeeze %dma_wait3A_190 : memref<1x128x128xf32, #tpu.memory_space<vmem>> -> memref<128x128xf32, #tpu.memory_space<vmem>>
      %dma_wait3A_192 = arith.constant 0 : i32
      %dma_wait3A_193 = tpu.memref_slice %arg10[%mul3A_24, %dma_wait3A_192] : memref<10240x128xf32, #tpu.memory_space<vmem_shared>> -> memref<128x128xf32, #tpu.memory_space<vmem_shared>>
      %dma_wait3A_194 = arith.constant 0 : i32
      %dma_wait3A_195 = tpu.memref_slice %arg10[%mul3A_24, %dma_wait3A_194] : memref<10240x128xf32, #tpu.memory_space<vmem_shared>> -> memref<128x128xf32, #tpu.memory_space<vmem_shared>>
      %dma_wait3A_196 = arith.constant 0 : i32
      %dma_wait3A_197 = arith.constant 0 : i32
      %dma_wait3A_198 = tpu.memref_slice %arg9[%run_scoped3A_25, %dma_wait3A_196, %dma_wait3A_197] : memref<2x128x128xf32, #tpu.memory_space<vmem>> -> memref<1x128x128xf32, #tpu.memory_space<vmem>>
      %dma_wait3A_199 = tpu.memref_squeeze %dma_wait3A_198 : memref<1x128x128xf32, #tpu.memory_space<vmem>> -> memref<128x128xf32, #tpu.memory_space<vmem>>
      tpu.wait_dma2 semaphore(%run_scoped3A_175 : memref<!tpu.dma_semaphore, #tpu.memory_space<semaphore_mem>>) src(%dma_wait3A_199 : memref<128x128xf32, #tpu.memory_space<vmem>>) dst(%dma_wait3A_195 : memref<128x128xf32, #tpu.memory_space<vmem_shared>>)
      tpu.yield
    }) : () -> ()
    %mul3A_26 = arith.constant 5 : i32
    %mul3A_27 = arith.muli %arg1, %mul3A_26 : i32
    %add3A_28 = arith.constant 4 : i32
    %add3A_29 = arith.addi %mul3A_27, %add3A_28 : i32
    %mul3A_30 = arith.constant 128 : i32
    %mul3A_31 = arith.muli %add3A_29, %mul3A_30 : i32
    %run_scoped3A_32 = arith.constant 0 : i32
    "tpu.region"() ({
      %run_scoped3A_175 = tpu.sem_alloc : memref<!tpu.dma_semaphore, #tpu.memory_space<semaphore_mem>>
      %dma_start3A_176 = arith.constant 0 : i32
      %dma_start3A_177 = arith.constant 0 : i32
      %dma_start3A_178 = tpu.memref_slice %arg9[%run_scoped3A_32, %dma_start3A_176, %dma_start3A_177] : memref<2x128x128xf32, #tpu.memory_space<vmem>> -> memref<1x128x128xf32, #tpu.memory_space<vmem>>
      %dma_start3A_179 = tpu.memref_squeeze %dma_start3A_178 : memref<1x128x128xf32, #tpu.memory_space<vmem>> -> memref<128x128xf32, #tpu.memory_space<vmem>>
      %dma_start3A_180 = arith.constant 0 : i32
      %dma_start3A_181 = tpu.memref_slice %arg10[%mul3A_31, %dma_start3A_180] : memref<10240x128xf32, #tpu.memory_space<vmem_shared>> -> memref<128x128xf32, #tpu.memory_space<vmem_shared>>
      %dma_start3A_182 = arith.constant 0 : i32
      %dma_start3A_183 = tpu.memref_slice %arg10[%mul3A_31, %dma_start3A_182] : memref<10240x128xf32, #tpu.memory_space<vmem_shared>> -> memref<128x128xf32, #tpu.memory_space<vmem_shared>>
      %dma_start3A_184 = arith.constant 0 : i32
      %dma_start3A_185 = arith.constant 0 : i32
      %dma_start3A_186 = tpu.memref_slice %arg9[%run_scoped3A_32, %dma_start3A_184, %dma_start3A_185] : memref<2x128x128xf32, #tpu.memory_space<vmem>> -> memref<1x128x128xf32, #tpu.memory_space<vmem>>
      %dma_start3A_187 = tpu.memref_squeeze %dma_start3A_186 : memref<1x128x128xf32, #tpu.memory_space<vmem>> -> memref<128x128xf32, #tpu.memory_space<vmem>>
      tpu.enqueue_dma source(%dma_start3A_187 : memref<128x128xf32, #tpu.memory_space<vmem>>) target(%dma_start3A_183 : memref<128x128xf32, #tpu.memory_space<vmem_shared>>) target_semaphore(%run_scoped3A_175 : memref<!tpu.dma_semaphore, #tpu.memory_space<semaphore_mem>>)
      %dma_wait3A_188 = arith.constant 0 : i32
      %dma_wait3A_189 = arith.constant 0 : i32
      %dma_wait3A_190 = tpu.memref_slice %arg9[%run_scoped3A_32, %dma_wait3A_188, %dma_wait3A_189] : memref<2x128x128xf32, #tpu.memory_space<vmem>> -> memref<1x128x128xf32, #tpu.memory_space<vmem>>
      %dma_wait3A_191 = tpu.memref_squeeze %dma_wait3A_190 : memref<1x128x128xf32, #tpu.memory_space<vmem>> -> memref<128x128xf32, #tpu.memory_space<vmem>>
      %dma_wait3A_192 = arith.constant 0 : i32
      %dma_wait3A_193 = tpu.memref_slice %arg10[%mul3A_31, %dma_wait3A_192] : memref<10240x128xf32, #tpu.memory_space<vmem_shared>> -> memref<128x128xf32, #tpu.memory_space<vmem_shared>>
      %dma_wait3A_194 = arith.constant 0 : i32
      %dma_wait3A_195 = tpu.memref_slice %arg10[%mul3A_31, %dma_wait3A_194] : memref<10240x128xf32, #tpu.memory_space<vmem_shared>> -> memref<128x128xf32, #tpu.memory_space<vmem_shared>>
      %dma_wait3A_196 = arith.constant 0 : i32
      %dma_wait3A_197 = arith.constant 0 : i32
      %dma_wait3A_198 = tpu.memref_slice %arg9[%run_scoped3A_32, %dma_wait3A_196, %dma_wait3A_197] : memref<2x128x128xf32, #tpu.memory_space<vmem>> -> memref<1x128x128xf32, #tpu.memory_space<vmem>>
      %dma_wait3A_199 = tpu.memref_squeeze %dma_wait3A_198 : memref<1x128x128xf32, #tpu.memory_space<vmem>> -> memref<128x128xf32, #tpu.memory_space<vmem>>
      tpu.wait_dma2 semaphore(%run_scoped3A_175 : memref<!tpu.dma_semaphore, #tpu.memory_space<semaphore_mem>>) src(%dma_wait3A_199 : memref<128x128xf32, #tpu.memory_space<vmem>>) dst(%dma_wait3A_195 : memref<128x128xf32, #tpu.memory_space<vmem_shared>>)
      tpu.yield
    }) : () -> ()
    %run_scoped3A_33 = arith.constant 1 : i32
    "tpu.region"() ({
      %run_scoped3A_175 = tpu.sem_alloc : memref<!tpu.dma_semaphore, #tpu.memory_space<semaphore_mem>>
      %dma_start3A_176 = arith.constant 0 : i32
      %dma_start3A_177 = arith.constant 0 : i32
      %dma_start3A_178 = tpu.memref_slice %arg9[%run_scoped3A_33, %dma_start3A_176, %dma_start3A_177] : memref<2x128x128xf32, #tpu.memory_space<vmem>> -> memref<1x128x128xf32, #tpu.memory_space<vmem>>
      %dma_start3A_179 = tpu.memref_squeeze %dma_start3A_178 : memref<1x128x128xf32, #tpu.memory_space<vmem>> -> memref<128x128xf32, #tpu.memory_space<vmem>>
      %dma_start3A_180 = arith.constant 0 : i32
      %dma_start3A_181 = arith.constant 0 : i32
      %dma_start3A_182 = tpu.memref_slice %arg9[%run_scoped3A_33, %dma_start3A_180, %dma_start3A_181] : memref<2x128x128xf32, #tpu.memory_space<vmem>> -> memref<1x128x128xf32, #tpu.memory_space<vmem>>
      %dma_start3A_183 = tpu.memref_squeeze %dma_start3A_182 : memref<1x128x128xf32, #tpu.memory_space<vmem>> -> memref<128x128xf32, #tpu.memory_space<vmem>>
      tpu.enqueue_dma source(%arg5 : memref<128x128xf32, #tpu.memory_space<hbm>>) target(%dma_start3A_183 : memref<128x128xf32, #tpu.memory_space<vmem>>) target_semaphore(%run_scoped3A_175 : memref<!tpu.dma_semaphore, #tpu.memory_space<semaphore_mem>>)
      %dma_wait3A_184 = arith.constant 0 : i32
      %dma_wait3A_185 = arith.constant 0 : i32
      %dma_wait3A_186 = tpu.memref_slice %arg9[%run_scoped3A_33, %dma_wait3A_184, %dma_wait3A_185] : memref<2x128x128xf32, #tpu.memory_space<vmem>> -> memref<1x128x128xf32, #tpu.memory_space<vmem>>
      %dma_wait3A_187 = tpu.memref_squeeze %dma_wait3A_186 : memref<1x128x128xf32, #tpu.memory_space<vmem>> -> memref<128x128xf32, #tpu.memory_space<vmem>>
      %dma_wait3A_188 = arith.constant 0 : i32
      %dma_wait3A_189 = arith.constant 0 : i32
      %dma_wait3A_190 = tpu.memref_slice %arg9[%run_scoped3A_33, %dma_wait3A_188, %dma_wait3A_189] : memref<2x128x128xf32, #tpu.memory_space<vmem>> -> memref<1x128x128xf32, #tpu.memory_space<vmem>>
      %dma_wait3A_191 = tpu.memref_squeeze %dma_wait3A_190 : memref<1x128x128xf32, #tpu.memory_space<vmem>> -> memref<128x128xf32, #tpu.memory_space<vmem>>
      tpu.wait_dma2 semaphore(%run_scoped3A_175 : memref<!tpu.dma_semaphore, #tpu.memory_space<semaphore_mem>>) src(%arg5 : memref<128x128xf32, #tpu.memory_space<hbm>>) dst(%dma_wait3A_191 : memref<128x128xf32, #tpu.memory_space<vmem>>)
      tpu.yield
    }) : () -> ()
    %barrier3A = arith.constant 0 : index
    tpu.barrier barrier_id(%barrier3A)
    %eq3A = arith.constant 0 : i32
    %eq3A_34 = arith.cmpi eq, %arg0, %eq3A : i32
    %jit3A = arith.constant 107 : i32
    %jit3A_35 = arith.constant 51 : i32
    %select_n3A = arith.select %eq3A_34, %jit3A, %jit3A_35 : i32
    %mul3A_36 = arith.constant 2 : i32
    %mul3A_37 = arith.muli %arg1, %mul3A_36 : i32
    %mul3A_38 = arith.constant 79 : i32
    %mul3A_39 = arith.muli %mul3A_37, %mul3A_38 : i32
    %eq3A_40 = arith.constant 0 : i32
    %eq3A_41 = arith.cmpi eq, %arg0, %eq3A_40 : i32
    %jit3A_42 = arith.constant 0 : i32
    %jit3A_43 = arith.constant 107 : i32
    %select_n3A_44 = arith.select %eq3A_41, %jit3A_42, %jit3A_43 : i32
    %add3A_45 = arith.addi %mul3A_39, %select_n3A_44 : i32
    %mul3A_46 = arith.constant 128 : i32
    %mul3A_47 = arith.muli %add3A_45, %mul3A_46 : i32
    %run_scoped3A_48 = arith.constant 0 : i32
    "tpu.region"() ({
      %run_scoped3A_175 = tpu.sem_alloc : memref<!tpu.dma_semaphore, #tpu.memory_space<semaphore_mem>>
      %dma_start3A_176 = arith.constant 0 : i32
      %dma_start3A_177 = tpu.memref_slice %arg8[%run_scoped3A_48, %dma_start3A_176] : memref<2x128xi32, #tpu.memory_space<vmem>> -> memref<1x128xi32, #tpu.memory_space<vmem>>
      %dma_start3A_178 = tpu.memref_squeeze %dma_start3A_177 : memref<1x128xi32, #tpu.memory_space<vmem>> -> memref<128xi32, #tpu.memory_space<vmem>>
      %dma_start3A_179 = tpu.memref_slice %arg4[%mul3A_47] : memref<323584xi32, #tpu.memory_space<hbm>> -> memref<128xi32, #tpu.memory_space<hbm>>
      %dma_start3A_180 = arith.constant 0 : i32
      %dma_start3A_181 = tpu.memref_slice %arg8[%run_scoped3A_48, %dma_start3A_180] : memref<2x128xi32, #tpu.memory_space<vmem>> -> memref<1x128xi32, #tpu.memory_space<vmem>>
      %dma_start3A_182 = tpu.memref_squeeze %dma_start3A_181 : memref<1x128xi32, #tpu.memory_space<vmem>> -> memref<128xi32, #tpu.memory_space<vmem>>
      %dma_start3A_183 = tpu.memref_slice %arg4[%mul3A_47] : memref<323584xi32, #tpu.memory_space<hbm>> -> memref<128xi32, #tpu.memory_space<hbm>>
      tpu.enqueue_dma source(%dma_start3A_183 : memref<128xi32, #tpu.memory_space<hbm>>) target(%dma_start3A_182 : memref<128xi32, #tpu.memory_space<vmem>>) target_semaphore(%run_scoped3A_175 : memref<!tpu.dma_semaphore, #tpu.memory_space<semaphore_mem>>)
      %dma_wait3A_184 = arith.constant 0 : i32
      %dma_wait3A_185 = tpu.memref_slice %arg8[%run_scoped3A_48, %dma_wait3A_184] : memref<2x128xi32, #tpu.memory_space<vmem>> -> memref<1x128xi32, #tpu.memory_space<vmem>>
      %dma_wait3A_186 = tpu.memref_squeeze %dma_wait3A_185 : memref<1x128xi32, #tpu.memory_space<vmem>> -> memref<128xi32, #tpu.memory_space<vmem>>
      %dma_wait3A_187 = tpu.memref_slice %arg4[%mul3A_47] : memref<323584xi32, #tpu.memory_space<hbm>> -> memref<128xi32, #tpu.memory_space<hbm>>
      %dma_wait3A_188 = arith.constant 0 : i32
      %dma_wait3A_189 = tpu.memref_slice %arg8[%run_scoped3A_48, %dma_wait3A_188] : memref<2x128xi32, #tpu.memory_space<vmem>> -> memref<1x128xi32, #tpu.memory_space<vmem>>
      %dma_wait3A_190 = tpu.memref_squeeze %dma_wait3A_189 : memref<1x128xi32, #tpu.memory_space<vmem>> -> memref<128xi32, #tpu.memory_space<vmem>>
      %dma_wait3A_191 = tpu.memref_slice %arg4[%mul3A_47] : memref<323584xi32, #tpu.memory_space<hbm>> -> memref<128xi32, #tpu.memory_space<hbm>>
      tpu.wait_dma2 semaphore(%run_scoped3A_175 : memref<!tpu.dma_semaphore, #tpu.memory_space<semaphore_mem>>) src(%dma_wait3A_191 : memref<128xi32, #tpu.memory_space<hbm>>) dst(%dma_wait3A_190 : memref<128xi32, #tpu.memory_space<vmem>>)
      tpu.yield
    }) : () -> ()
    %dma_start3A = arith.constant 0 : i32
    %dma_start3A_49 = arith.constant 0 : i32
    %dma_start3A_50 = arith.constant 0 : i32
    %dma_start3A_51 = arith.constant 0 : i32
    %dma_start3A_52 = tpu.memref_slice %arg9[%dma_start3A, %dma_start3A_50, %dma_start3A_51] : memref<2x128x128xf32, #tpu.memory_space<vmem>> -> memref<1x128x128xf32, #tpu.memory_space<vmem>>
    %dma_start3A_53 = tpu.memref_squeeze %dma_start3A_52 : memref<1x128x128xf32, #tpu.memory_space<vmem>> -> memref<128x128xf32, #tpu.memory_space<vmem>>
    %dma_start3A_54 = arith.constant 0 : i32
    %dma_start3A_55 = tpu.memref_slice %arg8[%dma_start3A_49, %dma_start3A_54] : memref<2x128xi32, #tpu.memory_space<vmem>> -> memref<1x128xi32, #tpu.memory_space<vmem>>
    %dma_start3A_56 = tpu.memref_squeeze %dma_start3A_55 : memref<1x128xi32, #tpu.memory_space<vmem>> -> memref<128xi32, #tpu.memory_space<vmem>>
    %dma_start3A_57 = arith.constant 0 : i32
    %dma_start3A_58 = arith.constant 0 : i32
    %dma_start3A_59 = tpu.memref_slice %arg10[%dma_start3A_57, %dma_start3A_58] : memref<10240x128xf32, #tpu.memory_space<vmem_shared>> -> memref<10240x128xf32, #tpu.memory_space<vmem_shared>>
    tpu.enqueue_indirect_dma source(%dma_start3A_53 : memref<128x128xf32, #tpu.memory_space<vmem>>) target(%dma_start3A_59 : memref<10240x128xf32, #tpu.memory_space<vmem_shared>>) offsets(%dma_start3A_56 : memref<128xi32, #tpu.memory_space<vmem>>) semaphore(%arg12 : memref<!tpu.dma_semaphore, #tpu.memory_space<semaphore_mem>>) {add = true}
    %dma_start3A_60 = arith.constant 1 : i32
    %dma_start3A_61 = arith.constant 0 : i32
    %dma_start3A_62 = arith.constant 0 : i32
    %dma_start3A_63 = arith.constant 0 : i32
    %dma_start3A_64 = tpu.memref_slice %arg9[%dma_start3A_60, %dma_start3A_62, %dma_start3A_63] : memref<2x128x128xf32, #tpu.memory_space<vmem>> -> memref<1x128x128xf32, #tpu.memory_space<vmem>>
    %dma_start3A_65 = tpu.memref_squeeze %dma_start3A_64 : memref<1x128x128xf32, #tpu.memory_space<vmem>> -> memref<128x128xf32, #tpu.memory_space<vmem>>
    %dma_start3A_66 = arith.constant 0 : i32
    %dma_start3A_67 = tpu.memref_slice %arg8[%dma_start3A_61, %dma_start3A_66] : memref<2x128xi32, #tpu.memory_space<vmem>> -> memref<1x128xi32, #tpu.memory_space<vmem>>
    %dma_start3A_68 = tpu.memref_squeeze %dma_start3A_67 : memref<1x128xi32, #tpu.memory_space<vmem>> -> memref<128xi32, #tpu.memory_space<vmem>>
    %dma_start3A_69 = arith.constant 0 : i32
    %dma_start3A_70 = arith.constant 0 : i32
    %dma_start3A_71 = tpu.memref_slice %arg10[%dma_start3A_69, %dma_start3A_70] : memref<10240x128xf32, #tpu.memory_space<vmem_shared>> -> memref<10240x128xf32, #tpu.memory_space<vmem_shared>>
    tpu.enqueue_indirect_dma source(%dma_start3A_65 : memref<128x128xf32, #tpu.memory_space<vmem>>) target(%dma_start3A_71 : memref<10240x128xf32, #tpu.memory_space<vmem_shared>>) offsets(%dma_start3A_68 : memref<128xi32, #tpu.memory_space<vmem>>) semaphore(%arg13 : memref<!tpu.dma_semaphore, #tpu.memory_space<semaphore_mem>>) {add = true}
    %sub3A = arith.constant 1 : i32
    %sub3A_72 = arith.subi %select_n3A, %sub3A : i32
    %jit3A_73 = arith.constant 2 : i32
    %div3A = arith.divsi %sub3A_72, %jit3A_73 : i32
    %sign3A = arith.constant 0 : i32
    %sign3A_74 = arith.cmpi sgt, %sub3A_72, %sign3A : i32
    %sign3A_75 = arith.extui %sign3A_74 : i1 to i32
    %sign3A_76 = arith.constant 0 : i32
    %sign3A_77 = arith.cmpi slt, %sub3A_72, %sign3A_76 : i32
    %sign3A_78 = arith.extui %sign3A_77 : i1 to i32
    %sign3A_79 = arith.subi %sign3A_75, %sign3A_78 : i32
    %sign3A_80 = arith.constant 0 : i32
    %sign3A_81 = arith.cmpi sgt, %jit3A_73, %sign3A_80 : i32
    %sign3A_82 = arith.extui %sign3A_81 : i1 to i32
    %sign3A_83 = arith.constant 0 : i32
    %sign3A_84 = arith.cmpi slt, %jit3A_73, %sign3A_83 : i32
    %sign3A_85 = arith.extui %sign3A_84 : i1 to i32
    %sign3A_86 = arith.subi %sign3A_82, %sign3A_85 : i32
    %ne3A = arith.cmpi ne, %sign3A_79, %sign3A_86 : i32
    %rem3A = arith.remsi %sub3A_72, %jit3A_73 : i32
    %ne3A_87 = arith.constant 0 : i32
    %ne3A_88 = arith.cmpi ne, %rem3A, %ne3A_87 : i32
    %and3A = arith.andi %ne3A, %ne3A_88 : i1
    %sub3A_89 = arith.constant 1 : i32
    %sub3A_90 = arith.subi %div3A, %sub3A_89 : i32
    %select_n3A_91 = arith.select %and3A, %sub3A_90, %div3A : i32
    %while3A = arith.constant 0 : i32
    %while3A_92 = arith.constant 0 : i32
    %while3A_93 = arith.subi %select_n3A_91, %while3A_92 : i32
    %while3A_94 = arith.addi %while3A_92, %while3A_93 : i32
    %while3A_95 = arith.constant 1 : i32
    %while3A_96 = arith.divsi %while3A_93, %while3A_95 : i32
    %while3A_97 = arith.muli %while3A_96, %while3A_95 : i32
    %while3A_98 = arith.addi %while3A_92, %while3A_97 : i32
    %while3A_99 = arith.constant 1 : i32
    scf.for %while3A_175 = %while3A_92 to %while3A_98 step %while3A_99  : i32 {
      %mul3A_176 = arith.constant 2 : i32
      %mul3A_177 = arith.muli %while3A_175, %mul3A_176 : i32
      %mul3A_178 = arith.constant 128 : i32
      %mul3A_179 = arith.muli %mul3A_177, %mul3A_178 : i32
      %add3A_180 = arith.addi %mul3A_47, %mul3A_179 : i32
      %dma_wait3A_181 = arith.constant 0 : i32
      %dma_wait3A_182 = arith.constant 0 : i32
      %dma_wait3A_183 = arith.constant 0 : i32
      %dma_wait3A_184 = arith.constant 0 : i32
      %dma_wait3A_185 = tpu.memref_slice %arg9[%dma_wait3A_181, %dma_wait3A_183, %dma_wait3A_184] : memref<2x128x128xf32, #tpu.memory_space<vmem>> -> memref<1x128x128xf32, #tpu.memory_space<vmem>>
      %dma_wait3A_186 = tpu.memref_squeeze %dma_wait3A_185 : memref<1x128x128xf32, #tpu.memory_space<vmem>> -> memref<128x128xf32, #tpu.memory_space<vmem>>
      %dma_wait3A_187 = arith.constant 0 : i32
      %dma_wait3A_188 = tpu.memref_slice %arg8[%dma_wait3A_182, %dma_wait3A_187] : memref<2x128xi32, #tpu.memory_space<vmem>> -> memref<1x128xi32, #tpu.memory_space<vmem>>
      %dma_wait3A_189 = tpu.memref_squeeze %dma_wait3A_188 : memref<1x128xi32, #tpu.memory_space<vmem>> -> memref<128xi32, #tpu.memory_space<vmem>>
      %dma_wait3A_190 = arith.constant 0 : i32
      %dma_wait3A_191 = arith.constant 0 : i32
      %dma_wait3A_192 = tpu.memref_slice %arg10[%dma_wait3A_190, %dma_wait3A_191] : memref<10240x128xf32, #tpu.memory_space<vmem_shared>> -> memref<10240x128xf32, #tpu.memory_space<vmem_shared>>
      tpu.wait_indirect_dma semaphore(%arg12 : memref<!tpu.dma_semaphore, #tpu.memory_space<semaphore_mem>>) src(%dma_wait3A_186 : memref<128x128xf32, #tpu.memory_space<vmem>>) dst(%dma_wait3A_192 : memref<10240x128xf32, #tpu.memory_space<vmem_shared>>)
      "tpu.region"() ({
        %run_scoped3A_270 = tpu.sem_alloc : memref<!tpu.dma_semaphore, #tpu.memory_space<semaphore_mem>>
        %dma_start3A_271 = tpu.memref_slice %arg3[%add3A_180] : memref<323584xi32, #tpu.memory_space<hbm>> -> memref<128xi32, #tpu.memory_space<hbm>>
        %dma_start3A_272 = tpu.memref_slice %arg3[%add3A_180] : memref<323584xi32, #tpu.memory_space<hbm>> -> memref<128xi32, #tpu.memory_space<hbm>>
        tpu.enqueue_dma source(%dma_start3A_272 : memref<128xi32, #tpu.memory_space<hbm>>) target(%arg7 : memref<128xi32, #tpu.memory_space<vmem>>) target_semaphore(%run_scoped3A_270 : memref<!tpu.dma_semaphore, #tpu.memory_space<semaphore_mem>>)
        %dma_wait3A_273 = tpu.memref_slice %arg3[%add3A_180] : memref<323584xi32, #tpu.memory_space<hbm>> -> memref<128xi32, #tpu.memory_space<hbm>>
        %dma_wait3A_274 = tpu.memref_slice %arg3[%add3A_180] : memref<323584xi32, #tpu.memory_space<hbm>> -> memref<128xi32, #tpu.memory_space<hbm>>
        tpu.wait_dma2 semaphore(%run_scoped3A_270 : memref<!tpu.dma_semaphore, #tpu.memory_space<semaphore_mem>>) src(%dma_wait3A_274 : memref<128xi32, #tpu.memory_space<hbm>>) dst(%arg7 : memref<128xi32, #tpu.memory_space<vmem>>)
        tpu.yield
      }) : () -> ()
      %dma_start3A_193 = arith.constant 0 : i32
      %dma_start3A_194 = arith.constant 0 : i32
      %dma_start3A_195 = arith.constant 0 : i32
      %dma_start3A_196 = tpu.memref_slice %arg9[%dma_start3A_193, %dma_start3A_194, %dma_start3A_195] : memref<2x128x128xf32, #tpu.memory_space<vmem>> -> memref<1x128x128xf32, #tpu.memory_space<vmem>>
      %dma_start3A_197 = tpu.memref_squeeze %dma_start3A_196 : memref<1x128x128xf32, #tpu.memory_space<vmem>> -> memref<128x128xf32, #tpu.memory_space<vmem>>
      %dma_start3A_198 = arith.constant 0 : i32
      %dma_start3A_199 = arith.constant 0 : i32
      %dma_start3A_200 = tpu.memref_slice %arg2[%dma_start3A_198, %dma_start3A_199] : memref<10240x128xf32, #tpu.memory_space<hbm>> -> memref<10240x128xf32, #tpu.memory_space<hbm>>
      tpu.enqueue_indirect_dma source(%dma_start3A_200 : memref<10240x128xf32, #tpu.memory_space<hbm>>) target(%dma_start3A_197 : memref<128x128xf32, #tpu.memory_space<vmem>>) offsets(%arg7 : memref<128xi32, #tpu.memory_space<vmem>>) semaphore(%arg11 : memref<!tpu.dma_semaphore, #tpu.memory_space<semaphore_mem>>)
      %dma_wait3A_201 = arith.constant 0 : i32
      %dma_wait3A_202 = arith.constant 0 : i32
      %dma_wait3A_203 = arith.constant 0 : i32
      %dma_wait3A_204 = tpu.memref_slice %arg9[%dma_wait3A_201, %dma_wait3A_202, %dma_wait3A_203] : memref<2x128x128xf32, #tpu.memory_space<vmem>> -> memref<1x128x128xf32, #tpu.memory_space<vmem>>
      %dma_wait3A_205 = tpu.memref_squeeze %dma_wait3A_204 : memref<1x128x128xf32, #tpu.memory_space<vmem>> -> memref<128x128xf32, #tpu.memory_space<vmem>>
      %dma_wait3A_206 = arith.constant 0 : i32
      %dma_wait3A_207 = arith.constant 0 : i32
      %dma_wait3A_208 = tpu.memref_slice %arg2[%dma_wait3A_206, %dma_wait3A_207] : memref<10240x128xf32, #tpu.memory_space<hbm>> -> memref<10240x128xf32, #tpu.memory_space<hbm>>
      tpu.wait_indirect_dma semaphore(%arg11 : memref<!tpu.dma_semaphore, #tpu.memory_space<semaphore_mem>>) src(%dma_wait3A_208 : memref<10240x128xf32, #tpu.memory_space<hbm>>) dst(%dma_wait3A_205 : memref<128x128xf32, #tpu.memory_space<vmem>>)
      %run_scoped3A_209 = arith.constant 0 : i32
      "tpu.region"() ({
        %run_scoped3A_270 = tpu.sem_alloc : memref<!tpu.dma_semaphore, #tpu.memory_space<semaphore_mem>>
        %dma_start3A_271 = arith.constant 0 : i32
        %dma_start3A_272 = tpu.memref_slice %arg8[%run_scoped3A_209, %dma_start3A_271] : memref<2x128xi32, #tpu.memory_space<vmem>> -> memref<1x128xi32, #tpu.memory_space<vmem>>
        %dma_start3A_273 = tpu.memref_squeeze %dma_start3A_272 : memref<1x128xi32, #tpu.memory_space<vmem>> -> memref<128xi32, #tpu.memory_space<vmem>>
        %dma_start3A_274 = tpu.memref_slice %arg4[%add3A_180] : memref<323584xi32, #tpu.memory_space<hbm>> -> memref<128xi32, #tpu.memory_space<hbm>>
        %dma_start3A_275 = arith.constant 0 : i32
        %dma_start3A_276 = tpu.memref_slice %arg8[%run_scoped3A_209, %dma_start3A_275] : memref<2x128xi32, #tpu.memory_space<vmem>> -> memref<1x128xi32, #tpu.memory_space<vmem>>
        %dma_start3A_277 = tpu.memref_squeeze %dma_start3A_276 : memref<1x128xi32, #tpu.memory_space<vmem>> -> memref<128xi32, #tpu.memory_space<vmem>>
        %dma_start3A_278 = tpu.memref_slice %arg4[%add3A_180] : memref<323584xi32, #tpu.memory_space<hbm>> -> memref<128xi32, #tpu.memory_space<hbm>>
        tpu.enqueue_dma source(%dma_start3A_278 : memref<128xi32, #tpu.memory_space<hbm>>) target(%dma_start3A_277 : memref<128xi32, #tpu.memory_space<vmem>>) target_semaphore(%run_scoped3A_270 : memref<!tpu.dma_semaphore, #tpu.memory_space<semaphore_mem>>)
        %dma_wait3A_279 = arith.constant 0 : i32
        %dma_wait3A_280 = tpu.memref_slice %arg8[%run_scoped3A_209, %dma_wait3A_279] : memref<2x128xi32, #tpu.memory_space<vmem>> -> memref<1x128xi32, #tpu.memory_space<vmem>>
        %dma_wait3A_281 = tpu.memref_squeeze %dma_wait3A_280 : memref<1x128xi32, #tpu.memory_space<vmem>> -> memref<128xi32, #tpu.memory_space<vmem>>
        %dma_wait3A_282 = tpu.memref_slice %arg4[%add3A_180] : memref<323584xi32, #tpu.memory_space<hbm>> -> memref<128xi32, #tpu.memory_space<hbm>>
        %dma_wait3A_283 = arith.constant 0 : i32
        %dma_wait3A_284 = tpu.memref_slice %arg8[%run_scoped3A_209, %dma_wait3A_283] : memref<2x128xi32, #tpu.memory_space<vmem>> -> memref<1x128xi32, #tpu.memory_space<vmem>>
        %dma_wait3A_285 = tpu.memref_squeeze %dma_wait3A_284 : memref<1x128xi32, #tpu.memory_space<vmem>> -> memref<128xi32, #tpu.memory_space<vmem>>
        %dma_wait3A_286 = tpu.memref_slice %arg4[%add3A_180] : memref<323584xi32, #tpu.memory_space<hbm>> -> memref<128xi32, #tpu.memory_space<hbm>>
        tpu.wait_dma2 semaphore(%run_scoped3A_270 : memref<!tpu.dma_semaphore, #tpu.memory_space<semaphore_mem>>) src(%dma_wait3A_286 : memref<128xi32, #tpu.memory_space<hbm>>) dst(%dma_wait3A_285 : memref<128xi32, #tpu.memory_space<vmem>>)
        tpu.yield
      }) : () -> ()
      %dma_start3A_210 = arith.constant 0 : i32
      %dma_start3A_211 = arith.constant 0 : i32
      %dma_start3A_212 = arith.constant 0 : i32
      %dma_start3A_213 = arith.constant 0 : i32
      %dma_start3A_214 = tpu.memref_slice %arg9[%dma_start3A_210, %dma_start3A_212, %dma_start3A_213] : memref<2x128x128xf32, #tpu.memory_space<vmem>> -> memref<1x128x128xf32, #tpu.memory_space<vmem>>
      %dma_start3A_215 = tpu.memref_squeeze %dma_start3A_214 : memref<1x128x128xf32, #tpu.memory_space<vmem>> -> memref<128x128xf32, #tpu.memory_space<vmem>>
      %dma_start3A_216 = arith.constant 0 : i32
      %dma_start3A_217 = tpu.memref_slice %arg8[%dma_start3A_211, %dma_start3A_216] : memref<2x128xi32, #tpu.memory_space<vmem>> -> memref<1x128xi32, #tpu.memory_space<vmem>>
      %dma_start3A_218 = tpu.memref_squeeze %dma_start3A_217 : memref<1x128xi32, #tpu.memory_space<vmem>> -> memref<128xi32, #tpu.memory_space<vmem>>
      %dma_start3A_219 = arith.constant 0 : i32
      %dma_start3A_220 = arith.constant 0 : i32
      %dma_start3A_221 = tpu.memref_slice %arg10[%dma_start3A_219, %dma_start3A_220] : memref<10240x128xf32, #tpu.memory_space<vmem_shared>> -> memref<10240x128xf32, #tpu.memory_space<vmem_shared>>
      tpu.enqueue_indirect_dma source(%dma_start3A_215 : memref<128x128xf32, #tpu.memory_space<vmem>>) target(%dma_start3A_221 : memref<10240x128xf32, #tpu.memory_space<vmem_shared>>) offsets(%dma_start3A_218 : memref<128xi32, #tpu.memory_space<vmem>>) semaphore(%arg12 : memref<!tpu.dma_semaphore, #tpu.memory_space<semaphore_mem>>) {add = true}
      %mul3A_222 = arith.constant 2 : i32
      %mul3A_223 = arith.muli %while3A_175, %mul3A_222 : i32
      %add3A_224 = arith.constant 1 : i32
      %add3A_225 = arith.addi %mul3A_223, %add3A_224 : i32
      %mul3A_226 = arith.constant 128 : i32
      %mul3A_227 = arith.muli %add3A_225, %mul3A_226 : i32
      %add3A_228 = arith.addi %mul3A_47, %mul3A_227 : i32
      %dma_wait3A_229 = arith.constant 1 : i32
      %dma_wait3A_230 = arith.constant 1 : i32
      %dma_wait3A_231 = arith.constant 0 : i32
      %dma_wait3A_232 = arith.constant 0 : i32
      %dma_wait3A_233 = tpu.memref_slice %arg9[%dma_wait3A_229, %dma_wait3A_231, %dma_wait3A_232] : memref<2x128x128xf32, #tpu.memory_space<vmem>> -> memref<1x128x128xf32, #tpu.memory_space<vmem>>
      %dma_wait3A_234 = tpu.memref_squeeze %dma_wait3A_233 : memref<1x128x128xf32, #tpu.memory_space<vmem>> -> memref<128x128xf32, #tpu.memory_space<vmem>>
      %dma_wait3A_235 = arith.constant 0 : i32
      %dma_wait3A_236 = tpu.memref_slice %arg8[%dma_wait3A_230, %dma_wait3A_235] : memref<2x128xi32, #tpu.memory_space<vmem>> -> memref<1x128xi32, #tpu.memory_space<vmem>>
      %dma_wait3A_237 = tpu.memref_squeeze %dma_wait3A_236 : memref<1x128xi32, #tpu.memory_space<vmem>> -> memref<128xi32, #tpu.memory_space<vmem>>
      %dma_wait3A_238 = arith.constant 0 : i32
      %dma_wait3A_239 = arith.constant 0 : i32
      %dma_wait3A_240 = tpu.memref_slice %arg10[%dma_wait3A_238, %dma_wait3A_239] : memref<10240x128xf32, #tpu.memory_space<vmem_shared>> -> memref<10240x128xf32, #tpu.memory_space<vmem_shared>>
      tpu.wait_indirect_dma semaphore(%arg13 : memref<!tpu.dma_semaphore, #tpu.memory_space<semaphore_mem>>) src(%dma_wait3A_234 : memref<128x128xf32, #tpu.memory_space<vmem>>) dst(%dma_wait3A_240 : memref<10240x128xf32, #tpu.memory_space<vmem_shared>>)
      "tpu.region"() ({
        %run_scoped3A_270 = tpu.sem_alloc : memref<!tpu.dma_semaphore, #tpu.memory_space<semaphore_mem>>
        %dma_start3A_271 = tpu.memref_slice %arg3[%add3A_228] : memref<323584xi32, #tpu.memory_space<hbm>> -> memref<128xi32, #tpu.memory_space<hbm>>
        %dma_start3A_272 = tpu.memref_slice %arg3[%add3A_228] : memref<323584xi32, #tpu.memory_space<hbm>> -> memref<128xi32, #tpu.memory_space<hbm>>
        tpu.enqueue_dma source(%dma_start3A_272 : memref<128xi32, #tpu.memory_space<hbm>>) target(%arg7 : memref<128xi32, #tpu.memory_space<vmem>>) target_semaphore(%run_scoped3A_270 : memref<!tpu.dma_semaphore, #tpu.memory_space<semaphore_mem>>)
        %dma_wait3A_273 = tpu.memref_slice %arg3[%add3A_228] : memref<323584xi32, #tpu.memory_space<hbm>> -> memref<128xi32, #tpu.memory_space<hbm>>
        %dma_wait3A_274 = tpu.memref_slice %arg3[%add3A_228] : memref<323584xi32, #tpu.memory_space<hbm>> -> memref<128xi32, #tpu.memory_space<hbm>>
        tpu.wait_dma2 semaphore(%run_scoped3A_270 : memref<!tpu.dma_semaphore, #tpu.memory_space<semaphore_mem>>) src(%dma_wait3A_274 : memref<128xi32, #tpu.memory_space<hbm>>) dst(%arg7 : memref<128xi32, #tpu.memory_space<vmem>>)
        tpu.yield
      }) : () -> ()
      %dma_start3A_241 = arith.constant 1 : i32
      %dma_start3A_242 = arith.constant 0 : i32
      %dma_start3A_243 = arith.constant 0 : i32
      %dma_start3A_244 = tpu.memref_slice %arg9[%dma_start3A_241, %dma_start3A_242, %dma_start3A_243] : memref<2x128x128xf32, #tpu.memory_space<vmem>> -> memref<1x128x128xf32, #tpu.memory_space<vmem>>
      %dma_start3A_245 = tpu.memref_squeeze %dma_start3A_244 : memref<1x128x128xf32, #tpu.memory_space<vmem>> -> memref<128x128xf32, #tpu.memory_space<vmem>>
      %dma_start3A_246 = arith.constant 0 : i32
      %dma_start3A_247 = arith.constant 0 : i32
      %dma_start3A_248 = tpu.memref_slice %arg2[%dma_start3A_246, %dma_start3A_247] : memref<10240x128xf32, #tpu.memory_space<hbm>> -> memref<10240x128xf32, #tpu.memory_space<hbm>>
      tpu.enqueue_indirect_dma source(%dma_start3A_248 : memref<10240x128xf32, #tpu.memory_space<hbm>>) target(%dma_start3A_245 : memref<128x128xf32, #tpu.memory_space<vmem>>) offsets(%arg7 : memref<128xi32, #tpu.memory_space<vmem>>) semaphore(%arg11 : memref<!tpu.dma_semaphore, #tpu.memory_space<semaphore_mem>>)
      %dma_wait3A_249 = arith.constant 1 : i32
      %dma_wait3A_250 = arith.constant 0 : i32
      %dma_wait3A_251 = arith.constant 0 : i32
      %dma_wait3A_252 = tpu.memref_slice %arg9[%dma_wait3A_249, %dma_wait3A_250, %dma_wait3A_251] : memref<2x128x128xf32, #tpu.memory_space<vmem>> -> memref<1x128x128xf32, #tpu.memory_space<vmem>>
      %dma_wait3A_253 = tpu.memref_squeeze %dma_wait3A_252 : memref<1x128x128xf32, #tpu.memory_space<vmem>> -> memref<128x128xf32, #tpu.memory_space<vmem>>
      %dma_wait3A_254 = arith.constant 0 : i32
      %dma_wait3A_255 = arith.constant 0 : i32
      %dma_wait3A_256 = tpu.memref_slice %arg2[%dma_wait3A_254, %dma_wait3A_255] : memref<10240x128xf32, #tpu.memory_space<hbm>> -> memref<10240x128xf32, #tpu.memory_space<hbm>>
      tpu.wait_indirect_dma semaphore(%arg11 : memref<!tpu.dma_semaphore, #tpu.memory_space<semaphore_mem>>) src(%dma_wait3A_256 : memref<10240x128xf32, #tpu.memory_space<hbm>>) dst(%dma_wait3A_253 : memref<128x128xf32, #tpu.memory_space<vmem>>)
      %run_scoped3A_257 = arith.constant 1 : i32
      "tpu.region"() ({
        %run_scoped3A_270 = tpu.sem_alloc : memref<!tpu.dma_semaphore, #tpu.memory_space<semaphore_mem>>
        %dma_start3A_271 = arith.constant 0 : i32
        %dma_start3A_272 = tpu.memref_slice %arg8[%run_scoped3A_257, %dma_start3A_271] : memref<2x128xi32, #tpu.memory_space<vmem>> -> memref<1x128xi32, #tpu.memory_space<vmem>>
        %dma_start3A_273 = tpu.memref_squeeze %dma_start3A_272 : memref<1x128xi32, #tpu.memory_space<vmem>> -> memref<128xi32, #tpu.memory_space<vmem>>
        %dma_start3A_274 = tpu.memref_slice %arg4[%add3A_228] : memref<323584xi32, #tpu.memory_space<hbm>> -> memref<128xi32, #tpu.memory_space<hbm>>
        %dma_start3A_275 = arith.constant 0 : i32
        %dma_start3A_276 = tpu.memref_slice %arg8[%run_scoped3A_257, %dma_start3A_275] : memref<2x128xi32, #tpu.memory_space<vmem>> -> memref<1x128xi32, #tpu.memory_space<vmem>>
        %dma_start3A_277 = tpu.memref_squeeze %dma_start3A_276 : memref<1x128xi32, #tpu.memory_space<vmem>> -> memref<128xi32, #tpu.memory_space<vmem>>
        %dma_start3A_278 = tpu.memref_slice %arg4[%add3A_228] : memref<323584xi32, #tpu.memory_space<hbm>> -> memref<128xi32, #tpu.memory_space<hbm>>
        tpu.enqueue_dma source(%dma_start3A_278 : memref<128xi32, #tpu.memory_space<hbm>>) target(%dma_start3A_277 : memref<128xi32, #tpu.memory_space<vmem>>) target_semaphore(%run_scoped3A_270 : memref<!tpu.dma_semaphore, #tpu.memory_space<semaphore_mem>>)
        %dma_wait3A_279 = arith.constant 0 : i32
        %dma_wait3A_280 = tpu.memref_slice %arg8[%run_scoped3A_257, %dma_wait3A_279] : memref<2x128xi32, #tpu.memory_space<vmem>> -> memref<1x128xi32, #tpu.memory_space<vmem>>
        %dma_wait3A_281 = tpu.memref_squeeze %dma_wait3A_280 : memref<1x128xi32, #tpu.memory_space<vmem>> -> memref<128xi32, #tpu.memory_space<vmem>>
        %dma_wait3A_282 = tpu.memref_slice %arg4[%add3A_228] : memref<323584xi32, #tpu.memory_space<hbm>> -> memref<128xi32, #tpu.memory_space<hbm>>
        %dma_wait3A_283 = arith.constant 0 : i32
        %dma_wait3A_284 = tpu.memref_slice %arg8[%run_scoped3A_257, %dma_wait3A_283] : memref<2x128xi32, #tpu.memory_space<vmem>> -> memref<1x128xi32, #tpu.memory_space<vmem>>
        %dma_wait3A_285 = tpu.memref_squeeze %dma_wait3A_284 : memref<1x128xi32, #tpu.memory_space<vmem>> -> memref<128xi32, #tpu.memory_space<vmem>>
        %dma_wait3A_286 = tpu.memref_slice %arg4[%add3A_228] : memref<323584xi32, #tpu.memory_space<hbm>> -> memref<128xi32, #tpu.memory_space<hbm>>
        tpu.wait_dma2 semaphore(%run_scoped3A_270 : memref<!tpu.dma_semaphore, #tpu.memory_space<semaphore_mem>>) src(%dma_wait3A_286 : memref<128xi32, #tpu.memory_space<hbm>>) dst(%dma_wait3A_285 : memref<128xi32, #tpu.memory_space<vmem>>)
        tpu.yield
      }) : () -> ()
      %dma_start3A_258 = arith.constant 1 : i32
      %dma_start3A_259 = arith.constant 1 : i32
      %dma_start3A_260 = arith.constant 0 : i32
      %dma_start3A_261 = arith.constant 0 : i32
      %dma_start3A_262 = tpu.memref_slice %arg9[%dma_start3A_258, %dma_start3A_260, %dma_start3A_261] : memref<2x128x128xf32, #tpu.memory_space<vmem>> -> memref<1x128x128xf32, #tpu.memory_space<vmem>>
      %dma_start3A_263 = tpu.memref_squeeze %dma_start3A_262 : memref<1x128x128xf32, #tpu.memory_space<vmem>> -> memref<128x128xf32, #tpu.memory_space<vmem>>
      %dma_start3A_264 = arith.constant 0 : i32
      %dma_start3A_265 = tpu.memref_slice %arg8[%dma_start3A_259, %dma_start3A_264] : memref<2x128xi32, #tpu.memory_space<vmem>> -> memref<1x128xi32, #tpu.memory_space<vmem>>
      %dma_start3A_266 = tpu.memref_squeeze %dma_start3A_265 : memref<1x128xi32, #tpu.memory_space<vmem>> -> memref<128xi32, #tpu.memory_space<vmem>>
      %dma_start3A_267 = arith.constant 0 : i32
      %dma_start3A_268 = arith.constant 0 : i32
      %dma_start3A_269 = tpu.memref_slice %arg10[%dma_start3A_267, %dma_start3A_268] : memref<10240x128xf32, #tpu.memory_space<vmem_shared>> -> memref<10240x128xf32, #tpu.memory_space<vmem_shared>>
      tpu.enqueue_indirect_dma source(%dma_start3A_263 : memref<128x128xf32, #tpu.memory_space<vmem>>) target(%dma_start3A_269 : memref<10240x128xf32, #tpu.memory_space<vmem_shared>>) offsets(%dma_start3A_266 : memref<128xi32, #tpu.memory_space<vmem>>) semaphore(%arg13 : memref<!tpu.dma_semaphore, #tpu.memory_space<semaphore_mem>>) {add = true}
    }
    %while3A_100 = arith.constant 1 : i32
    scf.for %while3A_175 = %while3A_98 to %while3A_94 step %while3A_100  : i32 {
      %mul3A_176 = arith.constant 2 : i32
      %mul3A_177 = arith.muli %while3A_175, %mul3A_176 : i32
      %mul3A_178 = arith.constant 128 : i32
      %mul3A_179 = arith.muli %mul3A_177, %mul3A_178 : i32
      %add3A_180 = arith.addi %mul3A_47, %mul3A_179 : i32
      %dma_wait3A_181 = arith.constant 0 : i32
      %dma_wait3A_182 = arith.constant 0 : i32
      %dma_wait3A_183 = arith.constant 0 : i32
      %dma_wait3A_184 = arith.constant 0 : i32
      %dma_wait3A_185 = tpu.memref_slice %arg9[%dma_wait3A_181, %dma_wait3A_183, %dma_wait3A_184] : memref<2x128x128xf32, #tpu.memory_space<vmem>> -> memref<1x128x128xf32, #tpu.memory_space<vmem>>
      %dma_wait3A_186 = tpu.memref_squeeze %dma_wait3A_185 : memref<1x128x128xf32, #tpu.memory_space<vmem>> -> memref<128x128xf32, #tpu.memory_space<vmem>>
      %dma_wait3A_187 = arith.constant 0 : i32
      %dma_wait3A_188 = tpu.memref_slice %arg8[%dma_wait3A_182, %dma_wait3A_187] : memref<2x128xi32, #tpu.memory_space<vmem>> -> memref<1x128xi32, #tpu.memory_space<vmem>>
      %dma_wait3A_189 = tpu.memref_squeeze %dma_wait3A_188 : memref<1x128xi32, #tpu.memory_space<vmem>> -> memref<128xi32, #tpu.memory_space<vmem>>
      %dma_wait3A_190 = arith.constant 0 : i32
      %dma_wait3A_191 = arith.constant 0 : i32
      %dma_wait3A_192 = tpu.memref_slice %arg10[%dma_wait3A_190, %dma_wait3A_191] : memref<10240x128xf32, #tpu.memory_space<vmem_shared>> -> memref<10240x128xf32, #tpu.memory_space<vmem_shared>>
      tpu.wait_indirect_dma semaphore(%arg12 : memref<!tpu.dma_semaphore, #tpu.memory_space<semaphore_mem>>) src(%dma_wait3A_186 : memref<128x128xf32, #tpu.memory_space<vmem>>) dst(%dma_wait3A_192 : memref<10240x128xf32, #tpu.memory_space<vmem_shared>>)
      "tpu.region"() ({
        %run_scoped3A_270 = tpu.sem_alloc : memref<!tpu.dma_semaphore, #tpu.memory_space<semaphore_mem>>
        %dma_start3A_271 = tpu.memref_slice %arg3[%add3A_180] : memref<323584xi32, #tpu.memory_space<hbm>> -> memref<128xi32, #tpu.memory_space<hbm>>
        %dma_start3A_272 = tpu.memref_slice %arg3[%add3A_180] : memref<323584xi32, #tpu.memory_space<hbm>> -> memref<128xi32, #tpu.memory_space<hbm>>
        tpu.enqueue_dma source(%dma_start3A_272 : memref<128xi32, #tpu.memory_space<hbm>>) target(%arg7 : memref<128xi32, #tpu.memory_space<vmem>>) target_semaphore(%run_scoped3A_270 : memref<!tpu.dma_semaphore, #tpu.memory_space<semaphore_mem>>)
        %dma_wait3A_273 = tpu.memref_slice %arg3[%add3A_180] : memref<323584xi32, #tpu.memory_space<hbm>> -> memref<128xi32, #tpu.memory_space<hbm>>
        %dma_wait3A_274 = tpu.memref_slice %arg3[%add3A_180] : memref<323584xi32, #tpu.memory_space<hbm>> -> memref<128xi32, #tpu.memory_space<hbm>>
        tpu.wait_dma2 semaphore(%run_scoped3A_270 : memref<!tpu.dma_semaphore, #tpu.memory_space<semaphore_mem>>) src(%dma_wait3A_274 : memref<128xi32, #tpu.memory_space<hbm>>) dst(%arg7 : memref<128xi32, #tpu.memory_space<vmem>>)
        tpu.yield
      }) : () -> ()
      %dma_start3A_193 = arith.constant 0 : i32
      %dma_start3A_194 = arith.constant 0 : i32
      %dma_start3A_195 = arith.constant 0 : i32
      %dma_start3A_196 = tpu.memref_slice %arg9[%dma_start3A_193, %dma_start3A_194, %dma_start3A_195] : memref<2x128x128xf32, #tpu.memory_space<vmem>> -> memref<1x128x128xf32, #tpu.memory_space<vmem>>
      %dma_start3A_197 = tpu.memref_squeeze %dma_start3A_196 : memref<1x128x128xf32, #tpu.memory_space<vmem>> -> memref<128x128xf32, #tpu.memory_space<vmem>>
      %dma_start3A_198 = arith.constant 0 : i32
      %dma_start3A_199 = arith.constant 0 : i32
      %dma_start3A_200 = tpu.memref_slice %arg2[%dma_start3A_198, %dma_start3A_199] : memref<10240x128xf32, #tpu.memory_space<hbm>> -> memref<10240x128xf32, #tpu.memory_space<hbm>>
      tpu.enqueue_indirect_dma source(%dma_start3A_200 : memref<10240x128xf32, #tpu.memory_space<hbm>>) target(%dma_start3A_197 : memref<128x128xf32, #tpu.memory_space<vmem>>) offsets(%arg7 : memref<128xi32, #tpu.memory_space<vmem>>) semaphore(%arg11 : memref<!tpu.dma_semaphore, #tpu.memory_space<semaphore_mem>>)
      %dma_wait3A_201 = arith.constant 0 : i32
      %dma_wait3A_202 = arith.constant 0 : i32
      %dma_wait3A_203 = arith.constant 0 : i32
      %dma_wait3A_204 = tpu.memref_slice %arg9[%dma_wait3A_201, %dma_wait3A_202, %dma_wait3A_203] : memref<2x128x128xf32, #tpu.memory_space<vmem>> -> memref<1x128x128xf32, #tpu.memory_space<vmem>>
      %dma_wait3A_205 = tpu.memref_squeeze %dma_wait3A_204 : memref<1x128x128xf32, #tpu.memory_space<vmem>> -> memref<128x128xf32, #tpu.memory_space<vmem>>
      %dma_wait3A_206 = arith.constant 0 : i32
      %dma_wait3A_207 = arith.constant 0 : i32
      %dma_wait3A_208 = tpu.memref_slice %arg2[%dma_wait3A_206, %dma_wait3A_207] : memref<10240x128xf32, #tpu.memory_space<hbm>> -> memref<10240x128xf32, #tpu.memory_space<hbm>>
      tpu.wait_indirect_dma semaphore(%arg11 : memref<!tpu.dma_semaphore, #tpu.memory_space<semaphore_mem>>) src(%dma_wait3A_208 : memref<10240x128xf32, #tpu.memory_space<hbm>>) dst(%dma_wait3A_205 : memref<128x128xf32, #tpu.memory_space<vmem>>)
      %run_scoped3A_209 = arith.constant 0 : i32
      "tpu.region"() ({
        %run_scoped3A_270 = tpu.sem_alloc : memref<!tpu.dma_semaphore, #tpu.memory_space<semaphore_mem>>
        %dma_start3A_271 = arith.constant 0 : i32
        %dma_start3A_272 = tpu.memref_slice %arg8[%run_scoped3A_209, %dma_start3A_271] : memref<2x128xi32, #tpu.memory_space<vmem>> -> memref<1x128xi32, #tpu.memory_space<vmem>>
        %dma_start3A_273 = tpu.memref_squeeze %dma_start3A_272 : memref<1x128xi32, #tpu.memory_space<vmem>> -> memref<128xi32, #tpu.memory_space<vmem>>
        %dma_start3A_274 = tpu.memref_slice %arg4[%add3A_180] : memref<323584xi32, #tpu.memory_space<hbm>> -> memref<128xi32, #tpu.memory_space<hbm>>
        %dma_start3A_275 = arith.constant 0 : i32
        %dma_start3A_276 = tpu.memref_slice %arg8[%run_scoped3A_209, %dma_start3A_275] : memref<2x128xi32, #tpu.memory_space<vmem>> -> memref<1x128xi32, #tpu.memory_space<vmem>>
        %dma_start3A_277 = tpu.memref_squeeze %dma_start3A_276 : memref<1x128xi32, #tpu.memory_space<vmem>> -> memref<128xi32, #tpu.memory_space<vmem>>
        %dma_start3A_278 = tpu.memref_slice %arg4[%add3A_180] : memref<323584xi32, #tpu.memory_space<hbm>> -> memref<128xi32, #tpu.memory_space<hbm>>
        tpu.enqueue_dma source(%dma_start3A_278 : memref<128xi32, #tpu.memory_space<hbm>>) target(%dma_start3A_277 : memref<128xi32, #tpu.memory_space<vmem>>) target_semaphore(%run_scoped3A_270 : memref<!tpu.dma_semaphore, #tpu.memory_space<semaphore_mem>>)
        %dma_wait3A_279 = arith.constant 0 : i32
        %dma_wait3A_280 = tpu.memref_slice %arg8[%run_scoped3A_209, %dma_wait3A_279] : memref<2x128xi32, #tpu.memory_space<vmem>> -> memref<1x128xi32, #tpu.memory_space<vmem>>
        %dma_wait3A_281 = tpu.memref_squeeze %dma_wait3A_280 : memref<1x128xi32, #tpu.memory_space<vmem>> -> memref<128xi32, #tpu.memory_space<vmem>>
        %dma_wait3A_282 = tpu.memref_slice %arg4[%add3A_180] : memref<323584xi32, #tpu.memory_space<hbm>> -> memref<128xi32, #tpu.memory_space<hbm>>
        %dma_wait3A_283 = arith.constant 0 : i32
        %dma_wait3A_284 = tpu.memref_slice %arg8[%run_scoped3A_209, %dma_wait3A_283] : memref<2x128xi32, #tpu.memory_space<vmem>> -> memref<1x128xi32, #tpu.memory_space<vmem>>
        %dma_wait3A_285 = tpu.memref_squeeze %dma_wait3A_284 : memref<1x128xi32, #tpu.memory_space<vmem>> -> memref<128xi32, #tpu.memory_space<vmem>>
        %dma_wait3A_286 = tpu.memref_slice %arg4[%add3A_180] : memref<323584xi32, #tpu.memory_space<hbm>> -> memref<128xi32, #tpu.memory_space<hbm>>
        tpu.wait_dma2 semaphore(%run_scoped3A_270 : memref<!tpu.dma_semaphore, #tpu.memory_space<semaphore_mem>>) src(%dma_wait3A_286 : memref<128xi32, #tpu.memory_space<hbm>>) dst(%dma_wait3A_285 : memref<128xi32, #tpu.memory_space<vmem>>)
        tpu.yield
      }) : () -> ()
      %dma_start3A_210 = arith.constant 0 : i32
      %dma_start3A_211 = arith.constant 0 : i32
      %dma_start3A_212 = arith.constant 0 : i32
      %dma_start3A_213 = arith.constant 0 : i32
      %dma_start3A_214 = tpu.memref_slice %arg9[%dma_start3A_210, %dma_start3A_212, %dma_start3A_213] : memref<2x128x128xf32, #tpu.memory_space<vmem>> -> memref<1x128x128xf32, #tpu.memory_space<vmem>>
      %dma_start3A_215 = tpu.memref_squeeze %dma_start3A_214 : memref<1x128x128xf32, #tpu.memory_space<vmem>> -> memref<128x128xf32, #tpu.memory_space<vmem>>
      %dma_start3A_216 = arith.constant 0 : i32
      %dma_start3A_217 = tpu.memref_slice %arg8[%dma_start3A_211, %dma_start3A_216] : memref<2x128xi32, #tpu.memory_space<vmem>> -> memref<1x128xi32, #tpu.memory_space<vmem>>
      %dma_start3A_218 = tpu.memref_squeeze %dma_start3A_217 : memref<1x128xi32, #tpu.memory_space<vmem>> -> memref<128xi32, #tpu.memory_space<vmem>>
      %dma_start3A_219 = arith.constant 0 : i32
      %dma_start3A_220 = arith.constant 0 : i32
      %dma_start3A_221 = tpu.memref_slice %arg10[%dma_start3A_219, %dma_start3A_220] : memref<10240x128xf32, #tpu.memory_space<vmem_shared>> -> memref<10240x128xf32, #tpu.memory_space<vmem_shared>>
      tpu.enqueue_indirect_dma source(%dma_start3A_215 : memref<128x128xf32, #tpu.memory_space<vmem>>) target(%dma_start3A_221 : memref<10240x128xf32, #tpu.memory_space<vmem_shared>>) offsets(%dma_start3A_218 : memref<128xi32, #tpu.memory_space<vmem>>) semaphore(%arg12 : memref<!tpu.dma_semaphore, #tpu.memory_space<semaphore_mem>>) {add = true}
      %mul3A_222 = arith.constant 2 : i32
      %mul3A_223 = arith.muli %while3A_175, %mul3A_222 : i32
      %add3A_224 = arith.constant 1 : i32
      %add3A_225 = arith.addi %mul3A_223, %add3A_224 : i32
      %mul3A_226 = arith.constant 128 : i32
      %mul3A_227 = arith.muli %add3A_225, %mul3A_226 : i32
      %add3A_228 = arith.addi %mul3A_47, %mul3A_227 : i32
      %dma_wait3A_229 = arith.constant 1 : i32
      %dma_wait3A_230 = arith.constant 1 : i32
      %dma_wait3A_231 = arith.constant 0 : i32
      %dma_wait3A_232 = arith.constant 0 : i32
      %dma_wait3A_233 = tpu.memref_slice %arg9[%dma_wait3A_229, %dma_wait3A_231, %dma_wait3A_232] : memref<2x128x128xf32, #tpu.memory_space<vmem>> -> memref<1x128x128xf32, #tpu.memory_space<vmem>>
      %dma_wait3A_234 = tpu.memref_squeeze %dma_wait3A_233 : memref<1x128x128xf32, #tpu.memory_space<vmem>> -> memref<128x128xf32, #tpu.memory_space<vmem>>
      %dma_wait3A_235 = arith.constant 0 : i32
      %dma_wait3A_236 = tpu.memref_slice %arg8[%dma_wait3A_230, %dma_wait3A_235] : memref<2x128xi32, #tpu.memory_space<vmem>> -> memref<1x128xi32, #tpu.memory_space<vmem>>
      %dma_wait3A_237 = tpu.memref_squeeze %dma_wait3A_236 : memref<1x128xi32, #tpu.memory_space<vmem>> -> memref<128xi32, #tpu.memory_space<vmem>>
      %dma_wait3A_238 = arith.constant 0 : i32
      %dma_wait3A_239 = arith.constant 0 : i32
      %dma_wait3A_240 = tpu.memref_slice %arg10[%dma_wait3A_238, %dma_wait3A_239] : memref<10240x128xf32, #tpu.memory_space<vmem_shared>> -> memref<10240x128xf32, #tpu.memory_space<vmem_shared>>
      tpu.wait_indirect_dma semaphore(%arg13 : memref<!tpu.dma_semaphore, #tpu.memory_space<semaphore_mem>>) src(%dma_wait3A_234 : memref<128x128xf32, #tpu.memory_space<vmem>>) dst(%dma_wait3A_240 : memref<10240x128xf32, #tpu.memory_space<vmem_shared>>)
      "tpu.region"() ({
        %run_scoped3A_270 = tpu.sem_alloc : memref<!tpu.dma_semaphore, #tpu.memory_space<semaphore_mem>>
        %dma_start3A_271 = tpu.memref_slice %arg3[%add3A_228] : memref<323584xi32, #tpu.memory_space<hbm>> -> memref<128xi32, #tpu.memory_space<hbm>>
        %dma_start3A_272 = tpu.memref_slice %arg3[%add3A_228] : memref<323584xi32, #tpu.memory_space<hbm>> -> memref<128xi32, #tpu.memory_space<hbm>>
        tpu.enqueue_dma source(%dma_start3A_272 : memref<128xi32, #tpu.memory_space<hbm>>) target(%arg7 : memref<128xi32, #tpu.memory_space<vmem>>) target_semaphore(%run_scoped3A_270 : memref<!tpu.dma_semaphore, #tpu.memory_space<semaphore_mem>>)
        %dma_wait3A_273 = tpu.memref_slice %arg3[%add3A_228] : memref<323584xi32, #tpu.memory_space<hbm>> -> memref<128xi32, #tpu.memory_space<hbm>>
        %dma_wait3A_274 = tpu.memref_slice %arg3[%add3A_228] : memref<323584xi32, #tpu.memory_space<hbm>> -> memref<128xi32, #tpu.memory_space<hbm>>
        tpu.wait_dma2 semaphore(%run_scoped3A_270 : memref<!tpu.dma_semaphore, #tpu.memory_space<semaphore_mem>>) src(%dma_wait3A_274 : memref<128xi32, #tpu.memory_space<hbm>>) dst(%arg7 : memref<128xi32, #tpu.memory_space<vmem>>)
        tpu.yield
      }) : () -> ()
      %dma_start3A_241 = arith.constant 1 : i32
      %dma_start3A_242 = arith.constant 0 : i32
      %dma_start3A_243 = arith.constant 0 : i32
      %dma_start3A_244 = tpu.memref_slice %arg9[%dma_start3A_241, %dma_start3A_242, %dma_start3A_243] : memref<2x128x128xf32, #tpu.memory_space<vmem>> -> memref<1x128x128xf32, #tpu.memory_space<vmem>>
      %dma_start3A_245 = tpu.memref_squeeze %dma_start3A_244 : memref<1x128x128xf32, #tpu.memory_space<vmem>> -> memref<128x128xf32, #tpu.memory_space<vmem>>
      %dma_start3A_246 = arith.constant 0 : i32
      %dma_start3A_247 = arith.constant 0 : i32
      %dma_start3A_248 = tpu.memref_slice %arg2[%dma_start3A_246, %dma_start3A_247] : memref<10240x128xf32, #tpu.memory_space<hbm>> -> memref<10240x128xf32, #tpu.memory_space<hbm>>
      tpu.enqueue_indirect_dma source(%dma_start3A_248 : memref<10240x128xf32, #tpu.memory_space<hbm>>) target(%dma_start3A_245 : memref<128x128xf32, #tpu.memory_space<vmem>>) offsets(%arg7 : memref<128xi32, #tpu.memory_space<vmem>>) semaphore(%arg11 : memref<!tpu.dma_semaphore, #tpu.memory_space<semaphore_mem>>)
      %dma_wait3A_249 = arith.constant 1 : i32
      %dma_wait3A_250 = arith.constant 0 : i32
      %dma_wait3A_251 = arith.constant 0 : i32
      %dma_wait3A_252 = tpu.memref_slice %arg9[%dma_wait3A_249, %dma_wait3A_250, %dma_wait3A_251] : memref<2x128x128xf32, #tpu.memory_space<vmem>> -> memref<1x128x128xf32, #tpu.memory_space<vmem>>
      %dma_wait3A_253 = tpu.memref_squeeze %dma_wait3A_252 : memref<1x128x128xf32, #tpu.memory_space<vmem>> -> memref<128x128xf32, #tpu.memory_space<vmem>>
      %dma_wait3A_254 = arith.constant 0 : i32
      %dma_wait3A_255 = arith.constant 0 : i32
      %dma_wait3A_256 = tpu.memref_slice %arg2[%dma_wait3A_254, %dma_wait3A_255] : memref<10240x128xf32, #tpu.memory_space<hbm>> -> memref<10240x128xf32, #tpu.memory_space<hbm>>
      tpu.wait_indirect_dma semaphore(%arg11 : memref<!tpu.dma_semaphore, #tpu.memory_space<semaphore_mem>>) src(%dma_wait3A_256 : memref<10240x128xf32, #tpu.memory_space<hbm>>) dst(%dma_wait3A_253 : memref<128x128xf32, #tpu.memory_space<vmem>>)
      %run_scoped3A_257 = arith.constant 1 : i32
      "tpu.region"() ({
        %run_scoped3A_270 = tpu.sem_alloc : memref<!tpu.dma_semaphore, #tpu.memory_space<semaphore_mem>>
        %dma_start3A_271 = arith.constant 0 : i32
        %dma_start3A_272 = tpu.memref_slice %arg8[%run_scoped3A_257, %dma_start3A_271] : memref<2x128xi32, #tpu.memory_space<vmem>> -> memref<1x128xi32, #tpu.memory_space<vmem>>
        %dma_start3A_273 = tpu.memref_squeeze %dma_start3A_272 : memref<1x128xi32, #tpu.memory_space<vmem>> -> memref<128xi32, #tpu.memory_space<vmem>>
        %dma_start3A_274 = tpu.memref_slice %arg4[%add3A_228] : memref<323584xi32, #tpu.memory_space<hbm>> -> memref<128xi32, #tpu.memory_space<hbm>>
        %dma_start3A_275 = arith.constant 0 : i32
        %dma_start3A_276 = tpu.memref_slice %arg8[%run_scoped3A_257, %dma_start3A_275] : memref<2x128xi32, #tpu.memory_space<vmem>> -> memref<1x128xi32, #tpu.memory_space<vmem>>
        %dma_start3A_277 = tpu.memref_squeeze %dma_start3A_276 : memref<1x128xi32, #tpu.memory_space<vmem>> -> memref<128xi32, #tpu.memory_space<vmem>>
        %dma_start3A_278 = tpu.memref_slice %arg4[%add3A_228] : memref<323584xi32, #tpu.memory_space<hbm>> -> memref<128xi32, #tpu.memory_space<hbm>>
        tpu.enqueue_dma source(%dma_start3A_278 : memref<128xi32, #tpu.memory_space<hbm>>) target(%dma_start3A_277 : memref<128xi32, #tpu.memory_space<vmem>>) target_semaphore(%run_scoped3A_270 : memref<!tpu.dma_semaphore, #tpu.memory_space<semaphore_mem>>)
        %dma_wait3A_279 = arith.constant 0 : i32
        %dma_wait3A_280 = tpu.memref_slice %arg8[%run_scoped3A_257, %dma_wait3A_279] : memref<2x128xi32, #tpu.memory_space<vmem>> -> memref<1x128xi32, #tpu.memory_space<vmem>>
        %dma_wait3A_281 = tpu.memref_squeeze %dma_wait3A_280 : memref<1x128xi32, #tpu.memory_space<vmem>> -> memref<128xi32, #tpu.memory_space<vmem>>
        %dma_wait3A_282 = tpu.memref_slice %arg4[%add3A_228] : memref<323584xi32, #tpu.memory_space<hbm>> -> memref<128xi32, #tpu.memory_space<hbm>>
        %dma_wait3A_283 = arith.constant 0 : i32
        %dma_wait3A_284 = tpu.memref_slice %arg8[%run_scoped3A_257, %dma_wait3A_283] : memref<2x128xi32, #tpu.memory_space<vmem>> -> memref<1x128xi32, #tpu.memory_space<vmem>>
        %dma_wait3A_285 = tpu.memref_squeeze %dma_wait3A_284 : memref<1x128xi32, #tpu.memory_space<vmem>> -> memref<128xi32, #tpu.memory_space<vmem>>
        %dma_wait3A_286 = tpu.memref_slice %arg4[%add3A_228] : memref<323584xi32, #tpu.memory_space<hbm>> -> memref<128xi32, #tpu.memory_space<hbm>>
        tpu.wait_dma2 semaphore(%run_scoped3A_270 : memref<!tpu.dma_semaphore, #tpu.memory_space<semaphore_mem>>) src(%dma_wait3A_286 : memref<128xi32, #tpu.memory_space<hbm>>) dst(%dma_wait3A_285 : memref<128xi32, #tpu.memory_space<vmem>>)
        tpu.yield
      }) : () -> ()
      %dma_start3A_258 = arith.constant 1 : i32
      %dma_start3A_259 = arith.constant 1 : i32
      %dma_start3A_260 = arith.constant 0 : i32
      %dma_start3A_261 = arith.constant 0 : i32
      %dma_start3A_262 = tpu.memref_slice %arg9[%dma_start3A_258, %dma_start3A_260, %dma_start3A_261] : memref<2x128x128xf32, #tpu.memory_space<vmem>> -> memref<1x128x128xf32, #tpu.memory_space<vmem>>
      %dma_start3A_263 = tpu.memref_squeeze %dma_start3A_262 : memref<1x128x128xf32, #tpu.memory_space<vmem>> -> memref<128x128xf32, #tpu.memory_space<vmem>>
      %dma_start3A_264 = arith.constant 0 : i32
      %dma_start3A_265 = tpu.memref_slice %arg8[%dma_start3A_259, %dma_start3A_264] : memref<2x128xi32, #tpu.memory_space<vmem>> -> memref<1x128xi32, #tpu.memory_space<vmem>>
      %dma_start3A_266 = tpu.memref_squeeze %dma_start3A_265 : memref<1x128xi32, #tpu.memory_space<vmem>> -> memref<128xi32, #tpu.memory_space<vmem>>
      %dma_start3A_267 = arith.constant 0 : i32
      %dma_start3A_268 = arith.constant 0 : i32
      %dma_start3A_269 = tpu.memref_slice %arg10[%dma_start3A_267, %dma_start3A_268] : memref<10240x128xf32, #tpu.memory_space<vmem_shared>> -> memref<10240x128xf32, #tpu.memory_space<vmem_shared>>
      tpu.enqueue_indirect_dma source(%dma_start3A_263 : memref<128x128xf32, #tpu.memory_space<vmem>>) target(%dma_start3A_269 : memref<10240x128xf32, #tpu.memory_space<vmem_shared>>) offsets(%dma_start3A_266 : memref<128xi32, #tpu.memory_space<vmem>>) semaphore(%arg13 : memref<!tpu.dma_semaphore, #tpu.memory_space<semaphore_mem>>) {add = true}
    }
    %sub3A_101 = arith.constant 1 : i32
    %sub3A_102 = arith.subi %select_n3A, %sub3A_101 : i32
    %mul3A_103 = arith.constant 128 : i32
    %mul3A_104 = arith.muli %sub3A_102, %mul3A_103 : i32
    %add3A_105 = arith.addi %mul3A_47, %mul3A_104 : i32
    %dma_wait3A = arith.constant 0 : i32
    %dma_wait3A_106 = arith.constant 0 : i32
    %dma_wait3A_107 = arith.constant 0 : i32
    %dma_wait3A_108 = arith.constant 0 : i32
    %dma_wait3A_109 = tpu.memref_slice %arg9[%dma_wait3A, %dma_wait3A_107, %dma_wait3A_108] : memref<2x128x128xf32, #tpu.memory_space<vmem>> -> memref<1x128x128xf32, #tpu.memory_space<vmem>>
    %dma_wait3A_110 = tpu.memref_squeeze %dma_wait3A_109 : memref<1x128x128xf32, #tpu.memory_space<vmem>> -> memref<128x128xf32, #tpu.memory_space<vmem>>
    %dma_wait3A_111 = arith.constant 0 : i32
    %dma_wait3A_112 = tpu.memref_slice %arg8[%dma_wait3A_106, %dma_wait3A_111] : memref<2x128xi32, #tpu.memory_space<vmem>> -> memref<1x128xi32, #tpu.memory_space<vmem>>
    %dma_wait3A_113 = tpu.memref_squeeze %dma_wait3A_112 : memref<1x128xi32, #tpu.memory_space<vmem>> -> memref<128xi32, #tpu.memory_space<vmem>>
    %dma_wait3A_114 = arith.constant 0 : i32
    %dma_wait3A_115 = arith.constant 0 : i32
    %dma_wait3A_116 = tpu.memref_slice %arg10[%dma_wait3A_114, %dma_wait3A_115] : memref<10240x128xf32, #tpu.memory_space<vmem_shared>> -> memref<10240x128xf32, #tpu.memory_space<vmem_shared>>
    tpu.wait_indirect_dma semaphore(%arg12 : memref<!tpu.dma_semaphore, #tpu.memory_space<semaphore_mem>>) src(%dma_wait3A_110 : memref<128x128xf32, #tpu.memory_space<vmem>>) dst(%dma_wait3A_116 : memref<10240x128xf32, #tpu.memory_space<vmem_shared>>)
    "tpu.region"() ({
      %run_scoped3A_175 = tpu.sem_alloc : memref<!tpu.dma_semaphore, #tpu.memory_space<semaphore_mem>>
      %dma_start3A_176 = tpu.memref_slice %arg3[%add3A_105] : memref<323584xi32, #tpu.memory_space<hbm>> -> memref<128xi32, #tpu.memory_space<hbm>>
      %dma_start3A_177 = tpu.memref_slice %arg3[%add3A_105] : memref<323584xi32, #tpu.memory_space<hbm>> -> memref<128xi32, #tpu.memory_space<hbm>>
      tpu.enqueue_dma source(%dma_start3A_177 : memref<128xi32, #tpu.memory_space<hbm>>) target(%arg7 : memref<128xi32, #tpu.memory_space<vmem>>) target_semaphore(%run_scoped3A_175 : memref<!tpu.dma_semaphore, #tpu.memory_space<semaphore_mem>>)
      %dma_wait3A_178 = tpu.memref_slice %arg3[%add3A_105] : memref<323584xi32, #tpu.memory_space<hbm>> -> memref<128xi32, #tpu.memory_space<hbm>>
      %dma_wait3A_179 = tpu.memref_slice %arg3[%add3A_105] : memref<323584xi32, #tpu.memory_space<hbm>> -> memref<128xi32, #tpu.memory_space<hbm>>
      tpu.wait_dma2 semaphore(%run_scoped3A_175 : memref<!tpu.dma_semaphore, #tpu.memory_space<semaphore_mem>>) src(%dma_wait3A_179 : memref<128xi32, #tpu.memory_space<hbm>>) dst(%arg7 : memref<128xi32, #tpu.memory_space<vmem>>)
      tpu.yield
    }) : () -> ()
    %dma_start3A_117 = arith.constant 0 : i32
    %dma_start3A_118 = arith.constant 0 : i32
    %dma_start3A_119 = arith.constant 0 : i32
    %dma_start3A_120 = tpu.memref_slice %arg9[%dma_start3A_117, %dma_start3A_118, %dma_start3A_119] : memref<2x128x128xf32, #tpu.memory_space<vmem>> -> memref<1x128x128xf32, #tpu.memory_space<vmem>>
    %dma_start3A_121 = tpu.memref_squeeze %dma_start3A_120 : memref<1x128x128xf32, #tpu.memory_space<vmem>> -> memref<128x128xf32, #tpu.memory_space<vmem>>
    %dma_start3A_122 = arith.constant 0 : i32
    %dma_start3A_123 = arith.constant 0 : i32
    %dma_start3A_124 = tpu.memref_slice %arg2[%dma_start3A_122, %dma_start3A_123] : memref<10240x128xf32, #tpu.memory_space<hbm>> -> memref<10240x128xf32, #tpu.memory_space<hbm>>
    tpu.enqueue_indirect_dma source(%dma_start3A_124 : memref<10240x128xf32, #tpu.memory_space<hbm>>) target(%dma_start3A_121 : memref<128x128xf32, #tpu.memory_space<vmem>>) offsets(%arg7 : memref<128xi32, #tpu.memory_space<vmem>>) semaphore(%arg11 : memref<!tpu.dma_semaphore, #tpu.memory_space<semaphore_mem>>)
    %dma_wait3A_125 = arith.constant 0 : i32
    %dma_wait3A_126 = arith.constant 0 : i32
    %dma_wait3A_127 = arith.constant 0 : i32
    %dma_wait3A_128 = tpu.memref_slice %arg9[%dma_wait3A_125, %dma_wait3A_126, %dma_wait3A_127] : memref<2x128x128xf32, #tpu.memory_space<vmem>> -> memref<1x128x128xf32, #tpu.memory_space<vmem>>
    %dma_wait3A_129 = tpu.memref_squeeze %dma_wait3A_128 : memref<1x128x128xf32, #tpu.memory_space<vmem>> -> memref<128x128xf32, #tpu.memory_space<vmem>>
    %dma_wait3A_130 = arith.constant 0 : i32
    %dma_wait3A_131 = arith.constant 0 : i32
    %dma_wait3A_132 = tpu.memref_slice %arg2[%dma_wait3A_130, %dma_wait3A_131] : memref<10240x128xf32, #tpu.memory_space<hbm>> -> memref<10240x128xf32, #tpu.memory_space<hbm>>
    tpu.wait_indirect_dma semaphore(%arg11 : memref<!tpu.dma_semaphore, #tpu.memory_space<semaphore_mem>>) src(%dma_wait3A_132 : memref<10240x128xf32, #tpu.memory_space<hbm>>) dst(%dma_wait3A_129 : memref<128x128xf32, #tpu.memory_space<vmem>>)
    %run_scoped3A_133 = arith.constant 0 : i32
    "tpu.region"() ({
      %run_scoped3A_175 = tpu.sem_alloc : memref<!tpu.dma_semaphore, #tpu.memory_space<semaphore_mem>>
      %dma_start3A_176 = arith.constant 0 : i32
      %dma_start3A_177 = tpu.memref_slice %arg8[%run_scoped3A_133, %dma_start3A_176] : memref<2x128xi32, #tpu.memory_space<vmem>> -> memref<1x128xi32, #tpu.memory_space<vmem>>
      %dma_start3A_178 = tpu.memref_squeeze %dma_start3A_177 : memref<1x128xi32, #tpu.memory_space<vmem>> -> memref<128xi32, #tpu.memory_space<vmem>>
      %dma_start3A_179 = tpu.memref_slice %arg4[%add3A_105] : memref<323584xi32, #tpu.memory_space<hbm>> -> memref<128xi32, #tpu.memory_space<hbm>>
      %dma_start3A_180 = arith.constant 0 : i32
      %dma_start3A_181 = tpu.memref_slice %arg8[%run_scoped3A_133, %dma_start3A_180] : memref<2x128xi32, #tpu.memory_space<vmem>> -> memref<1x128xi32, #tpu.memory_space<vmem>>
      %dma_start3A_182 = tpu.memref_squeeze %dma_start3A_181 : memref<1x128xi32, #tpu.memory_space<vmem>> -> memref<128xi32, #tpu.memory_space<vmem>>
      %dma_start3A_183 = tpu.memref_slice %arg4[%add3A_105] : memref<323584xi32, #tpu.memory_space<hbm>> -> memref<128xi32, #tpu.memory_space<hbm>>
      tpu.enqueue_dma source(%dma_start3A_183 : memref<128xi32, #tpu.memory_space<hbm>>) target(%dma_start3A_182 : memref<128xi32, #tpu.memory_space<vmem>>) target_semaphore(%run_scoped3A_175 : memref<!tpu.dma_semaphore, #tpu.memory_space<semaphore_mem>>)
      %dma_wait3A_184 = arith.constant 0 : i32
      %dma_wait3A_185 = tpu.memref_slice %arg8[%run_scoped3A_133, %dma_wait3A_184] : memref<2x128xi32, #tpu.memory_space<vmem>> -> memref<1x128xi32, #tpu.memory_space<vmem>>
      %dma_wait3A_186 = tpu.memref_squeeze %dma_wait3A_185 : memref<1x128xi32, #tpu.memory_space<vmem>> -> memref<128xi32, #tpu.memory_space<vmem>>
      %dma_wait3A_187 = tpu.memref_slice %arg4[%add3A_105] : memref<323584xi32, #tpu.memory_space<hbm>> -> memref<128xi32, #tpu.memory_space<hbm>>
      %dma_wait3A_188 = arith.constant 0 : i32
      %dma_wait3A_189 = tpu.memref_slice %arg8[%run_scoped3A_133, %dma_wait3A_188] : memref<2x128xi32, #tpu.memory_space<vmem>> -> memref<1x128xi32, #tpu.memory_space<vmem>>
      %dma_wait3A_190 = tpu.memref_squeeze %dma_wait3A_189 : memref<1x128xi32, #tpu.memory_space<vmem>> -> memref<128xi32, #tpu.memory_space<vmem>>
      %dma_wait3A_191 = tpu.memref_slice %arg4[%add3A_105] : memref<323584xi32, #tpu.memory_space<hbm>> -> memref<128xi32, #tpu.memory_space<hbm>>
      tpu.wait_dma2 semaphore(%run_scoped3A_175 : memref<!tpu.dma_semaphore, #tpu.memory_space<semaphore_mem>>) src(%dma_wait3A_191 : memref<128xi32, #tpu.memory_space<hbm>>) dst(%dma_wait3A_190 : memref<128xi32, #tpu.memory_space<vmem>>)
      tpu.yield
    }) : () -> ()
    %dma_start3A_134 = arith.constant 0 : i32
    %dma_start3A_135 = arith.constant 0 : i32
    %dma_start3A_136 = arith.constant 0 : i32
    %dma_start3A_137 = arith.constant 0 : i32
    %dma_start3A_138 = tpu.memref_slice %arg9[%dma_start3A_134, %dma_start3A_136, %dma_start3A_137] : memref<2x128x128xf32, #tpu.memory_space<vmem>> -> memref<1x128x128xf32, #tpu.memory_space<vmem>>
    %dma_start3A_139 = tpu.memref_squeeze %dma_start3A_138 : memref<1x128x128xf32, #tpu.memory_space<vmem>> -> memref<128x128xf32, #tpu.memory_space<vmem>>
    %dma_start3A_140 = arith.constant 0 : i32
    %dma_start3A_141 = tpu.memref_slice %arg8[%dma_start3A_135, %dma_start3A_140] : memref<2x128xi32, #tpu.memory_space<vmem>> -> memref<1x128xi32, #tpu.memory_space<vmem>>
    %dma_start3A_142 = tpu.memref_squeeze %dma_start3A_141 : memref<1x128xi32, #tpu.memory_space<vmem>> -> memref<128xi32, #tpu.memory_space<vmem>>
    %dma_start3A_143 = arith.constant 0 : i32
    %dma_start3A_144 = arith.constant 0 : i32
    %dma_start3A_145 = tpu.memref_slice %arg10[%dma_start3A_143, %dma_start3A_144] : memref<10240x128xf32, #tpu.memory_space<vmem_shared>> -> memref<10240x128xf32, #tpu.memory_space<vmem_shared>>
    tpu.enqueue_indirect_dma source(%dma_start3A_139 : memref<128x128xf32, #tpu.memory_space<vmem>>) target(%dma_start3A_145 : memref<10240x128xf32, #tpu.memory_space<vmem_shared>>) offsets(%dma_start3A_142 : memref<128xi32, #tpu.memory_space<vmem>>) semaphore(%arg12 : memref<!tpu.dma_semaphore, #tpu.memory_space<semaphore_mem>>) {add = true}
    %dma_wait3A_146 = arith.constant 0 : i32
    %dma_wait3A_147 = arith.constant 0 : i32
    %dma_wait3A_148 = arith.constant 0 : i32
    %dma_wait3A_149 = arith.constant 0 : i32
    %dma_wait3A_150 = tpu.memref_slice %arg9[%dma_wait3A_146, %dma_wait3A_148, %dma_wait3A_149] : memref<2x128x128xf32, #tpu.memory_space<vmem>> -> memref<1x128x128xf32, #tpu.memory_space<vmem>>
    %dma_wait3A_151 = tpu.memref_squeeze %dma_wait3A_150 : memref<1x128x128xf32, #tpu.memory_space<vmem>> -> memref<128x128xf32, #tpu.memory_space<vmem>>
    %dma_wait3A_152 = arith.constant 0 : i32
    %dma_wait3A_153 = tpu.memref_slice %arg8[%dma_wait3A_147, %dma_wait3A_152] : memref<2x128xi32, #tpu.memory_space<vmem>> -> memref<1x128xi32, #tpu.memory_space<vmem>>
    %dma_wait3A_154 = tpu.memref_squeeze %dma_wait3A_153 : memref<1x128xi32, #tpu.memory_space<vmem>> -> memref<128xi32, #tpu.memory_space<vmem>>
    %dma_wait3A_155 = arith.constant 0 : i32
    %dma_wait3A_156 = arith.constant 0 : i32
    %dma_wait3A_157 = tpu.memref_slice %arg10[%dma_wait3A_155, %dma_wait3A_156] : memref<10240x128xf32, #tpu.memory_space<vmem_shared>> -> memref<10240x128xf32, #tpu.memory_space<vmem_shared>>
    tpu.wait_indirect_dma semaphore(%arg12 : memref<!tpu.dma_semaphore, #tpu.memory_space<semaphore_mem>>) src(%dma_wait3A_151 : memref<128x128xf32, #tpu.memory_space<vmem>>) dst(%dma_wait3A_157 : memref<10240x128xf32, #tpu.memory_space<vmem_shared>>)
    %dma_wait3A_158 = arith.constant 1 : i32
    %dma_wait3A_159 = arith.constant 1 : i32
    %dma_wait3A_160 = arith.constant 0 : i32
    %dma_wait3A_161 = arith.constant 0 : i32
    %dma_wait3A_162 = tpu.memref_slice %arg9[%dma_wait3A_158, %dma_wait3A_160, %dma_wait3A_161] : memref<2x128x128xf32, #tpu.memory_space<vmem>> -> memref<1x128x128xf32, #tpu.memory_space<vmem>>
    %dma_wait3A_163 = tpu.memref_squeeze %dma_wait3A_162 : memref<1x128x128xf32, #tpu.memory_space<vmem>> -> memref<128x128xf32, #tpu.memory_space<vmem>>
    %dma_wait3A_164 = arith.constant 0 : i32
    %dma_wait3A_165 = tpu.memref_slice %arg8[%dma_wait3A_159, %dma_wait3A_164] : memref<2x128xi32, #tpu.memory_space<vmem>> -> memref<1x128xi32, #tpu.memory_space<vmem>>
    %dma_wait3A_166 = tpu.memref_squeeze %dma_wait3A_165 : memref<1x128xi32, #tpu.memory_space<vmem>> -> memref<128xi32, #tpu.memory_space<vmem>>
    %dma_wait3A_167 = arith.constant 0 : i32
    %dma_wait3A_168 = arith.constant 0 : i32
    %dma_wait3A_169 = tpu.memref_slice %arg10[%dma_wait3A_167, %dma_wait3A_168] : memref<10240x128xf32, #tpu.memory_space<vmem_shared>> -> memref<10240x128xf32, #tpu.memory_space<vmem_shared>>
    tpu.wait_indirect_dma semaphore(%arg13 : memref<!tpu.dma_semaphore, #tpu.memory_space<semaphore_mem>>) src(%dma_wait3A_163 : memref<128x128xf32, #tpu.memory_space<vmem>>) dst(%dma_wait3A_169 : memref<10240x128xf32, #tpu.memory_space<vmem_shared>>)
    %barrier3A_170 = arith.constant 0 : index
    tpu.barrier barrier_id(%barrier3A_170)
    %mul3A_171 = arith.constant 640 : i32
    %mul3A_172 = arith.muli %arg1, %mul3A_171 : i32
    %mul3A_173 = arith.constant 640 : i32
    %mul3A_174 = arith.muli %arg1, %mul3A_173 : i32
    "tpu.region"() ({
      %run_scoped3A_175 = tpu.sem_alloc : memref<!tpu.dma_semaphore, #tpu.memory_space<semaphore_mem>>
      %dma_start3A_176 = arith.constant 0 : i32
      %dma_start3A_177 = tpu.memref_slice %arg6[%arg0, %mul3A_174, %dma_start3A_176] : memref<2x10240x128xf32, #tpu.memory_space<hbm>> -> memref<1x640x128xf32, #tpu.memory_space<hbm>>
      %dma_start3A_178 = tpu.memref_squeeze %dma_start3A_177 : memref<1x640x128xf32, #tpu.memory_space<hbm>> -> memref<640x128xf32, #tpu.memory_space<hbm>>
      %dma_start3A_179 = arith.constant 0 : i32
      %dma_start3A_180 = tpu.memref_slice %arg10[%mul3A_172, %dma_start3A_179] : memref<10240x128xf32, #tpu.memory_space<vmem_shared>> -> memref<640x128xf32, #tpu.memory_space<vmem_shared>>
      tpu.enqueue_dma source(%dma_start3A_180 : memref<640x128xf32, #tpu.memory_space<vmem_shared>>) target(%dma_start3A_178 : memref<640x128xf32, #tpu.memory_space<hbm>>) target_semaphore(%run_scoped3A_175 : memref<!tpu.dma_semaphore, #tpu.memory_space<semaphore_mem>>)
      %dma_wait3A_181 = arith.constant 0 : i32
      %dma_wait3A_182 = tpu.memref_slice %arg6[%arg0, %mul3A_174, %dma_wait3A_181] : memref<2x10240x128xf32, #tpu.memory_space<hbm>> -> memref<1x640x128xf32, #tpu.memory_space<hbm>>
      %dma_wait3A_183 = tpu.memref_squeeze %dma_wait3A_182 : memref<1x640x128xf32, #tpu.memory_space<hbm>> -> memref<640x128xf32, #tpu.memory_space<hbm>>
      %dma_wait3A_184 = arith.constant 0 : i32
      %dma_wait3A_185 = tpu.memref_slice %arg10[%mul3A_172, %dma_wait3A_184] : memref<10240x128xf32, #tpu.memory_space<vmem_shared>> -> memref<640x128xf32, #tpu.memory_space<vmem_shared>>
      tpu.wait_dma2 semaphore(%run_scoped3A_175 : memref<!tpu.dma_semaphore, #tpu.memory_space<semaphore_mem>>) src(%dma_wait3A_185 : memref<640x128xf32, #tpu.memory_space<vmem_shared>>) dst(%dma_wait3A_183 : memref<640x128xf32, #tpu.memory_space<hbm>>)
      tpu.yield
    }) : () -> ()
    return
  }
}

module attributes {stable_mosaic.version = 14 : i64} {
  func.func @_tc0_body(%arg0: i32, %arg1: memref<1000x128xf32, #tpu.memory_space<vmem>>, %arg2: memref<1000x128xf32, #tpu.memory_space<vmem>>, %arg3: memref<1000x128xf32, #tpu.memory_space<vmem>>, %arg4: memref<1000x128xf32, #tpu.memory_space<vmem>>, %arg5: memref<1000x128xf32, #tpu.memory_space<vmem>>) attributes {dimension_semantics = [#tpu.dimension_semantics<arbitrary>], iteration_bounds = array<i64: 10>, scalar_prefetch = 0 : i64, scratch_operands = 0 : i64, tpu.core_type = #tpu.core_type<tc>, window_params = [{transform_indices = @transform_0, window_bounds = array<i64: 1000, 128>}, {transform_indices = @transform_1, window_bounds = array<i64: 1000, 128>}, {transform_indices = @transform_2, window_bounds = array<i64: 1000, 128>}, {transform_indices = @transform_3, window_bounds = array<i64: 1000, 128>}, {transform_indices = @transform_4, window_bounds = array<i64: 1000, 128>}]} {
    %get3A = arith.constant 0 : index
    %get3A_0 = arith.constant 0 : index
    %get3A_1 = vector.load %arg2[%get3A, %get3A_0] : memref<1000x128xf32, #tpu.memory_space<vmem>>, vector<1000x1xf32>
    %get3A_2 = arith.constant 0 : index
    %get3A_3 = arith.constant 0 : index
    %get3A_4 = vector.load %arg3[%get3A_2, %get3A_3] : memref<1000x128xf32, #tpu.memory_space<vmem>>, vector<1000x1xf32>
    %add3A = arith.addf %get3A_1, %get3A_4 : vector<1000x1xf32>
    %max3A = arith.constant 1.000000e+00 : f32
    %max3A_5 = vector.broadcast %max3A : f32 to vector<1000x1xf32>
    %max3A_6 = arith.maximumf %add3A, %max3A_5 : vector<1000x1xf32>
    %rsqrt3A = math.rsqrt %max3A_6 : vector<1000x1xf32>
    %broadcast_in_dim3A = vector.shape_cast %rsqrt3A : vector<1000x1xf32> to vector<1000x1xf32>
    %broadcast_in_dim3A_7 = vector.broadcast %broadcast_in_dim3A : vector<1000x1xf32> to vector<1000x128xf32>
    %swap3A = arith.constant 0 : index
    %swap3A_8 = arith.constant 0 : index
    %swap3A_9 = vector.load %arg4[%swap3A, %swap3A_8] : memref<1000x128xf32, #tpu.memory_space<vmem>>, vector<1000x128xf32>
    tpu.vector_store %arg4[%swap3A, %swap3A_8], %broadcast_in_dim3A_7 {strides = array<i32>} : memref<1000x128xf32, #tpu.memory_space<vmem>>, vector<1000x128xf32>,
    %get3A_10 = arith.constant 0 : index
    %get3A_11 = arith.constant 0 : index
    %get3A_12 = vector.load %arg1[%get3A_10, %get3A_11] : memref<1000x128xf32, #tpu.memory_space<vmem>>, vector<1000x128xf32>
    %mul3A = arith.mulf %get3A_12, %broadcast_in_dim3A_7 : vector<1000x128xf32>
    %swap3A_13 = arith.constant 0 : index
    %swap3A_14 = arith.constant 0 : index
    %swap3A_15 = vector.load %arg5[%swap3A_13, %swap3A_14] : memref<1000x128xf32, #tpu.memory_space<vmem>>, vector<1000x128xf32>
    tpu.vector_store %arg5[%swap3A_13, %swap3A_14], %mul3A {strides = array<i32>} : memref<1000x128xf32, #tpu.memory_space<vmem>>, vector<1000x128xf32>,
    return
  }
  func.func @transform_0(%arg0: i32) -> (i32, i32) {
    %c0_i32 = arith.constant 0 : i32
    %c0_i32_0 = arith.constant 0 : i32
    return %arg0, %c0_i32 : i32, i32
  }
  func.func @transform_1(%arg0: i32) -> (i32, i32) {
    %c0_i32 = arith.constant 0 : i32
    %c0_i32_0 = arith.constant 0 : i32
    return %arg0, %c0_i32 : i32, i32
  }
  func.func @transform_2(%arg0: i32) -> (i32, i32) {
    %c0_i32 = arith.constant 0 : i32
    %c0_i32_0 = arith.constant 0 : i32
    return %arg0, %c0_i32 : i32, i32
  }
  func.func @transform_3(%arg0: i32) -> (i32, i32) {
    %c0_i32 = arith.constant 0 : i32
    %c0_i32_0 = arith.constant 0 : i32
    return %arg0, %c0_i32 : i32, i32
  }
  func.func @transform_4(%arg0: i32) -> (i32, i32) {
    %c0_i32 = arith.constant 0 : i32
    %c0_i32_0 = arith.constant 0 : i32
    return %arg0, %c0_i32 : i32, i32
  }
}

module attributes {stable_mosaic.version = 14 : i64} {
  func.func @_tc_g_body(%arg0: i32, %arg1: memref<1000x128xf32, #tpu.memory_space<vmem>>, %arg2: memref<1000x128xf32, #tpu.memory_space<vmem>>, %arg3: memref<1000x128xf32, #tpu.memory_space<vmem>>, %arg4: memref<1000x128xf32, #tpu.memory_space<vmem>>) attributes {dimension_semantics = [#tpu.dimension_semantics<arbitrary>], iteration_bounds = array<i64: 10>, scalar_prefetch = 0 : i64, scratch_operands = 0 : i64, tpu.core_type = #tpu.core_type<tc>, window_params = [{transform_indices = @transform_0, window_bounds = array<i64: 1000, 128>}, {transform_indices = @transform_1, window_bounds = array<i64: 1000, 128>}, {transform_indices = @transform_2, window_bounds = array<i64: 1000, 128>}, {transform_indices = @transform_3, window_bounds = array<i64: 1000, 128>}]} {
    %get3A = arith.constant 0 : index
    %get3A_0 = arith.constant 0 : index
    %get3A_1 = vector.load %arg3[%get3A, %get3A_0] : memref<1000x128xf32, #tpu.memory_space<vmem>>, vector<1000x128xf32>
    %get3A_2 = arith.constant 0 : index
    %get3A_3 = arith.constant 0 : index
    %get3A_4 = vector.load %arg1[%get3A_2, %get3A_3] : memref<1000x128xf32, #tpu.memory_space<vmem>>, vector<1000x128xf32>
    %get3A_5 = arith.constant 0 : index
    %get3A_6 = arith.constant 0 : index
    %get3A_7 = vector.load %arg2[%get3A_5, %get3A_6] : memref<1000x128xf32, #tpu.memory_space<vmem>>, vector<1000x128xf32>
    %add3A = arith.addf %get3A_4, %get3A_7 : vector<1000x128xf32>
    %mul3A = arith.mulf %add3A, %get3A_1 : vector<1000x128xf32>
    %mul3A_8 = arith.mulf %mul3A, %get3A_1 : vector<1000x128xf32>
    %swap3A = arith.constant 0 : index
    %swap3A_9 = arith.constant 0 : index
    %swap3A_10 = vector.load %arg4[%swap3A, %swap3A_9] : memref<1000x128xf32, #tpu.memory_space<vmem>>, vector<1000x128xf32>
    tpu.vector_store %arg4[%swap3A, %swap3A_9], %mul3A_8 {strides = array<i32>} : memref<1000x128xf32, #tpu.memory_space<vmem>>, vector<1000x128xf32>,
    return
  }
  func.func @transform_0(%arg0: i32) -> (i32, i32) {
    %c0_i32 = arith.constant 0 : i32
    %c0_i32_0 = arith.constant 0 : i32
    return %arg0, %c0_i32 : i32, i32
  }
  func.func @transform_1(%arg0: i32) -> (i32, i32) {
    %c0_i32 = arith.constant 0 : i32
    %c0_i32_0 = arith.constant 0 : i32
    return %arg0, %c0_i32 : i32, i32
  }
  func.func @transform_2(%arg0: i32) -> (i32, i32) {
    %c0_i32 = arith.constant 0 : i32
    %c0_i32_0 = arith.constant 0 : i32
    return %arg0, %c0_i32 : i32, i32
  }
  func.func @transform_3(%arg0: i32) -> (i32, i32) {
    %c0_i32 = arith.constant 0 : i32
    %c0_i32_0 = arith.constant 0 : i32
    return %arg0, %c0_i32 : i32, i32
  }
}

module attributes {stable_mosaic.version = 14 : i64} {
  func.func @_tc_fin_body(%arg0: i32, %arg1: memref<1000x128xf32, #tpu.memory_space<vmem>>, %arg2: memref<1000x128xf32, #tpu.memory_space<vmem>>, %arg3: memref<1000x128xf32, #tpu.memory_space<vmem>>, %arg4: memref<1000x128xf32, #tpu.memory_space<vmem>>, %arg5: memref<1000x128xf32, #tpu.memory_space<vmem>>, %arg6: memref<1000x128xf32, #tpu.memory_space<vmem>>, %arg7: memref<128x128xf32, #tpu.memory_space<vmem>>, %arg8: memref<128x128xf32, #tpu.memory_space<vmem>>, %arg9: memref<128x128xf32, #tpu.memory_space<vmem>>, %arg10: memref<1000x384xf32, #tpu.memory_space<vmem>>) attributes {dimension_semantics = [#tpu.dimension_semantics<arbitrary>], iteration_bounds = array<i64: 10>, scalar_prefetch = 0 : i64, scratch_operands = 0 : i64, tpu.core_type = #tpu.core_type<tc>, window_params = [{transform_indices = @transform_0, window_bounds = array<i64: 1000, 128>}, {transform_indices = @transform_1, window_bounds = array<i64: 1000, 128>}, {transform_indices = @transform_2, window_bounds = array<i64: 1000, 128>}, {transform_indices = @transform_3, window_bounds = array<i64: 1000, 128>}, {transform_indices = @transform_4, window_bounds = array<i64: 1000, 128>}, {transform_indices = @transform_5, window_bounds = array<i64: 1000, 128>}, {pipeline_mode = #tpu.pipeline_mode<synchronous>, transform_indices = @transform_6, window_bounds = array<i64: 128, 128>}, {pipeline_mode = #tpu.pipeline_mode<synchronous>, transform_indices = @transform_7, window_bounds = array<i64: 128, 128>}, {pipeline_mode = #tpu.pipeline_mode<synchronous>, transform_indices = @transform_8, window_bounds = array<i64: 128, 128>}, {transform_indices = @transform_9, window_bounds = array<i64: 1000, 384>}]} {
    %get3A = arith.constant 0 : index
    %get3A_0 = arith.constant 0 : index
    %get3A_1 = vector.load %arg6[%get3A, %get3A_0] : memref<1000x128xf32, #tpu.memory_space<vmem>>, vector<1000x128xf32>
    %get3A_2 = arith.constant 0 : index
    %get3A_3 = arith.constant 0 : index
    %get3A_4 = vector.load %arg2[%get3A_2, %get3A_3] : memref<1000x128xf32, #tpu.memory_space<vmem>>, vector<1000x128xf32>
    %get3A_5 = arith.constant 0 : index
    %get3A_6 = arith.constant 0 : index
    %get3A_7 = vector.load %arg3[%get3A_5, %get3A_6] : memref<1000x128xf32, #tpu.memory_space<vmem>>, vector<1000x128xf32>
    %add3A = arith.addf %get3A_4, %get3A_7 : vector<1000x128xf32>
    %mul3A = arith.mulf %add3A, %get3A_1 : vector<1000x128xf32>
    %get3A_8 = arith.constant 0 : index
    %get3A_9 = arith.constant 0 : index
    %get3A_10 = vector.load %arg4[%get3A_8, %get3A_9] : memref<1000x128xf32, #tpu.memory_space<vmem>>, vector<1000x128xf32>
    %get3A_11 = arith.constant 0 : index
    %get3A_12 = arith.constant 0 : index
    %get3A_13 = vector.load %arg5[%get3A_11, %get3A_12] : memref<1000x128xf32, #tpu.memory_space<vmem>>, vector<1000x128xf32>
    %add3A_14 = arith.addf %get3A_10, %get3A_13 : vector<1000x128xf32>
    %mul3A_15 = arith.mulf %add3A_14, %get3A_1 : vector<1000x128xf32>
    %get3A_16 = arith.constant 0 : index
    %get3A_17 = arith.constant 0 : index
    %get3A_18 = vector.load %arg1[%get3A_16, %get3A_17] : memref<1000x128xf32, #tpu.memory_space<vmem>>, vector<1000x128xf32>
    %get3A_19 = arith.constant 0 : index
    %get3A_20 = arith.constant 0 : index
    %get3A_21 = vector.load %arg7[%get3A_19, %get3A_20] : memref<128x128xf32, #tpu.memory_space<vmem>>, vector<128x128xf32>
    %dot_general3A = arith.constant dense<0.000000e+00> : vector<1000x128xf32>
    %dot_general3A_22 = tpu.matmul %get3A_18, %get3A_21, %dot_general3A {dimension_numbers = #tpu.dot_dimension_numbers<[1], [0], [0], [1], [0, 0, 1, 1], [], []>, transpose_lhs_hint = false} : vector<1000x128xf32>, vector<128x128xf32>, vector<1000x128xf32> -> vector<1000x128xf32>
    %swap3A = arith.constant 0 : index
    %swap3A_23 = arith.constant 0 : index
    %swap3A_24 = vector.load %arg10[%swap3A, %swap3A_23] : memref<1000x384xf32, #tpu.memory_space<vmem>>, vector<1000x128xf32>
    tpu.vector_store %arg10[%swap3A, %swap3A_23], %dot_general3A_22 {strides = array<i32>} : memref<1000x384xf32, #tpu.memory_space<vmem>>, vector<1000x128xf32>,
    %get3A_25 = arith.constant 0 : index
    %get3A_26 = arith.constant 0 : index
    %get3A_27 = vector.load %arg8[%get3A_25, %get3A_26] : memref<128x128xf32, #tpu.memory_space<vmem>>, vector<128x128xf32>
    %dot_general3A_28 = arith.constant dense<0.000000e+00> : vector<1000x128xf32>
    %dot_general3A_29 = tpu.matmul %mul3A, %get3A_27, %dot_general3A_28 {dimension_numbers = #tpu.dot_dimension_numbers<[1], [0], [0], [1], [0, 0, 1, 1], [], []>, transpose_lhs_hint = false} : vector<1000x128xf32>, vector<128x128xf32>, vector<1000x128xf32> -> vector<1000x128xf32>
    %swap3A_30 = arith.constant 0 : index
    %swap3A_31 = arith.constant 128 : index
    %swap3A_32 = vector.load %arg10[%swap3A_30, %swap3A_31] : memref<1000x384xf32, #tpu.memory_space<vmem>>, vector<1000x128xf32>
    tpu.vector_store %arg10[%swap3A_30, %swap3A_31], %dot_general3A_29 {strides = array<i32>} : memref<1000x384xf32, #tpu.memory_space<vmem>>, vector<1000x128xf32>,
    %get3A_33 = arith.constant 0 : index
    %get3A_34 = arith.constant 0 : index
    %get3A_35 = vector.load %arg9[%get3A_33, %get3A_34] : memref<128x128xf32, #tpu.memory_space<vmem>>, vector<128x128xf32>
    %dot_general3A_36 = arith.constant dense<0.000000e+00> : vector<1000x128xf32>
    %dot_general3A_37 = tpu.matmul %mul3A_15, %get3A_35, %dot_general3A_36 {dimension_numbers = #tpu.dot_dimension_numbers<[1], [0], [0], [1], [0, 0, 1, 1], [], []>, transpose_lhs_hint = false} : vector<1000x128xf32>, vector<128x128xf32>, vector<1000x128xf32> -> vector<1000x128xf32>
    %swap3A_38 = arith.constant 0 : index
    %swap3A_39 = arith.constant 256 : index
    %swap3A_40 = vector.load %arg10[%swap3A_38, %swap3A_39] : memref<1000x384xf32, #tpu.memory_space<vmem>>, vector<1000x128xf32>
    tpu.vector_store %arg10[%swap3A_38, %swap3A_39], %dot_general3A_37 {strides = array<i32>} : memref<1000x384xf32, #tpu.memory_space<vmem>>, vector<1000x128xf32>,
    return
  }
  func.func @transform_0(%arg0: i32) -> (i32, i32) {
    %c0_i32 = arith.constant 0 : i32
    %c0_i32_0 = arith.constant 0 : i32
    return %arg0, %c0_i32 : i32, i32
  }
  func.func @transform_1(%arg0: i32) -> (i32, i32) {
    %c0_i32 = arith.constant 0 : i32
    %c0_i32_0 = arith.constant 0 : i32
    return %arg0, %c0_i32 : i32, i32
  }
  func.func @transform_2(%arg0: i32) -> (i32, i32) {
    %c0_i32 = arith.constant 0 : i32
    %c0_i32_0 = arith.constant 0 : i32
    return %arg0, %c0_i32 : i32, i32
  }
  func.func @transform_3(%arg0: i32) -> (i32, i32) {
    %c0_i32 = arith.constant 0 : i32
    %c0_i32_0 = arith.constant 0 : i32
    return %arg0, %c0_i32 : i32, i32
  }
  func.func @transform_4(%arg0: i32) -> (i32, i32) {
    %c0_i32 = arith.constant 0 : i32
    %c0_i32_0 = arith.constant 0 : i32
    return %arg0, %c0_i32 : i32, i32
  }
  func.func @transform_5(%arg0: i32) -> (i32, i32) {
    %c0_i32 = arith.constant 0 : i32
    %c0_i32_0 = arith.constant 0 : i32
    return %arg0, %c0_i32 : i32, i32
  }
  func.func @transform_6(%arg0: i32) -> (i32, i32) {
    %c0_i32 = arith.constant 0 : i32
    %c0_i32_0 = arith.constant 0 : i32
    %c0_i32_1 = arith.constant 0 : i32
    return %c0_i32, %c0_i32_0 : i32, i32
  }
  func.func @transform_7(%arg0: i32) -> (i32, i32) {
    %c0_i32 = arith.constant 0 : i32
    %c0_i32_0 = arith.constant 0 : i32
    %c0_i32_1 = arith.constant 0 : i32
    return %c0_i32, %c0_i32_0 : i32, i32
  }
  func.func @transform_8(%arg0: i32) -> (i32, i32) {
    %c0_i32 = arith.constant 0 : i32
    %c0_i32_0 = arith.constant 0 : i32
    %c0_i32_1 = arith.constant 0 : i32
    return %c0_i32, %c0_i32_0 : i32, i32
  }
  func.func @transform_9(%arg0: i32) -> (i32, i32) {
    %c0_i32 = arith.constant 0 : i32
    %c0_i32_0 = arith.constant 0 : i32
    return %arg0, %c0_i32 : i32, i32
  }
}

</mosaic_0001>

<sc_bundles>
// kernel: kernel.11.cloned.1.call-start
scs
__scs_entry_jumppad:
0x0: {  	(pc) =	sbr.rel $0x88, $3  }
0x1: {  	(tag) =	ssettag $0x0;
	lr =	simm.s32 $0x1  }
0x2: {  	[smem:$0x3F9C] =	sst lr;
	_ =	strace $0xD0000000  }
0x3: {  	_ = 	snop  }
0x4: {  	_ = 	snop  }
0x5: {  	_ = 	snop  }
0x6: {  	_ = 	snop  }
0x7: {  	_ = 	snop  }
__scs_overlays_trampoline_lowered:
0x8: {  	[smem:$0x3FAB] =	sst s0  }
0x9: {  	[smem:$0x3FAC] =	sst s1  }
0xa: {  	[smem:$0x3FAD] =	sst s2  }
0xb: {  	[smem:$0x3FAE] =	sst s3  }
0xc: {  	[smem:$0x3FAF] =	sst s4  }
0xd: {  	[smem:$0x3FB0] =	sst s5  }
0xe: {  	[smem:$0x3FB1] =	sst s6  }
0xf: {  	[smem:$0x3FB2] =	sst s7  }
0x10: {  	[smem:$0x3FB3] =	sst s8  }
0x11: {  	[smem:$0x3FB4] =	sst s9;
	s0 =	simm.s32 @!p0 $0x0  }
0x12: {  	s1 =	sld [smem:$0x3F9A];
	s0 =	simm.s32 @p0 $0x1  }
0x13: {  	[smem:$0x3FB5] =	sst s0;
	s0 =	simm.s32 @!p1 $0x0  }
0x14: {  	s2 =	sld [smem:$0x3F99];
	s0 =	simm.s32 @p1 $0x1  }
0x15: {  	[smem:$0x3FB6] =	sst s0;
	s0 =	simm.s32 @!p2 $0x0  }
0x16: {  	s3 =	sld [smem:$0x3FDB];
	s0 =	simm.s32 @p2 $0x1  }
0x17: {  	s4 =	simm.s32 $0x1BF5;
	[smem:$0x3FB8] =	sst s0  }
0x18: {  	s0 =	sld [smem:$0x3F9B];
	_ =	swait.ge [sflag:s4], $0x0  }
0x19: {  	s7 =	sld [smem:$0x3F9C]  }
0x1a: {  	s8 =	sadd.s32 $0xFFFFE003, lr  }
0x1b: {  	s9 =	sadd.s32 $0xFFFFFEF7, lr;
	s5 =	simm.s32 $0xFFFFFFFF;
	p2 =	slt.u32 s8, $0xFFFFF086  }
0x1c: {  	p1 =	slt.u32 s9, $0xF7A;
	s5 =	simm.s32 @!p2 $0x0  }
0x1d: {  	s5 =	simm.s32 @p1 $0x1;
	p0 =	seq.s32 s7, s2  }
0x1e: {  	s7 =	smul.u32 @!p0 $0xF7A, s2;
	p2 =	seq.s32 @!p0 s5, $0x0  }
0x1f: {  	s9 =	smul.u32 $0xF7A, s1;
	s8 =	simm.s32 @!p0 $0x1BF5;
	p2 =	por !p2, p0  }
0x20: {  	[sflag:s8] =	ssyncset.s32 @!p0 $0xFFFFF086;
	s6 =	sadd.s32 @!p0 s3, s7;
	s7 =	simm.s32 @!p0 $0x108  }
0x21: {  	s3 =	sadd.s32 s3, s9;
	s6 =	sadd.s32 @!p0 $0x88, s6;
	s7 =	simm.s32 @p2 $0x1082  }
0x22: {  	[simem:s7], [sflag:s8] =	dma.local @!p0 [hbm:s6], $0xF7A  }
0x23: {  	s9 =	sor.u32 $0xD0000000, s2;
	s6 =	simm.s32 $0x108;
	_ =	swait.ge @!p0 [sflag:s8], $0x0  }
0x24: {  	s3 =	sadd.s32 $0x88, s3;
	s6 =	simm.s32 @!p1 $0x1082;
	[sflag:s4] =	ssyncset.s32 $0xFFFFF086  }
0x25: {  	[simem:s6], [sflag:s4] =	dma.local [hbm:s3], $0xF7A  }
0x26: {  	[smem:$0x3F9C] =	sst s1;
	(tag) =	ssettag s2;
	_ =	strace s9  }
0x27: {  	s1 =	sld [smem:$0x3FAC]  }
0x28: {  	s2 =	sld [smem:$0x3FAD]  }
0x29: {  	s4 =	sld [smem:$0x3FAF]  }
0x2a: {  	p0 =	seq.s32 s5, $0x0;
	s5 =	sld [smem:$0x3FB0]  }
0x2b: {  	s6 =	sld [smem:$0x3FB1]  }
0x2c: {  	s7 =	sld [smem:$0x3FB2]  }
0x2d: {  	s3 =	simm.s32 $0x108;
	s8 =	sld [smem:$0x3FB3]  }
0x2e: {  	s3 =	simm.s32 @!p0 $0x1082;
	s9 =	sld [smem:$0x3FB4]  }
0x2f: {  	lr =	sadd.s32 s0, s3;
	s0 =	sld [smem:$0x3FAB]  }
0x30: {  	s3 =	sld [smem:$0x3FAE]  }
0x31: {  	[smem:$0x3FB7] =	sst s10  }
0x32: {  	s10 =	sld [smem:$0x3FB5];
	_ =	sdelay $0x3  }
0x33: {  	p0 =	seq.s32 s10, $0x1;
	s10 =	sld [smem:$0x3FB7];
	_ =	sdelay $0x3  }
0x34: {  	[smem:$0x3FB7] =	sst s10  }
0x35: {  	s10 =	sld [smem:$0x3FB6];
	_ =	sdelay $0x3  }
0x36: {  	p1 =	seq.s32 s10, $0x1;
	s10 =	sld [smem:$0x3FB7];
	_ =	sdelay $0x3  }
0x37: {  	[smem:$0x3FB7] =	sst s10  }
0x38: {  	s10 =	sld [smem:$0x3FB8]  }
0x39: {  	_ = 	snop;
	(pc) =	sbr.ind lr, $3  }
0x3a: {  	_ = 	snop  }
0x3b: {  	_ = 	snop  }
0x3c: {  	p2 =	seq.s32 s10, $0x1;
	s10 =	sld [smem:$0x3FB7]  }
0x3d: {  	_ =	shalt  }
0x3e: {  	_ =	shalt  }
0x3f: {  	_ =	shalt  }
0x40: {  	_ =	shalt  }
0x41: {  	_ =	shalt  }
0x42: {  	_ =	shalt  }
0x43: {  	_ =	shalt  }
0x44: {  	_ =	shalt  }
0x45: {  	_ =	shalt  }
0x46: {  	_ =	shalt  }
0x47: {  	_ =	shalt  }
0x48: {  	_ =	shalt  }
0x49: {  	_ =	shalt  }
0x4a: {  	_ =	shalt  }
0x4b: {  	_ =	shalt  }
0x4c: {  	_ =	shalt  }
0x4d: {  	_ =	shalt  }
0x4e: {  	_ =	shalt  }
0x4f: {  	_ =	shalt  }
0x50: {  	_ =	shalt  }
0x51: {  	_ =	shalt  }
0x52: {  	_ =	shalt  }
0x53: {  	_ =	shalt  }
0x54: {  	_ =	shalt  }
0x55: {  	_ =	shalt  }
0x56: {  	_ =	shalt  }
0x57: {  	_ =	shalt  }
0x58: {  	_ =	shalt  }
0x59: {  	_ =	shalt  }
0x5a: {  	_ =	shalt  }
0x5b: {  	_ =	shalt  }
0x5c: {  	_ =	shalt  }
0x5d: {  	_ =	shalt  }
0x5e: {  	_ =	shalt  }
0x5f: {  	_ =	shalt  }
0x60: {  	_ =	shalt  }
0x61: {  	_ =	shalt  }
0x62: {  	_ =	shalt  }
0x63: {  	_ =	shalt  }
0x64: {  	_ =	shalt  }
0x65: {  	_ =	shalt  }
0x66: {  	_ =	shalt  }
0x67: {  	_ =	shalt  }
0x68: {  	_ =	shalt  }
0x69: {  	_ =	shalt  }
0x6a: {  	_ =	shalt  }
0x6b: {  	_ =	shalt  }
0x6c: {  	_ =	shalt  }
0x6d: {  	_ =	shalt  }
0x6e: {  	_ =	shalt  }
0x6f: {  	_ =	shalt  }
0x70: {  	_ =	shalt  }
0x71: {  	_ =	shalt  }
0x72: {  	_ =	shalt  }
0x73: {  	_ =	shalt  }
0x74: {  	_ =	shalt  }
0x75: {  	_ =	shalt  }
0x76: {  	_ =	shalt  }
0x77: {  	_ =	shalt  }
0x78: {  	_ =	shalt  }
0x79: {  	_ =	shalt  }
0x7a: {  	_ =	shalt  }
0x7b: {  	_ =	shalt  }
0x7c: {  	_ =	shalt  }
0x7d: {  	_ =	shalt  }
0x7e: {  	_ =	shalt  }
0x7f: {  	_ =	shalt  }
0x80: {  	_ =	shalt  }
0x81: {  	_ =	shalt  }
0x82: {  	_ =	shalt  }
0x83: {  	_ =	shalt  }
0x84: {  	_ =	shalt  }
0x85: {  	_ =	shalt  }
0x86: {  	_ =	shalt  }
0x87: {  	_ =	shalt  }
.Lfunc_end0:
.L_simem_size_0:
called_computation.1_lowered:
.L_overlay_start_0:
0x88: {  	s2 =	sld [smem:$0x3FD9]  }
0x89: {  	s3 =	sld [smem:$0x3FFE];
	_ =	sdelay $0x1  }
0x8a: {  	s1 =	srdreg.scid  }
0x8b: {  	s0 =	sand.u32 $0x1, s1  }
0x8c: {  	s17 =	sshll.u32 s0, $0xA;
	s2 =	sadd.s32 s3, s2  }
0x8d: {  	s2 =	sadd.s32 s2, s17  }
0x8e: {  	[smem:$0x3FC3] =	sst s2  }
0x8f: {  	_ = 	snop  }
0x90: {  	s2 =	sld [smem:$0x3FD0];
	(tm) =	ssettm $0x1  }
0x91: {  	s18 =	sld [smem:$0x3FFB];
	_ =	sdelay $0x3  }
0x92: {  	_ =	strace s18  }
0x93: {  	s3 =	sld [smem:$0x3FFC];
	_ =	sdelay $0x3  }
0x94: {  	_ =	strace s3  }
0x95: {  	s3 =	sld [smem:$0x3FFD];
	_ =	sdelay $0x3  }
0x96: {  	_ =	strace s3  }
0x97: {  	_ =	strace $0x8FFFFFFF  }
0x98: {  	s19 =	sld [smem:$0x3FDB];
	_ =	sdelay $0x1  }
0x99: {  	s4 =	simm.s32 $_scs_section_size  }
0x9a: {  	s5 =	simm.s32 $_size__tile_overlayer_lowered;
	s6 =	simm.s32 $_tile_overlayer_lowered  }
0x9b: {  	s22 =	simm.s32 $0x1BFF;
	s21 =	sshll.u32 s6, $0x1;
	s3 =	sadd.s32 s4, s19  }
0x9c: {  	s7 =	simm.s32 $0x0;
	s20 =	sshll.u32 s5, $0x1;
	s5 =	sadd.s32 s21, s3  }
0x9d: {  	[timem:s7], [sflag:s22] =	dma.local [hbm:s5], s20  }
0x9e: {  	_ =	swait.ge [sflag:s22], s20  }
0x9f: {  	s4 =	ssub.s32 $0x0, s20;
	[sflag:s22] =	ssyncset.done $0x0  }
0xa0: {  	[sflag:s22] =	ssyncadd.s32 s4;
	_ =	sdelay $0x1  }
0xa1: {  	s23 =	simm.s32 $0x1B8B  }
0xa2: {  	_ =	swait.ge [sflag:s23], $0x1  }
0xa3: {  	[sflag:s23] =	ssyncset.done $0x0  }
0xa4: {  	s25 =	simm.s32 $0x1B8E;
	s24 =	sld [smem:$0x3FFE];
	[sflag:s23] =	ssyncadd.s32 $0xFFFFFFFF  }
0xa5: {  	s26 =	simm.s32 $execute0_lowered;
	[smem:$0x3FD2] =	sst s25  }
0xa6: {  	s5 =	sshll.u32 s26, $0x1;
	_ =	strace $0x80000049;
	[dreg:$0x1] =	wrdreg $0xFFFFFFFF  }
0xa7: {  	s28 =	simm.s32 $_size_execute0_lowered;
	s3 =	sadd.s32 s3, s5;
	[dreg:$0x0] =	wrdreg $0x0  }
0xa8: {  	s5 =	sshll.u32 s28, $0x1;
	[dreg:$0x2] =	wrdreg s3  }
0xa9: {  	[dreg:$0x3] =	wrdreg s5  }
0xaa: {  	[dreg:$0x4] =	wrdreg $0xC0  }
0xab: {  	_ =	task [dreg:s7], $0x5FFFF  }
0xac: {  	[dreg:$0x1] =	wrdreg $0xFFFFFFFF  }
0xad: {  	[dreg:$0x0] =	wrdreg $0x60  }
0xae: {  	[dreg:$0x2] =	wrdreg s24  }
0xaf: {  	[dreg:$0x3] =	wrdreg s2  }
0xb0: {  	[dreg:$0x4] =	wrdreg $0x81800  }
0xb1: {  	[dreg:$0x5] =	wrdreg $0x9  }
0xb2: {  	_ =	task.clear_ibuf [dreg:s7], $0x6FFFF;
	_ =	strace $0x90000049  }
0xb3: {  	s29 =	simm.s32 $0x9;
	_ =	strace $0x8000004B  }
0xb4: {  	_ =	swait.ge [sflag:s29], $0x1  }
0xb5: {  	[sflag:s29] =	ssyncadd.s32 $0xFFFFFFFF  }
0xb6: {  	_ =	strace $0x9000004B  }
0xb7: {  	_ =	sfence  }
0xb8: {  	s30 =	sld [smem:$0x0];
	_ =	sdelay $0x2  }
0xb9: {  	s31 =	sshll.u32 s1, $0xD;
	s1 =	sshrl.u32 s1, $0x2  }
0xba: {  	s3 =	sand.u32 $0x4000, s31;
	s1 =	sadd.s32 s1, s30  }
0xbb: {  	s0 =	sor.u32 s3, s0;
	s1 =	sshll.u32 s1, $0x11  }
0xbc: {  	s0 =	sor.u32 s1, s0  }
0xbd: {  	s0 =	sadd.s32 $0x8F2B, s0  }
0xbe: {  	[sflag:s0] =	ssyncadd.remote.s32 $0x1  }
0xbf: {  	_ =	sfence.sel $0xFFFF  }
0xc0: {  	[dreg:$0x0] =	wrdreg $0xFFFFFFFF;
	(pc) =	sbr.abs _section_cstart, $3  }
0xc1: {  	[dreg:$0x1] =	wrdreg $0xFFFFFFFF  }
0xc2: {  	_ =	task.clear_ibuf [dreg:s7], $0x2FFFF;
	_ =	strace $0x9FFFFFFF  }
0xc3: {  	(tm) =	ssettm $0x7FFFFFFF  }
tec
execute0_lowered:
.L_overlay_start_1:
0x0: {  	(tag) =	ssettag $0x1  }
0x1: {  	s0 =	rddreg [dreg:$0x0]  }
0x2: {  	s1 =	rddreg [dreg:$0x1]  }
0x3: {  	s2 =	rddreg [dreg:$0x2];
	s3 =	simm.s32 $0x0  }
0x4: {  	s21 =	stileid.u32;
	s6 =	srdreg.scid;
	s17 =	simm.s32 $0x6A  }
0x5: {  	s22 =	simm.s32 $0x4;
	s28 =	simm.s32 $0x3;
	s29 =	simm.s32 $0x100  }
0x6: {  	s30 =	simm.s32 $0x0;
	[smem:$0x7FF] =	sst s3;
	s7 =	smul.u32 $0x50000, s21  }
0x7: {  	s4 =	sadd.s32 $0x22600, s0;
	s5 =	sadd.s32 $0x18800, s0;
	s15 =	smul.u32 $0x9E, s21  }
0x8: {  	s13 =	sand.u32 $0x1, s6;
	s6 =	sadd.s32 $0x2A00, s0;
	s19 =	smul.u32 $0x14000, s21  }
0x9: {  	s21 =	smul.u32 $0x4F00, s21;
	_ =	strace $0x8000004A;
	s9 =	ssub.s32 $0x2, s13  }
0xa: {  	s14 =	ssub.s32 $0x0, s13;
	p0 =	seq.s32 s13, $0x0;
	s18 =	smul.u32 $0x140000, s13  }
0xb: {  	s8 =	sshrl.u32 s7, $0x2;
	s7 =	sadd.s32 $0x17800, s0;
	s23 =	sshrl.u32 s9, $0x1  }
0xc: {  	s16 =	sand.u32 $0x6B, s14;
	s17 =	simm.s32 @!p0 $0x32;
	s8 =	sadd.s32 s8, s2  }
0xd: {  	s0 =	ssub.s32 s9, s23;
	s15 =	sadd.s32 s15, s16;
	s26 =	sshll.u32 s16, $0x7  }
0xe: {  	s18 =	sadd.s32 s19, s18;
	s23 =	simm.s32 $0x4180;
	s24 =	sadd.s32 $0x4000, s8  }
0xf: {  	s10 =	sadd.s32 $0x8000, s8;
	s11 =	sadd.s32 $0xC000, s8;
	s12 =	sadd.s32 $0x10000, s8  }
0x10: {  	s13 =	sshll.u32 s15, $0x4;
	s20 =	sadd.s32 s17, s15;
	s15 =	sshrl.u32 s17, $0x1  }
0x11: {  	s31 =	sadd.s32 s26, s21;
	s18 =	sshrl.u32 s18, $0x3;
	s19 =	smax.u32 s0, $0x1  }
0x12: {  	s21 =	simm.s32 $0x180;
	s26 =	simm.s32 $0x1;
	[dreg:$0x4] =	wrdreg s24  }
0x13: {  	s14 =	sadd.s32 s6, s13;
	s25 =	sshll.u32 s20, $0x4;
	s20 =	sadd.s32 $0x80, s31  }
0x14: {  	s18 =	sadd.s32 s1, s18;
	s24 =	simm.s32 $0x80;
	s16 =	sadd.s32 s5, s25  }
0x15: {  	s17 =	sadd.s32 s6, s25;
	s20 =	sshrl.u32 s20, $0x3;
	s25 =	simm.s32 $0x2  }
.LBB2_1:
0x16: {  	[tilespmem:s21], [sflag:$0x4] =	stream.linear.gather [hbm4b:s7+s3], $0x4000, $0x38;
	[tilespmem:$0x1C180] =	vst v63  }
0x17: {  	_ =	swait.ge [sflag:s22], $0x4000  }
0x18: {  	[sflag:s22] =	ssyncset.done $0x0  }
0x19: {  	[sflag:s22] =	ssyncadd.s32 $0xFFFFC000  }
0x1a: {  	[spmem:s8] =	stream.linear.scatter [tilespmem:s21], [sflag:$0x4], $0x4000, $0x38;
	[tilespmem:$0x1C180] =	vst v63  }
0x1b: {  	_ =	swait.ge [sflag:s22], $0x4000  }
0x1c: {  	[sflag:s22] =	ssyncset.done $0x0  }
0x1d: {  	s0 =	rddreg [dreg:$0x4];
	[sflag:s22] =	ssyncadd.s32 $0xFFFFC000  }
0x1e: {  	[spmem:s0] =	stream.linear.scatter [tilespmem:s21], [sflag:$0x4], $0x4000, $0x38;
	[tilespmem:$0x1C180] =	vst v63  }
0x1f: {  	_ =	swait.ge [sflag:s22], $0x4000  }
0x20: {  	[sflag:s22] =	ssyncset.done $0x0  }
0x21: {  	[sflag:s22] =	ssyncadd.s32 $0xFFFFC000  }
0x22: {  	[spmem:s10] =	stream.linear.scatter [tilespmem:s21], [sflag:$0x4], $0x4000, $0x38;
	[tilespmem:$0x1C180] =	vst v63  }
0x23: {  	_ =	swait.ge [sflag:s22], $0x4000  }
0x24: {  	[sflag:s22] =	ssyncset.done $0x0  }
0x25: {  	[sflag:s22] =	ssyncadd.s32 $0xFFFFC000  }
0x26: {  	[spmem:s11] =	stream.linear.scatter [tilespmem:s21], [sflag:$0x4], $0x4000, $0x38;
	[tilespmem:$0x1C180] =	vst v63  }
0x27: {  	_ =	swait.ge [sflag:s22], $0x4000  }
0x28: {  	[sflag:s22] =	ssyncset.done $0x0  }
0x29: {  	[sflag:s22] =	ssyncadd.s32 $0xFFFFC000  }
0x2a: {  	[spmem:s12] =	stream.linear.scatter [tilespmem:s21], [sflag:$0x4], $0x4000, $0x38;
	[tilespmem:$0x1C180] =	vst v63  }
0x2b: {  	_ =	swait.ge [sflag:s22], $0x4000  }
0x2c: {  	[sflag:s22] =	ssyncset.done $0x0  }
0x2d: {  	[sflag:s22] =	ssyncadd.s32 $0xFFFFC000  }
0x2e: {  	[tilespmem:s23], [sflag:$0x4] =	stream.linear.gather [hbm4b:s7+s3], $0x4000, $0x38;
	[tilespmem:$0x1C180] =	vst v63  }
0x2f: {  	_ =	swait.ge [sflag:s22], $0x4000  }
0x30: {  	[sflag:s22] =	ssyncset.done $0x0  }
0x31: {  	[sflag:s22] =	ssyncadd.s32 $0xFFFFC000  }
0x32: {  	[bflag:$0x0] =	sbarrier.arrive $0xFFFF  }
0x33: {  	[tilespmem:s24], [sflag:$0x4] =	stream.linear.gather [hbm4b:s14+s3], $0x80, $0x38;
	[tilespmem:$0x1C180] =	vst v63  }
0x34: {  	_ =	swait.ge [sflag:s22], $0x80  }
0x35: {  	[sflag:s22] =	ssyncset.done $0x0  }
0x36: {  	[sflag:s22] =	ssyncadd.s32 $0xFFFFFF80  }
0x37: {  	[spmem:s2] =	stream.indirect.scatter.add.f32 [tilespmem:s21], [sflag:$0x2], $0x80, s24, s24, $0xb8;
	[tilespmem:$0x1C180] =	vst v63  }
0x38: {  	_ = 	snop  }
0x39: {  	[spmem:s2] =	stream.indirect.scatter.add.f32 [tilespmem:s23], [sflag:$0x3], $0x80, s24, s24, $0xb8;
	[tilespmem:$0x1C180] =	vst v63  }
0x3a: {  	_ =	swait.ge [sflag:s25], $0x4000  }
0x3b: {  	[sflag:s25] =	ssyncset.done $0x0  }
0x3c: {  	s9 =	sadd.s32 s5, s13;
	[sflag:s25] =	ssyncadd.s32 $0xFFFFC000  }
0x3d: {  	[tilespmem:s3], [sflag:$0x4] =	stream.linear.gather [hbm4b:s9+s3], $0x80, $0x38;
	[tilespmem:$0x1C180] =	vst v63  }
0x3e: {  	_ =	swait.ge [sflag:s22], $0x80  }
0x3f: {  	[sflag:s22] =	ssyncset.done $0x0  }
0x40: {  	[sflag:s22] =	ssyncadd.s32 $0xFFFFFF80  }
0x41: {  	[tilespmem:s21], [sflag:$0x1] =	stream.indirect.gather [hbm4b:s4+s24], $0x80, s3, s24, $0xb8;
	[tilespmem:$0x1C180] =	vst v63  }
0x42: {  	_ =	swait.ge [sflag:s26], $0x4000  }
0x43: {  	[sflag:s26] =	ssyncset.done $0x0  }
0x44: {  	[sflag:s26] =	ssyncadd.s32 $0xFFFFC000  }
0x45: {  	[tilespmem:s24], [sflag:$0x4] =	stream.linear.gather [hbm4b:s14+s3], $0x80, $0x38;
	[tilespmem:$0x1C180] =	vst v63  }
0x46: {  	_ =	swait.ge [sflag:s22], $0x80  }
0x47: {  	[sflag:s22] =	ssyncset.done $0x0  }
0x48: {  	[sflag:s22] =	ssyncadd.s32 $0xFFFFFF80  }
0x49: {  	[spmem:s2] =	stream.indirect.scatter.add.f32 [tilespmem:s21], [sflag:$0x2], $0x80, s24, s24, $0xb8;
	[tilespmem:$0x1C180] =	vst v63  }
0x4a: {  	_ =	swait.ge [sflag:s28], $0x4000  }
0x4b: {  	[sflag:s28] =	ssyncset.done $0x0  }
0x4c: {  	s1 =	sadd.s32 s5, s20;
	[sflag:s28] =	ssyncadd.s32 $0xFFFFC000  }
0x4d: {  	[tilespmem:s3], [sflag:$0x4] =	stream.linear.gather [hbm4b:s1+s3], $0x80, $0x38;
	[tilespmem:$0x1C180] =	vst v63  }
0x4e: {  	_ =	swait.ge [sflag:s22], $0x80  }
0x4f: {  	[sflag:s22] =	ssyncset.done $0x0  }
0x50: {  	[sflag:s22] =	ssyncadd.s32 $0xFFFFFF80  }
0x51: {  	[tilespmem:s23], [sflag:$0x1] =	stream.indirect.gather [hbm4b:s4+s24], $0x80, s3, s24, $0xb8;
	[tilespmem:$0x1C180] =	vst v63  }
0x52: {  	_ =	swait.ge [sflag:s26], $0x4000  }
0x53: {  	p0 =	sne.s32 s15, $0x1;
	[sflag:s26] =	ssyncset.done $0x0  }
.Ltmp0:
0x54: {  	s9 =	sadd.s32 s6, s20;
	[sflag:s26] =	ssyncadd.s32 $0xFFFFC000;
	(pc) =	sbr.rel @!p0 .LBB2_3-.Ltmp0, $4  }
0x55: {  	[tilespmem:s29], [sflag:$0x4] =	stream.linear.gather [hbm4b:s9+s3], $0x80, $0x38;
	[tilespmem:$0x1C180] =	vst v63  }
0x56: {  	_ =	swait.ge [sflag:s22], $0x80  }
0x57: {  	s31 =	sadd.s32 $0xFFFFFFFF, s15;
	[sflag:s22] =	ssyncset.done $0x0  }
0x58: {  	s0 =	sadd.s32 $0x20, s6;
	s1 =	sadd.s32 $0x20, s5;
	[sflag:s22] =	ssyncadd.s32 $0xFFFFFF80  }
.LBB2_2:
0x59: {  	[spmem:s2] =	stream.indirect.scatter.add.f32 [tilespmem:s23], [sflag:$0x3], $0x80, s29, s24, $0xb8;
	[tilespmem:$0x1C180] =	vst v63  }
0x5a: {  	p0 =	sne.s32 s31, $0x1;
	s31 =	sadd.s32 $0xFFFFFFFF, s31;
	_ =	swait.ge [sflag:s25], $0x4000  }
0x5b: {  	[sflag:s25] =	ssyncset.done $0x0  }
0x5c: {  	s9 =	sadd.s32 s1, s13;
	[sflag:s25] =	ssyncadd.s32 $0xFFFFC000  }
0x5d: {  	[tilespmem:s3], [sflag:$0x4] =	stream.linear.gather [hbm4b:s9+s3], $0x80, $0x38;
	[tilespmem:$0x1C180] =	vst v63  }
0x5e: {  	_ =	swait.ge [sflag:s22], $0x80  }
0x5f: {  	[sflag:s22] =	ssyncset.done $0x0  }
0x60: {  	[sflag:s22] =	ssyncadd.s32 $0xFFFFFF80  }
0x61: {  	[tilespmem:s21], [sflag:$0x1] =	stream.indirect.gather [hbm4b:s4+s24], $0x80, s3, s24, $0xb8;
	[tilespmem:$0x1C180] =	vst v63  }
0x62: {  	_ =	swait.ge [sflag:s26], $0x4000  }
0x63: {  	[sflag:s26] =	ssyncset.done $0x0  }
0x64: {  	s9 =	sadd.s32 s0, s13;
	[sflag:s26] =	ssyncadd.s32 $0xFFFFC000  }
0x65: {  	[tilespmem:s24], [sflag:$0x4] =	stream.linear.gather [hbm4b:s9+s3], $0x80, $0x38;
	[tilespmem:$0x1C180] =	vst v63  }
0x66: {  	_ =	swait.ge [sflag:s22], $0x80  }
0x67: {  	[sflag:s22] =	ssyncset.done $0x0  }
0x68: {  	[sflag:s22] =	ssyncadd.s32 $0xFFFFFF80  }
0x69: {  	[spmem:s2] =	stream.indirect.scatter.add.f32 [tilespmem:s21], [sflag:$0x2], $0x80, s24, s24, $0xb8;
	[tilespmem:$0x1C180] =	vst v63  }
0x6a: {  	_ =	swait.ge [sflag:s28], $0x4000  }
0x6b: {  	[sflag:s28] =	ssyncset.done $0x0  }
0x6c: {  	s9 =	sadd.s32 s1, s20;
	[sflag:s28] =	ssyncadd.s32 $0xFFFFC000  }
0x6d: {  	[tilespmem:s3], [sflag:$0x4] =	stream.linear.gather [hbm4b:s9+s3], $0x80, $0x38;
	[tilespmem:$0x1C180] =	vst v63  }
0x6e: {  	_ =	swait.ge [sflag:s22], $0x80  }
0x6f: {  	[sflag:s22] =	ssyncset.done $0x0  }
0x70: {  	[sflag:s22] =	ssyncadd.s32 $0xFFFFFF80  }
0x71: {  	[tilespmem:s23], [sflag:$0x1] =	stream.indirect.gather [hbm4b:s4+s24], $0x80, s3, s24, $0xb8;
	[tilespmem:$0x1C180] =	vst v63  }
0x72: {  	_ =	swait.ge [sflag:s26], $0x4000  }
0x73: {  	[sflag:s26] =	ssyncset.done $0x0  }
.Ltmp1:
0x74: {  	s9 =	sadd.s32 s0, s20;
	[sflag:s26] =	ssyncadd.s32 $0xFFFFC000;
	(pc) =	sbr.rel @p0 .LBB2_2-.Ltmp1, $4  }
0x75: {  	[tilespmem:s29], [sflag:$0x4] =	stream.linear.gather [hbm4b:s9+s3], $0x80, $0x38;
	[tilespmem:$0x1C180] =	vst v63  }
0x76: {  	_ =	swait.ge [sflag:s22], $0x80  }
0x77: {  	[sflag:s22] =	ssyncset.done $0x0  }
0x78: {  	s1 =	sadd.s32 $0x20, s1;
	s0 =	sadd.s32 $0x20, s0;
	[sflag:s22] =	ssyncadd.s32 $0xFFFFFF80  }
.LBB2_3:
0x79: {  	[spmem:s2] =	stream.indirect.scatter.add.f32 [tilespmem:s23], [sflag:$0x3], $0x80, s29, s24, $0xb8;
	[tilespmem:$0x1C180] =	vst v63  }
0x7a: {  	_ =	swait.ge [sflag:s25], $0x4000  }
0x7b: {  	[sflag:s25] =	ssyncset.done $0x0  }
0x7c: {  	[sflag:s25] =	ssyncadd.s32 $0xFFFFC000  }
0x7d: {  	[tilespmem:s3], [sflag:$0x4] =	stream.linear.gather [hbm4b:s16+s3], $0x80, $0x38;
	[tilespmem:$0x1C180] =	vst v63  }
0x7e: {  	_ =	swait.ge [sflag:s22], $0x80  }
0x7f: {  	[sflag:s22] =	ssyncset.done $0x0  }
0x80: {  	[sflag:s22] =	ssyncadd.s32 $0xFFFFFF80  }
0x81: {  	[tilespmem:s21], [sflag:$0x1] =	stream.indirect.gather [hbm4b:s4+s24], $0x80, s3, s24, $0xb8;
	[tilespmem:$0x1C180] =	vst v63  }
0x82: {  	_ =	swait.ge [sflag:s26], $0x4000  }
0x83: {  	[sflag:s26] =	ssyncset.done $0x0  }
0x84: {  	[sflag:s26] =	ssyncadd.s32 $0xFFFFC000  }
0x85: {  	[tilespmem:s24], [sflag:$0x4] =	stream.linear.gather [hbm4b:s17+s3], $0x80, $0x38;
	[tilespmem:$0x1C180] =	vst v63  }
0x86: {  	_ =	swait.ge [sflag:s22], $0x80  }
0x87: {  	[sflag:s22] =	ssyncset.done $0x0  }
0x88: {  	[sflag:s22] =	ssyncadd.s32 $0xFFFFFF80  }
0x89: {  	[spmem:s2] =	stream.indirect.scatter.add.f32 [tilespmem:s21], [sflag:$0x2], $0x80, s24, s24, $0xb8;
	[tilespmem:$0x1C180] =	vst v63  }
0x8a: {  	_ =	swait.ge [sflag:s25], $0x4000  }
0x8b: {  	[sflag:s25] =	ssyncset.done $0x0  }
0x8c: {  	[sflag:s25] =	ssyncadd.s32 $0xFFFFC000  }
0x8d: {  	s0 =	stileid.u32;
	_ =	swait.ge [sflag:s28], $0x4000  }
0x8e: {  	s1 =	sshrl.u32 s8, $0x3;
	s30 =	sadd.s32 $0x1, s30;
	[sflag:s28] =	ssyncset.done $0x0  }
0x8f: {  	s0 =	sshll.u32 s0, $0x6;
	p0 =	sne.s32 s30, s19;
	[sflag:s28] =	ssyncadd.s32 $0xFFFFC000  }
.Ltmp2:
0x90: {  	s0 =	sor.u32 $0x1C04, s0;
	[bflag:$0x0] =	sbarrier.arrive $0xFFFF;
	(pc) =	sbr.rel @p0 .LBB2_1-.Ltmp2, $4  }
0x91: {  	[hbm:s18], [sflag:s0] =	dma.local [spmem:s1], $0x2800  }
0x92: {  	_ =	swait.ge [sflag:s22], $0x2800  }
0x93: {  	[sflag:s22] =	ssyncset.done $0x0  }
0x94: {  	[sflag:s22] =	ssyncadd.s32 $0xFFFFD800  }
0x95: {  	_ =	sfence.sel $0x180000  }
0x96: {  	[bflag:$0x0] =	sbarrier.arrive $0xFFFF  }
0x97: {  	_ =	strace $0x9000004A  }
0x98: {  	s0 =	stileid.u32;
	[bflag:$0x2] =	sbarrier.arrive $0xFFFF  }
0x99: {  	p0 =	sne.s32 s0, $0x0;
	s0 =	rddreg [dreg:$0x3]  }
0x9a: {  	s0 =	sadd.s32 @!p0 $0x100000, s0  }
0x9b: {  	[sflag:s0] =	ssyncadd.tile.s32 @!p0 $0x1;
	_ =	shalt  }
.Lfunc_end2:
_tile_overlayer_lowered:
.L_overlay_start_2:
0x9c: {  	(tag) =	ssettag $0x2  }
0x9d: {  	s0 =	rddreg [dreg:$0x0];
	s2 =	stileid.u32  }
0x9e: {  	s1 =	rddreg [dreg:$0x1];
	p0 =	sne.s32 s2, $0x0  }
0x9f: {  	s3 =	rddreg [dreg:$0x2];
	[bflag:$0x3] =	sbarrier.arrive $0xFFFF;
	s2 =	simm.s32 @!p0 $0x1C04  }
0xa0: {  	[timem:s3], [sflag:s2] =	dma.local @!p0 [hbm:s0], s1  }
0xa1: {  	s0 =	simm.s32 @!p0 $0x4  }
0xa2: {  	_ =	swait.ge @!p0 [sflag:s0], s1  }
0xa3: {  	s1 =	ssub.s32 @!p0 $0x0, s1;
	[sflag:s0] =	ssyncset.done @!p0 $0x0  }
0xa4: {  	[sflag:s0] =	ssyncadd.s32 @!p0 s1  }
0xa5: {  	[bflag:$0x3] =	sbarrier.arrive $0xFFFF  }
0xa6: {  	_ =	shalt  }

// kernel: kernel.14.cloned.1.call-start
scs
__scs_entry_jumppad:
0x0: {  	(pc) =	sbr.rel $0x88, $3  }
0x1: {  	(tag) =	ssettag $0x0;
	lr =	simm.s32 $0x1  }
0x2: {  	[smem:$0x3F9C] =	sst lr;
	_ =	strace $0xD0000000  }
0x3: {  	_ = 	snop  }
0x4: {  	_ = 	snop  }
0x5: {  	_ = 	snop  }
0x6: {  	_ = 	snop  }
0x7: {  	_ = 	snop  }
__scs_overlays_trampoline_lowered:
0x8: {  	[smem:$0x3FAB] =	sst s0  }
0x9: {  	[smem:$0x3FAC] =	sst s1  }
0xa: {  	[smem:$0x3FAD] =	sst s2  }
0xb: {  	[smem:$0x3FAE] =	sst s3  }
0xc: {  	[smem:$0x3FAF] =	sst s4  }
0xd: {  	[smem:$0x3FB0] =	sst s5  }
0xe: {  	[smem:$0x3FB1] =	sst s6  }
0xf: {  	[smem:$0x3FB2] =	sst s7  }
0x10: {  	[smem:$0x3FB3] =	sst s8  }
0x11: {  	[smem:$0x3FB4] =	sst s9;
	s0 =	simm.s32 @!p0 $0x0  }
0x12: {  	s1 =	sld [smem:$0x3F9A];
	s0 =	simm.s32 @p0 $0x1  }
0x13: {  	[smem:$0x3FB5] =	sst s0;
	s0 =	simm.s32 @!p1 $0x0  }
0x14: {  	s2 =	sld [smem:$0x3F99];
	s0 =	simm.s32 @p1 $0x1  }
0x15: {  	[smem:$0x3FB6] =	sst s0;
	s0 =	simm.s32 @!p2 $0x0  }
0x16: {  	s3 =	sld [smem:$0x3FDB];
	s0 =	simm.s32 @p2 $0x1  }
0x17: {  	s4 =	simm.s32 $0x1BF5;
	[smem:$0x3FB8] =	sst s0  }
0x18: {  	s0 =	sld [smem:$0x3F9B];
	_ =	swait.ge [sflag:s4], $0x0  }
0x19: {  	s7 =	sld [smem:$0x3F9C]  }
0x1a: {  	s8 =	sadd.s32 $0xFFFFE003, lr  }
0x1b: {  	s9 =	sadd.s32 $0xFFFFFEF7, lr;
	s5 =	simm.s32 $0xFFFFFFFF;
	p2 =	slt.u32 s8, $0xFFFFF086  }
0x1c: {  	p1 =	slt.u32 s9, $0xF7A;
	s5 =	simm.s32 @!p2 $0x0  }
0x1d: {  	s5 =	simm.s32 @p1 $0x1;
	p0 =	seq.s32 s7, s2  }
0x1e: {  	s7 =	smul.u32 @!p0 $0xF7A, s2;
	p2 =	seq.s32 @!p0 s5, $0x0  }
0x1f: {  	s9 =	smul.u32 $0xF7A, s1;
	s8 =	simm.s32 @!p0 $0x1BF5;
	p2 =	por !p2, p0  }
0x20: {  	[sflag:s8] =	ssyncset.s32 @!p0 $0xFFFFF086;
	s6 =	sadd.s32 @!p0 s3, s7;
	s7 =	simm.s32 @!p0 $0x108  }
0x21: {  	s3 =	sadd.s32 s3, s9;
	s6 =	sadd.s32 @!p0 $0x88, s6;
	s7 =	simm.s32 @p2 $0x1082  }
0x22: {  	[simem:s7], [sflag:s8] =	dma.local @!p0 [hbm:s6], $0xF7A  }
0x23: {  	s9 =	sor.u32 $0xD0000000, s2;
	s6 =	simm.s32 $0x108;
	_ =	swait.ge @!p0 [sflag:s8], $0x0  }
0x24: {  	s3 =	sadd.s32 $0x88, s3;
	s6 =	simm.s32 @!p1 $0x1082;
	[sflag:s4] =	ssyncset.s32 $0xFFFFF086  }
0x25: {  	[simem:s6], [sflag:s4] =	dma.local [hbm:s3], $0xF7A  }
0x26: {  	[smem:$0x3F9C] =	sst s1;
	(tag) =	ssettag s2;
	_ =	strace s9  }
0x27: {  	s1 =	sld [smem:$0x3FAC]  }
0x28: {  	s2 =	sld [smem:$0x3FAD]  }
0x29: {  	s4 =	sld [smem:$0x3FAF]  }
0x2a: {  	p0 =	seq.s32 s5, $0x0;
	s5 =	sld [smem:$0x3FB0]  }
0x2b: {  	s6 =	sld [smem:$0x3FB1]  }
0x2c: {  	s7 =	sld [smem:$0x3FB2]  }
0x2d: {  	s3 =	simm.s32 $0x108;
	s8 =	sld [smem:$0x3FB3]  }
0x2e: {  	s3 =	simm.s32 @!p0 $0x1082;
	s9 =	sld [smem:$0x3FB4]  }
0x2f: {  	lr =	sadd.s32 s0, s3;
	s0 =	sld [smem:$0x3FAB]  }
0x30: {  	s3 =	sld [smem:$0x3FAE]  }
0x31: {  	[smem:$0x3FB7] =	sst s10  }
0x32: {  	s10 =	sld [smem:$0x3FB5];
	_ =	sdelay $0x3  }
0x33: {  	p0 =	seq.s32 s10, $0x1;
	s10 =	sld [smem:$0x3FB7];
	_ =	sdelay $0x3  }
0x34: {  	[smem:$0x3FB7] =	sst s10  }
0x35: {  	s10 =	sld [smem:$0x3FB6];
	_ =	sdelay $0x3  }
0x36: {  	p1 =	seq.s32 s10, $0x1;
	s10 =	sld [smem:$0x3FB7];
	_ =	sdelay $0x3  }
0x37: {  	[smem:$0x3FB7] =	sst s10  }
0x38: {  	s10 =	sld [smem:$0x3FB8]  }
0x39: {  	_ = 	snop;
	(pc) =	sbr.ind lr, $3  }
0x3a: {  	_ = 	snop  }
0x3b: {  	_ = 	snop  }
0x3c: {  	p2 =	seq.s32 s10, $0x1;
	s10 =	sld [smem:$0x3FB7]  }
0x3d: {  	_ =	shalt  }
0x3e: {  	_ =	shalt  }
0x3f: {  	_ =	shalt  }
0x40: {  	_ =	shalt  }
0x41: {  	_ =	shalt  }
0x42: {  	_ =	shalt  }
0x43: {  	_ =	shalt  }
0x44: {  	_ =	shalt  }
0x45: {  	_ =	shalt  }
0x46: {  	_ =	shalt  }
0x47: {  	_ =	shalt  }
0x48: {  	_ =	shalt  }
0x49: {  	_ =	shalt  }
0x4a: {  	_ =	shalt  }
0x4b: {  	_ =	shalt  }
0x4c: {  	_ =	shalt  }
0x4d: {  	_ =	shalt  }
0x4e: {  	_ =	shalt  }
0x4f: {  	_ =	shalt  }
0x50: {  	_ =	shalt  }
0x51: {  	_ =	shalt  }
0x52: {  	_ =	shalt  }
0x53: {  	_ =	shalt  }
0x54: {  	_ =	shalt  }
0x55: {  	_ =	shalt  }
0x56: {  	_ =	shalt  }
0x57: {  	_ =	shalt  }
0x58: {  	_ =	shalt  }
0x59: {  	_ =	shalt  }
0x5a: {  	_ =	shalt  }
0x5b: {  	_ =	shalt  }
0x5c: {  	_ =	shalt  }
0x5d: {  	_ =	shalt  }
0x5e: {  	_ =	shalt  }
0x5f: {  	_ =	shalt  }
0x60: {  	_ =	shalt  }
0x61: {  	_ =	shalt  }
0x62: {  	_ =	shalt  }
0x63: {  	_ =	shalt  }
0x64: {  	_ =	shalt  }
0x65: {  	_ =	shalt  }
0x66: {  	_ =	shalt  }
0x67: {  	_ =	shalt  }
0x68: {  	_ =	shalt  }
0x69: {  	_ =	shalt  }
0x6a: {  	_ =	shalt  }
0x6b: {  	_ =	shalt  }
0x6c: {  	_ =	shalt  }
0x6d: {  	_ =	shalt  }
0x6e: {  	_ =	shalt  }
0x6f: {  	_ =	shalt  }
0x70: {  	_ =	shalt  }
0x71: {  	_ =	shalt  }
0x72: {  	_ =	shalt  }
0x73: {  	_ =	shalt  }
0x74: {  	_ =	shalt  }
0x75: {  	_ =	shalt  }
0x76: {  	_ =	shalt  }
0x77: {  	_ =	shalt  }
0x78: {  	_ =	shalt  }
0x79: {  	_ =	shalt  }
0x7a: {  	_ =	shalt  }
0x7b: {  	_ =	shalt  }
0x7c: {  	_ =	shalt  }
0x7d: {  	_ =	shalt  }
0x7e: {  	_ =	shalt  }
0x7f: {  	_ =	shalt  }
0x80: {  	_ =	shalt  }
0x81: {  	_ =	shalt  }
0x82: {  	_ =	shalt  }
0x83: {  	_ =	shalt  }
0x84: {  	_ =	shalt  }
0x85: {  	_ =	shalt  }
0x86: {  	_ =	shalt  }
0x87: {  	_ =	shalt  }
.Lfunc_end0:
.L_simem_size_0:
called_computation.2_lowered:
.L_overlay_start_0:
0x88: {  	s2 =	sld [smem:$0x3FD9]  }
0x89: {  	s3 =	sld [smem:$0x3FFE];
	_ =	sdelay $0x1  }
0x8a: {  	s1 =	srdreg.scid  }
0x8b: {  	s0 =	sand.u32 $0x1, s1  }
0x8c: {  	s17 =	sshll.u32 s0, $0xA;
	s2 =	sadd.s32 s3, s2  }
0x8d: {  	s2 =	sadd.s32 s2, s17  }
0x8e: {  	[smem:$0x3FC3] =	sst s2  }
0x8f: {  	_ = 	snop  }
0x90: {  	s2 =	sld [smem:$0x3FD0];
	(tm) =	ssettm $0x1  }
0x91: {  	s18 =	sld [smem:$0x3FFB];
	_ =	sdelay $0x3  }
0x92: {  	_ =	strace s18  }
0x93: {  	s3 =	sld [smem:$0x3FFC];
	_ =	sdelay $0x3  }
0x94: {  	_ =	strace s3  }
0x95: {  	s3 =	sld [smem:$0x3FFD];
	_ =	sdelay $0x3  }
0x96: {  	_ =	strace s3  }
0x97: {  	_ =	strace $0x8FFFFFFF  }
0x98: {  	s19 =	sld [smem:$0x3FDB];
	_ =	sdelay $0x1  }
0x99: {  	s4 =	simm.s32 $_scs_section_size  }
0x9a: {  	s5 =	simm.s32 $_size__tile_overlayer_lowered;
	s6 =	simm.s32 $_tile_overlayer_lowered  }
0x9b: {  	s22 =	simm.s32 $0x1BFF;
	s21 =	sshll.u32 s6, $0x1;
	s3 =	sadd.s32 s4, s19  }
0x9c: {  	s7 =	simm.s32 $0x0;
	s20 =	sshll.u32 s5, $0x1;
	s5 =	sadd.s32 s21, s3  }
0x9d: {  	[timem:s7], [sflag:s22] =	dma.local [hbm:s5], s20  }
0x9e: {  	_ =	swait.ge [sflag:s22], s20  }
0x9f: {  	s4 =	ssub.s32 $0x0, s20;
	[sflag:s22] =	ssyncset.done $0x0  }
0xa0: {  	[sflag:s22] =	ssyncadd.s32 s4;
	_ =	sdelay $0x1  }
0xa1: {  	s23 =	simm.s32 $0x1B8B  }
0xa2: {  	_ =	swait.ge [sflag:s23], $0x1  }
0xa3: {  	[sflag:s23] =	ssyncset.done $0x0  }
0xa4: {  	s25 =	simm.s32 $0x1B8E;
	s24 =	sld [smem:$0x3FFE];
	[sflag:s23] =	ssyncadd.s32 $0xFFFFFFFF  }
0xa5: {  	s26 =	simm.s32 $execute0_lowered;
	[smem:$0x3FD2] =	sst s25  }
0xa6: {  	s5 =	sshll.u32 s26, $0x1;
	_ =	strace $0x8000004C;
	[dreg:$0x1] =	wrdreg $0xFFFFFFFF  }
0xa7: {  	s28 =	simm.s32 $_size_execute0_lowered;
	s3 =	sadd.s32 s3, s5;
	[dreg:$0x0] =	wrdreg $0x0  }
0xa8: {  	s5 =	sshll.u32 s28, $0x1;
	[dreg:$0x2] =	wrdreg s3  }
0xa9: {  	[dreg:$0x3] =	wrdreg s5  }
0xaa: {  	[dreg:$0x4] =	wrdreg $0xC0  }
0xab: {  	_ =	task [dreg:s7], $0x5FFFF  }
0xac: {  	[dreg:$0x1] =	wrdreg $0xFFFFFFFF  }
0xad: {  	[dreg:$0x0] =	wrdreg $0x60  }
0xae: {  	[dreg:$0x2] =	wrdreg s24  }
0xaf: {  	[dreg:$0x3] =	wrdreg s2  }
0xb0: {  	[dreg:$0x4] =	wrdreg $0x81800  }
0xb1: {  	[dreg:$0x5] =	wrdreg $0x9  }
0xb2: {  	_ =	task.clear_ibuf [dreg:s7], $0x6FFFF;
	_ =	strace $0x9000004C  }
0xb3: {  	s29 =	simm.s32 $0x9;
	_ =	strace $0x8000004E  }
0xb4: {  	_ =	swait.ge [sflag:s29], $0x1  }
0xb5: {  	[sflag:s29] =	ssyncadd.s32 $0xFFFFFFFF  }
0xb6: {  	_ =	strace $0x9000004E  }
0xb7: {  	_ =	sfence  }
0xb8: {  	s30 =	sld [smem:$0x0];
	_ =	sdelay $0x2  }
0xb9: {  	s31 =	sshll.u32 s1, $0xD;
	s1 =	sshrl.u32 s1, $0x2  }
0xba: {  	s3 =	sand.u32 $0x4000, s31;
	s1 =	sadd.s32 s1, s30  }
0xbb: {  	s0 =	sor.u32 s3, s0;
	s1 =	sshll.u32 s1, $0x11  }
0xbc: {  	s0 =	sor.u32 s1, s0  }
0xbd: {  	s0 =	sadd.s32 $0x8F2B, s0  }
0xbe: {  	[sflag:s0] =	ssyncadd.remote.s32 $0x1  }
0xbf: {  	_ =	sfence.sel $0xFFFF  }
0xc0: {  	[dreg:$0x0] =	wrdreg $0xFFFFFFFF;
	(pc) =	sbr.abs _section_cstart, $3  }
0xc1: {  	[dreg:$0x1] =	wrdreg $0xFFFFFFFF  }
0xc2: {  	_ =	task.clear_ibuf [dreg:s7], $0x2FFFF;
	_ =	strace $0x9FFFFFFF  }
0xc3: {  	(tm) =	ssettm $0x7FFFFFFF  }
tec
execute0_lowered:
.L_overlay_start_1:
0x0: {  	(tag) =	ssettag $0x1  }
0x1: {  	s0 =	rddreg [dreg:$0x0]  }
0x2: {  	s1 =	rddreg [dreg:$0x1]  }
0x3: {  	s2 =	rddreg [dreg:$0x2];
	s3 =	simm.s32 $0x0  }
0x4: {  	s21 =	stileid.u32;
	s6 =	srdreg.scid;
	s17 =	simm.s32 $0x6A  }
0x5: {  	s22 =	simm.s32 $0x4;
	s28 =	simm.s32 $0x3;
	s29 =	simm.s32 $0x100  }
0x6: {  	s30 =	simm.s32 $0x0;
	[smem:$0x7FF] =	sst s3;
	s7 =	smul.u32 $0x50000, s21  }
0x7: {  	s4 =	sadd.s32 $0x22600, s0;
	s5 =	sadd.s32 $0x18800, s0;
	s15 =	smul.u32 $0x9E, s21  }
0x8: {  	s13 =	sand.u32 $0x1, s6;
	s6 =	sadd.s32 $0x2A00, s0;
	s19 =	smul.u32 $0x14000, s21  }
0x9: {  	s21 =	smul.u32 $0x4F00, s21;
	_ =	strace $0x8000004D;
	s9 =	ssub.s32 $0x2, s13  }
0xa: {  	s14 =	ssub.s32 $0x0, s13;
	p0 =	seq.s32 s13, $0x0;
	s18 =	smul.u32 $0x140000, s13  }
0xb: {  	s8 =	sshrl.u32 s7, $0x2;
	s7 =	sadd.s32 $0x17800, s0;
	s23 =	sshrl.u32 s9, $0x1  }
0xc: {  	s16 =	sand.u32 $0x6B, s14;
	s17 =	simm.s32 @!p0 $0x32;
	s8 =	sadd.s32 s8, s2  }
0xd: {  	s0 =	ssub.s32 s9, s23;
	s15 =	sadd.s32 s15, s16;
	s26 =	sshll.u32 s16, $0x7  }
0xe: {  	s18 =	sadd.s32 s19, s18;
	s23 =	simm.s32 $0x4180;
	s24 =	sadd.s32 $0x4000, s8  }
0xf: {  	s10 =	sadd.s32 $0x8000, s8;
	s11 =	sadd.s32 $0xC000, s8;
	s12 =	sadd.s32 $0x10000, s8  }
0x10: {  	s13 =	sshll.u32 s15, $0x4;
	s20 =	sadd.s32 s17, s15;
	s15 =	sshrl.u32 s17, $0x1  }
0x11: {  	s31 =	sadd.s32 s26, s21;
	s18 =	sshrl.u32 s18, $0x3;
	s19 =	smax.u32 s0, $0x1  }
0x12: {  	s21 =	simm.s32 $0x180;
	s26 =	simm.s32 $0x1;
	[dreg:$0x4] =	wrdreg s24  }
0x13: {  	s14 =	sadd.s32 s6, s13;
	s25 =	sshll.u32 s20, $0x4;
	s20 =	sadd.s32 $0x80, s31  }
0x14: {  	s18 =	sadd.s32 s1, s18;
	s24 =	simm.s32 $0x80;
	s16 =	sadd.s32 s5, s25  }
0x15: {  	s17 =	sadd.s32 s6, s25;
	s20 =	sshrl.u32 s20, $0x3;
	s25 =	simm.s32 $0x2  }
.LBB2_1:
0x16: {  	[tilespmem:s21], [sflag:$0x4] =	stream.linear.gather [hbm4b:s7+s3], $0x4000, $0x38;
	[tilespmem:$0x1C180] =	vst v63  }
0x17: {  	_ =	swait.ge [sflag:s22], $0x4000  }
0x18: {  	[sflag:s22] =	ssyncset.done $0x0  }
0x19: {  	[sflag:s22] =	ssyncadd.s32 $0xFFFFC000  }
0x1a: {  	[spmem:s8] =	stream.linear.scatter [tilespmem:s21], [sflag:$0x4], $0x4000, $0x38;
	[tilespmem:$0x1C180] =	vst v63  }
0x1b: {  	_ =	swait.ge [sflag:s22], $0x4000  }
0x1c: {  	[sflag:s22] =	ssyncset.done $0x0  }
0x1d: {  	s0 =	rddreg [dreg:$0x4];
	[sflag:s22] =	ssyncadd.s32 $0xFFFFC000  }
0x1e: {  	[spmem:s0] =	stream.linear.scatter [tilespmem:s21], [sflag:$0x4], $0x4000, $0x38;
	[tilespmem:$0x1C180] =	vst v63  }
0x1f: {  	_ =	swait.ge [sflag:s22], $0x4000  }
0x20: {  	[sflag:s22] =	ssyncset.done $0x0  }
0x21: {  	[sflag:s22] =	ssyncadd.s32 $0xFFFFC000  }
0x22: {  	[spmem:s10] =	stream.linear.scatter [tilespmem:s21], [sflag:$0x4], $0x4000, $0x38;
	[tilespmem:$0x1C180] =	vst v63  }
0x23: {  	_ =	swait.ge [sflag:s22], $0x4000  }
0x24: {  	[sflag:s22] =	ssyncset.done $0x0  }
0x25: {  	[sflag:s22] =	ssyncadd.s32 $0xFFFFC000  }
0x26: {  	[spmem:s11] =	stream.linear.scatter [tilespmem:s21], [sflag:$0x4], $0x4000, $0x38;
	[tilespmem:$0x1C180] =	vst v63  }
0x27: {  	_ =	swait.ge [sflag:s22], $0x4000  }
0x28: {  	[sflag:s22] =	ssyncset.done $0x0  }
0x29: {  	[sflag:s22] =	ssyncadd.s32 $0xFFFFC000  }
0x2a: {  	[spmem:s12] =	stream.linear.scatter [tilespmem:s21], [sflag:$0x4], $0x4000, $0x38;
	[tilespmem:$0x1C180] =	vst v63  }
0x2b: {  	_ =	swait.ge [sflag:s22], $0x4000  }
0x2c: {  	[sflag:s22] =	ssyncset.done $0x0  }
0x2d: {  	[sflag:s22] =	ssyncadd.s32 $0xFFFFC000  }
0x2e: {  	[tilespmem:s23], [sflag:$0x4] =	stream.linear.gather [hbm4b:s7+s3], $0x4000, $0x38;
	[tilespmem:$0x1C180] =	vst v63  }
0x2f: {  	_ =	swait.ge [sflag:s22], $0x4000  }
0x30: {  	[sflag:s22] =	ssyncset.done $0x0  }
0x31: {  	[sflag:s22] =	ssyncadd.s32 $0xFFFFC000  }
0x32: {  	[bflag:$0x0] =	sbarrier.arrive $0xFFFF  }
0x33: {  	[tilespmem:s24], [sflag:$0x4] =	stream.linear.gather [hbm4b:s14+s3], $0x80, $0x38;
	[tilespmem:$0x1C180] =	vst v63  }
0x34: {  	_ =	swait.ge [sflag:s22], $0x80  }
0x35: {  	[sflag:s22] =	ssyncset.done $0x0  }
0x36: {  	[sflag:s22] =	ssyncadd.s32 $0xFFFFFF80  }
0x37: {  	[spmem:s2] =	stream.indirect.scatter.add.f32 [tilespmem:s21], [sflag:$0x2], $0x80, s24, s24, $0xb8;
	[tilespmem:$0x1C180] =	vst v63  }
0x38: {  	_ = 	snop  }
0x39: {  	[spmem:s2] =	stream.indirect.scatter.add.f32 [tilespmem:s23], [sflag:$0x3], $0x80, s24, s24, $0xb8;
	[tilespmem:$0x1C180] =	vst v63  }
0x3a: {  	_ =	swait.ge [sflag:s25], $0x4000  }
0x3b: {  	[sflag:s25] =	ssyncset.done $0x0  }
0x3c: {  	s9 =	sadd.s32 s5, s13;
	[sflag:s25] =	ssyncadd.s32 $0xFFFFC000  }
0x3d: {  	[tilespmem:s3], [sflag:$0x4] =	stream.linear.gather [hbm4b:s9+s3], $0x80, $0x38;
	[tilespmem:$0x1C180] =	vst v63  }
0x3e: {  	_ =	swait.ge [sflag:s22], $0x80  }
0x3f: {  	[sflag:s22] =	ssyncset.done $0x0  }
0x40: {  	[sflag:s22] =	ssyncadd.s32 $0xFFFFFF80  }
0x41: {  	[tilespmem:s21], [sflag:$0x1] =	stream.indirect.gather [hbm4b:s4+s24], $0x80, s3, s24, $0xb8;
	[tilespmem:$0x1C180] =	vst v63  }
0x42: {  	_ =	swait.ge [sflag:s26], $0x4000  }
0x43: {  	[sflag:s26] =	ssyncset.done $0x0  }
0x44: {  	[sflag:s26] =	ssyncadd.s32 $0xFFFFC000  }
0x45: {  	[tilespmem:s24], [sflag:$0x4] =	stream.linear.gather [hbm4b:s14+s3], $0x80, $0x38;
	[tilespmem:$0x1C180] =	vst v63  }
0x46: {  	_ =	swait.ge [sflag:s22], $0x80  }
0x47: {  	[sflag:s22] =	ssyncset.done $0x0  }
0x48: {  	[sflag:s22] =	ssyncadd.s32 $0xFFFFFF80  }
0x49: {  	[spmem:s2] =	stream.indirect.scatter.add.f32 [tilespmem:s21], [sflag:$0x2], $0x80, s24, s24, $0xb8;
	[tilespmem:$0x1C180] =	vst v63  }
0x4a: {  	_ =	swait.ge [sflag:s28], $0x4000  }
0x4b: {  	[sflag:s28] =	ssyncset.done $0x0  }
0x4c: {  	s1 =	sadd.s32 s5, s20;
	[sflag:s28] =	ssyncadd.s32 $0xFFFFC000  }
0x4d: {  	[tilespmem:s3], [sflag:$0x4] =	stream.linear.gather [hbm4b:s1+s3], $0x80, $0x38;
	[tilespmem:$0x1C180] =	vst v63  }
0x4e: {  	_ =	swait.ge [sflag:s22], $0x80  }
0x4f: {  	[sflag:s22] =	ssyncset.done $0x0  }
0x50: {  	[sflag:s22] =	ssyncadd.s32 $0xFFFFFF80  }
0x51: {  	[tilespmem:s23], [sflag:$0x1] =	stream.indirect.gather [hbm4b:s4+s24], $0x80, s3, s24, $0xb8;
	[tilespmem:$0x1C180] =	vst v63  }
0x52: {  	_ =	swait.ge [sflag:s26], $0x4000  }
0x53: {  	p0 =	sne.s32 s15, $0x1;
	[sflag:s26] =	ssyncset.done $0x0  }
.Ltmp0:
0x54: {  	s9 =	sadd.s32 s6, s20;
	[sflag:s26] =	ssyncadd.s32 $0xFFFFC000;
	(pc) =	sbr.rel @!p0 .LBB2_3-.Ltmp0, $4  }
0x55: {  	[tilespmem:s29], [sflag:$0x4] =	stream.linear.gather [hbm4b:s9+s3], $0x80, $0x38;
	[tilespmem:$0x1C180] =	vst v63  }
0x56: {  	_ =	swait.ge [sflag:s22], $0x80  }
0x57: {  	s31 =	sadd.s32 $0xFFFFFFFF, s15;
	[sflag:s22] =	ssyncset.done $0x0  }
0x58: {  	s0 =	sadd.s32 $0x20, s6;
	s1 =	sadd.s32 $0x20, s5;
	[sflag:s22] =	ssyncadd.s32 $0xFFFFFF80  }
.LBB2_2:
0x59: {  	[spmem:s2] =	stream.indirect.scatter.add.f32 [tilespmem:s23], [sflag:$0x3], $0x80, s29, s24, $0xb8;
	[tilespmem:$0x1C180] =	vst v63  }
0x5a: {  	p0 =	sne.s32 s31, $0x1;
	s31 =	sadd.s32 $0xFFFFFFFF, s31;
	_ =	swait.ge [sflag:s25], $0x4000  }
0x5b: {  	[sflag:s25] =	ssyncset.done $0x0  }
0x5c: {  	s9 =	sadd.s32 s1, s13;
	[sflag:s25] =	ssyncadd.s32 $0xFFFFC000  }
0x5d: {  	[tilespmem:s3], [sflag:$0x4] =	stream.linear.gather [hbm4b:s9+s3], $0x80, $0x38;
	[tilespmem:$0x1C180] =	vst v63  }
0x5e: {  	_ =	swait.ge [sflag:s22], $0x80  }
0x5f: {  	[sflag:s22] =	ssyncset.done $0x0  }
0x60: {  	[sflag:s22] =	ssyncadd.s32 $0xFFFFFF80  }
0x61: {  	[tilespmem:s21], [sflag:$0x1] =	stream.indirect.gather [hbm4b:s4+s24], $0x80, s3, s24, $0xb8;
	[tilespmem:$0x1C180] =	vst v63  }
0x62: {  	_ =	swait.ge [sflag:s26], $0x4000  }
0x63: {  	[sflag:s26] =	ssyncset.done $0x0  }
0x64: {  	s9 =	sadd.s32 s0, s13;
	[sflag:s26] =	ssyncadd.s32 $0xFFFFC000  }
0x65: {  	[tilespmem:s24], [sflag:$0x4] =	stream.linear.gather [hbm4b:s9+s3], $0x80, $0x38;
	[tilespmem:$0x1C180] =	vst v63  }
0x66: {  	_ =	swait.ge [sflag:s22], $0x80  }
0x67: {  	[sflag:s22] =	ssyncset.done $0x0  }
0x68: {  	[sflag:s22] =	ssyncadd.s32 $0xFFFFFF80  }
0x69: {  	[spmem:s2] =	stream.indirect.scatter.add.f32 [tilespmem:s21], [sflag:$0x2], $0x80, s24, s24, $0xb8;
	[tilespmem:$0x1C180] =	vst v63  }
0x6a: {  	_ =	swait.ge [sflag:s28], $0x4000  }
0x6b: {  	[sflag:s28] =	ssyncset.done $0x0  }
0x6c: {  	s9 =	sadd.s32 s1, s20;
	[sflag:s28] =	ssyncadd.s32 $0xFFFFC000  }
0x6d: {  	[tilespmem:s3], [sflag:$0x4] =	stream.linear.gather [hbm4b:s9+s3], $0x80, $0x38;
	[tilespmem:$0x1C180] =	vst v63  }
0x6e: {  	_ =	swait.ge [sflag:s22], $0x80  }
0x6f: {  	[sflag:s22] =	ssyncset.done $0x0  }
0x70: {  	[sflag:s22] =	ssyncadd.s32 $0xFFFFFF80  }
0x71: {  	[tilespmem:s23], [sflag:$0x1] =	stream.indirect.gather [hbm4b:s4+s24], $0x80, s3, s24, $0xb8;
	[tilespmem:$0x1C180] =	vst v63  }
0x72: {  	_ =	swait.ge [sflag:s26], $0x4000  }
0x73: {  	[sflag:s26] =	ssyncset.done $0x0  }
.Ltmp1:
0x74: {  	s9 =	sadd.s32 s0, s20;
	[sflag:s26] =	ssyncadd.s32 $0xFFFFC000;
	(pc) =	sbr.rel @p0 .LBB2_2-.Ltmp1, $4  }
0x75: {  	[tilespmem:s29], [sflag:$0x4] =	stream.linear.gather [hbm4b:s9+s3], $0x80, $0x38;
	[tilespmem:$0x1C180] =	vst v63  }
0x76: {  	_ =	swait.ge [sflag:s22], $0x80  }
0x77: {  	[sflag:s22] =	ssyncset.done $0x0  }
0x78: {  	s1 =	sadd.s32 $0x20, s1;
	s0 =	sadd.s32 $0x20, s0;
	[sflag:s22] =	ssyncadd.s32 $0xFFFFFF80  }
.LBB2_3:
0x79: {  	[spmem:s2] =	stream.indirect.scatter.add.f32 [tilespmem:s23], [sflag:$0x3], $0x80, s29, s24, $0xb8;
	[tilespmem:$0x1C180] =	vst v63  }
0x7a: {  	_ =	swait.ge [sflag:s25], $0x4000  }
0x7b: {  	[sflag:s25] =	ssyncset.done $0x0  }
0x7c: {  	[sflag:s25] =	ssyncadd.s32 $0xFFFFC000  }
0x7d: {  	[tilespmem:s3], [sflag:$0x4] =	stream.linear.gather [hbm4b:s16+s3], $0x80, $0x38;
	[tilespmem:$0x1C180] =	vst v63  }
0x7e: {  	_ =	swait.ge [sflag:s22], $0x80  }
0x7f: {  	[sflag:s22] =	ssyncset.done $0x0  }
0x80: {  	[sflag:s22] =	ssyncadd.s32 $0xFFFFFF80  }
0x81: {  	[tilespmem:s21], [sflag:$0x1] =	stream.indirect.gather [hbm4b:s4+s24], $0x80, s3, s24, $0xb8;
	[tilespmem:$0x1C180] =	vst v63  }
0x82: {  	_ =	swait.ge [sflag:s26], $0x4000  }
0x83: {  	[sflag:s26] =	ssyncset.done $0x0  }
0x84: {  	[sflag:s26] =	ssyncadd.s32 $0xFFFFC000  }
0x85: {  	[tilespmem:s24], [sflag:$0x4] =	stream.linear.gather [hbm4b:s17+s3], $0x80, $0x38;
	[tilespmem:$0x1C180] =	vst v63  }
0x86: {  	_ =	swait.ge [sflag:s22], $0x80  }
0x87: {  	[sflag:s22] =	ssyncset.done $0x0  }
0x88: {  	[sflag:s22] =	ssyncadd.s32 $0xFFFFFF80  }
0x89: {  	[spmem:s2] =	stream.indirect.scatter.add.f32 [tilespmem:s21], [sflag:$0x2], $0x80, s24, s24, $0xb8;
	[tilespmem:$0x1C180] =	vst v63  }
0x8a: {  	_ =	swait.ge [sflag:s25], $0x4000  }
0x8b: {  	[sflag:s25] =	ssyncset.done $0x0  }
0x8c: {  	[sflag:s25] =	ssyncadd.s32 $0xFFFFC000  }
0x8d: {  	s0 =	stileid.u32;
	_ =	swait.ge [sflag:s28], $0x4000  }
0x8e: {  	s1 =	sshrl.u32 s8, $0x3;
	s30 =	sadd.s32 $0x1, s30;
	[sflag:s28] =	ssyncset.done $0x0  }
0x8f: {  	s0 =	sshll.u32 s0, $0x6;
	p0 =	sne.s32 s30, s19;
	[sflag:s28] =	ssyncadd.s32 $0xFFFFC000  }
.Ltmp2:
0x90: {  	s0 =	sor.u32 $0x1C04, s0;
	[bflag:$0x0] =	sbarrier.arrive $0xFFFF;
	(pc) =	sbr.rel @p0 .LBB2_1-.Ltmp2, $4  }
0x91: {  	[hbm:s18], [sflag:s0] =	dma.local [spmem:s1], $0x2800  }
0x92: {  	_ =	swait.ge [sflag:s22], $0x2800  }
0x93: {  	[sflag:s22] =	ssyncset.done $0x0  }
0x94: {  	[sflag:s22] =	ssyncadd.s32 $0xFFFFD800  }
0x95: {  	_ =	sfence.sel $0x180000  }
0x96: {  	[bflag:$0x0] =	sbarrier.arrive $0xFFFF  }
0x97: {  	_ =	strace $0x9000004D  }
0x98: {  	s0 =	stileid.u32;
	[bflag:$0x2] =	sbarrier.arrive $0xFFFF  }
0x99: {  	p0 =	sne.s32 s0, $0x0;
	s0 =	rddreg [dreg:$0x3]  }
0x9a: {  	s0 =	sadd.s32 @!p0 $0x100000, s0  }
0x9b: {  	[sflag:s0] =	ssyncadd.tile.s32 @!p0 $0x1;
	_ =	shalt  }
.Lfunc_end2:
_tile_overlayer_lowered:
.L_overlay_start_2:
0x9c: {  	(tag) =	ssettag $0x2  }
0x9d: {  	s0 =	rddreg [dreg:$0x0];
	s2 =	stileid.u32  }
0x9e: {  	s1 =	rddreg [dreg:$0x1];
	p0 =	sne.s32 s2, $0x0  }
0x9f: {  	s3 =	rddreg [dreg:$0x2];
	[bflag:$0x3] =	sbarrier.arrive $0xFFFF;
	s2 =	simm.s32 @!p0 $0x1C04  }
0xa0: {  	[timem:s3], [sflag:s2] =	dma.local @!p0 [hbm:s0], s1  }
0xa1: {  	s0 =	simm.s32 @!p0 $0x4  }
0xa2: {  	_ =	swait.ge @!p0 [sflag:s0], s1  }
0xa3: {  	s1 =	ssub.s32 @!p0 $0x0, s1;
	[sflag:s0] =	ssyncset.done @!p0 $0x0  }
0xa4: {  	[sflag:s0] =	ssyncadd.s32 @!p0 s1  }
0xa5: {  	[bflag:$0x3] =	sbarrier.arrive $0xFFFF  }
0xa6: {  	_ =	shalt  }

// kernel: kernel.8.cloned.1.call-start
scs
__scs_entry_jumppad:
0x0: {  	(pc) =	sbr.rel $0x88, $3  }
0x1: {  	(tag) =	ssettag $0x0;
	lr =	simm.s32 $0x1  }
0x2: {  	[smem:$0x3F9C] =	sst lr;
	_ =	strace $0xD0000000  }
0x3: {  	_ = 	snop  }
0x4: {  	_ = 	snop  }
0x5: {  	_ = 	snop  }
0x6: {  	_ = 	snop  }
0x7: {  	_ = 	snop  }
__scs_overlays_trampoline_lowered:
0x8: {  	[smem:$0x3FAB] =	sst s0  }
0x9: {  	[smem:$0x3FAC] =	sst s1  }
0xa: {  	[smem:$0x3FAD] =	sst s2  }
0xb: {  	[smem:$0x3FAE] =	sst s3  }
0xc: {  	[smem:$0x3FAF] =	sst s4  }
0xd: {  	[smem:$0x3FB0] =	sst s5  }
0xe: {  	[smem:$0x3FB1] =	sst s6  }
0xf: {  	[smem:$0x3FB2] =	sst s7  }
0x10: {  	[smem:$0x3FB3] =	sst s8  }
0x11: {  	[smem:$0x3FB4] =	sst s9;
	s0 =	simm.s32 @!p0 $0x0  }
0x12: {  	s1 =	sld [smem:$0x3F9A];
	s0 =	simm.s32 @p0 $0x1  }
0x13: {  	[smem:$0x3FB5] =	sst s0;
	s0 =	simm.s32 @!p1 $0x0  }
0x14: {  	s2 =	sld [smem:$0x3F99];
	s0 =	simm.s32 @p1 $0x1  }
0x15: {  	[smem:$0x3FB6] =	sst s0;
	s0 =	simm.s32 @!p2 $0x0  }
0x16: {  	s3 =	sld [smem:$0x3FDB];
	s0 =	simm.s32 @p2 $0x1  }
0x17: {  	s4 =	simm.s32 $0x1BF5;
	[smem:$0x3FB8] =	sst s0  }
0x18: {  	s0 =	sld [smem:$0x3F9B];
	_ =	swait.ge [sflag:s4], $0x0  }
0x19: {  	s7 =	sld [smem:$0x3F9C]  }
0x1a: {  	s8 =	sadd.s32 $0xFFFFE003, lr  }
0x1b: {  	s9 =	sadd.s32 $0xFFFFFEF7, lr;
	s5 =	simm.s32 $0xFFFFFFFF;
	p2 =	slt.u32 s8, $0xFFFFF086  }
0x1c: {  	p1 =	slt.u32 s9, $0xF7A;
	s5 =	simm.s32 @!p2 $0x0  }
0x1d: {  	s5 =	simm.s32 @p1 $0x1;
	p0 =	seq.s32 s7, s2  }
0x1e: {  	s7 =	smul.u32 @!p0 $0xF7A, s2;
	p2 =	seq.s32 @!p0 s5, $0x0  }
0x1f: {  	s9 =	smul.u32 $0xF7A, s1;
	s8 =	simm.s32 @!p0 $0x1BF5;
	p2 =	por !p2, p0  }
0x20: {  	[sflag:s8] =	ssyncset.s32 @!p0 $0xFFFFF086;
	s6 =	sadd.s32 @!p0 s3, s7;
	s7 =	simm.s32 @!p0 $0x108  }
0x21: {  	s3 =	sadd.s32 s3, s9;
	s6 =	sadd.s32 @!p0 $0x88, s6;
	s7 =	simm.s32 @p2 $0x1082  }
0x22: {  	[simem:s7], [sflag:s8] =	dma.local @!p0 [hbm:s6], $0xF7A  }
0x23: {  	s9 =	sor.u32 $0xD0000000, s2;
	s6 =	simm.s32 $0x108;
	_ =	swait.ge @!p0 [sflag:s8], $0x0  }
0x24: {  	s3 =	sadd.s32 $0x88, s3;
	s6 =	simm.s32 @!p1 $0x1082;
	[sflag:s4] =	ssyncset.s32 $0xFFFFF086  }
0x25: {  	[simem:s6], [sflag:s4] =	dma.local [hbm:s3], $0xF7A  }
0x26: {  	[smem:$0x3F9C] =	sst s1;
	(tag) =	ssettag s2;
	_ =	strace s9  }
0x27: {  	s1 =	sld [smem:$0x3FAC]  }
0x28: {  	s2 =	sld [smem:$0x3FAD]  }
0x29: {  	s4 =	sld [smem:$0x3FAF]  }
0x2a: {  	p0 =	seq.s32 s5, $0x0;
	s5 =	sld [smem:$0x3FB0]  }
0x2b: {  	s6 =	sld [smem:$0x3FB1]  }
0x2c: {  	s7 =	sld [smem:$0x3FB2]  }
0x2d: {  	s3 =	simm.s32 $0x108;
	s8 =	sld [smem:$0x3FB3]  }
0x2e: {  	s3 =	simm.s32 @!p0 $0x1082;
	s9 =	sld [smem:$0x3FB4]  }
0x2f: {  	lr =	sadd.s32 s0, s3;
	s0 =	sld [smem:$0x3FAB]  }
0x30: {  	s3 =	sld [smem:$0x3FAE]  }
0x31: {  	[smem:$0x3FB7] =	sst s10  }
0x32: {  	s10 =	sld [smem:$0x3FB5];
	_ =	sdelay $0x3  }
0x33: {  	p0 =	seq.s32 s10, $0x1;
	s10 =	sld [smem:$0x3FB7];
	_ =	sdelay $0x3  }
0x34: {  	[smem:$0x3FB7] =	sst s10  }
0x35: {  	s10 =	sld [smem:$0x3FB6];
	_ =	sdelay $0x3  }
0x36: {  	p1 =	seq.s32 s10, $0x1;
	s10 =	sld [smem:$0x3FB7];
	_ =	sdelay $0x3  }
0x37: {  	[smem:$0x3FB7] =	sst s10  }
0x38: {  	s10 =	sld [smem:$0x3FB8]  }
0x39: {  	_ = 	snop;
	(pc) =	sbr.ind lr, $3  }
0x3a: {  	_ = 	snop  }
0x3b: {  	_ = 	snop  }
0x3c: {  	p2 =	seq.s32 s10, $0x1;
	s10 =	sld [smem:$0x3FB7]  }
0x3d: {  	_ =	shalt  }
0x3e: {  	_ =	shalt  }
0x3f: {  	_ =	shalt  }
0x40: {  	_ =	shalt  }
0x41: {  	_ =	shalt  }
0x42: {  	_ =	shalt  }
0x43: {  	_ =	shalt  }
0x44: {  	_ =	shalt  }
0x45: {  	_ =	shalt  }
0x46: {  	_ =	shalt  }
0x47: {  	_ =	shalt  }
0x48: {  	_ =	shalt  }
0x49: {  	_ =	shalt  }
0x4a: {  	_ =	shalt  }
0x4b: {  	_ =	shalt  }
0x4c: {  	_ =	shalt  }
0x4d: {  	_ =	shalt  }
0x4e: {  	_ =	shalt  }
0x4f: {  	_ =	shalt  }
0x50: {  	_ =	shalt  }
0x51: {  	_ =	shalt  }
0x52: {  	_ =	shalt  }
0x53: {  	_ =	shalt  }
0x54: {  	_ =	shalt  }
0x55: {  	_ =	shalt  }
0x56: {  	_ =	shalt  }
0x57: {  	_ =	shalt  }
0x58: {  	_ =	shalt  }
0x59: {  	_ =	shalt  }
0x5a: {  	_ =	shalt  }
0x5b: {  	_ =	shalt  }
0x5c: {  	_ =	shalt  }
0x5d: {  	_ =	shalt  }
0x5e: {  	_ =	shalt  }
0x5f: {  	_ =	shalt  }
0x60: {  	_ =	shalt  }
0x61: {  	_ =	shalt  }
0x62: {  	_ =	shalt  }
0x63: {  	_ =	shalt  }
0x64: {  	_ =	shalt  }
0x65: {  	_ =	shalt  }
0x66: {  	_ =	shalt  }
0x67: {  	_ =	shalt  }
0x68: {  	_ =	shalt  }
0x69: {  	_ =	shalt  }
0x6a: {  	_ =	shalt  }
0x6b: {  	_ =	shalt  }
0x6c: {  	_ =	shalt  }
0x6d: {  	_ =	shalt  }
0x6e: {  	_ =	shalt  }
0x6f: {  	_ =	shalt  }
0x70: {  	_ =	shalt  }
0x71: {  	_ =	shalt  }
0x72: {  	_ =	shalt  }
0x73: {  	_ =	shalt  }
0x74: {  	_ =	shalt  }
0x75: {  	_ =	shalt  }
0x76: {  	_ =	shalt  }
0x77: {  	_ =	shalt  }
0x78: {  	_ =	shalt  }
0x79: {  	_ =	shalt  }
0x7a: {  	_ =	shalt  }
0x7b: {  	_ =	shalt  }
0x7c: {  	_ =	shalt  }
0x7d: {  	_ =	shalt  }
0x7e: {  	_ =	shalt  }
0x7f: {  	_ =	shalt  }
0x80: {  	_ =	shalt  }
0x81: {  	_ =	shalt  }
0x82: {  	_ =	shalt  }
0x83: {  	_ =	shalt  }
0x84: {  	_ =	shalt  }
0x85: {  	_ =	shalt  }
0x86: {  	_ =	shalt  }
0x87: {  	_ =	shalt  }
.Lfunc_end0:
.L_simem_size_0:
called_computation_lowered:
.L_overlay_start_0:
0x88: {  	s2 =	sld [smem:$0x3FD9]  }
0x89: {  	s3 =	sld [smem:$0x3FFE];
	_ =	sdelay $0x1  }
0x8a: {  	s1 =	srdreg.scid  }
0x8b: {  	s0 =	sand.u32 $0x1, s1  }
0x8c: {  	s17 =	sshll.u32 s0, $0xA;
	s2 =	sadd.s32 s3, s2  }
0x8d: {  	s2 =	sadd.s32 s2, s17  }
0x8e: {  	[smem:$0x3FC3] =	sst s2  }
0x8f: {  	_ = 	snop  }
0x90: {  	s2 =	sld [smem:$0x3FD0];
	(tm) =	ssettm $0x1  }
0x91: {  	s18 =	sld [smem:$0x3FFB];
	_ =	sdelay $0x3  }
0x92: {  	_ =	strace s18  }
0x93: {  	s3 =	sld [smem:$0x3FFC];
	_ =	sdelay $0x3  }
0x94: {  	_ =	strace s3  }
0x95: {  	s3 =	sld [smem:$0x3FFD];
	_ =	sdelay $0x3  }
0x96: {  	_ =	strace s3  }
0x97: {  	_ =	strace $0x8FFFFFFF  }
0x98: {  	s19 =	sld [smem:$0x3FDB];
	_ =	sdelay $0x1  }
0x99: {  	s4 =	simm.s32 $_scs_section_size  }
0x9a: {  	s5 =	simm.s32 $_size__tile_overlayer_lowered;
	s6 =	simm.s32 $_tile_overlayer_lowered  }
0x9b: {  	s22 =	simm.s32 $0x1BFF;
	s21 =	sshll.u32 s6, $0x1;
	s3 =	sadd.s32 s4, s19  }
0x9c: {  	s7 =	simm.s32 $0x0;
	s20 =	sshll.u32 s5, $0x1;
	s5 =	sadd.s32 s21, s3  }
0x9d: {  	[timem:s7], [sflag:s22] =	dma.local [hbm:s5], s20  }
0x9e: {  	_ =	swait.ge [sflag:s22], s20  }
0x9f: {  	s4 =	ssub.s32 $0x0, s20;
	[sflag:s22] =	ssyncset.done $0x0  }
0xa0: {  	[sflag:s22] =	ssyncadd.s32 s4;
	_ =	sdelay $0x1  }
0xa1: {  	s23 =	simm.s32 $0x1B8B  }
0xa2: {  	_ =	swait.ge [sflag:s23], $0x1  }
0xa3: {  	[sflag:s23] =	ssyncset.done $0x0  }
0xa4: {  	s25 =	simm.s32 $0x1B8E;
	s24 =	sld [smem:$0x3FFE];
	[sflag:s23] =	ssyncadd.s32 $0xFFFFFFFF  }
0xa5: {  	s26 =	simm.s32 $execute0_lowered;
	[smem:$0x3FD2] =	sst s25  }
0xa6: {  	s5 =	sshll.u32 s26, $0x1;
	_ =	strace $0x80000046;
	[dreg:$0x1] =	wrdreg $0xFFFFFFFF  }
0xa7: {  	s28 =	simm.s32 $_size_execute0_lowered;
	s3 =	sadd.s32 s3, s5;
	[dreg:$0x0] =	wrdreg $0x0  }
0xa8: {  	s5 =	sshll.u32 s28, $0x1;
	[dreg:$0x2] =	wrdreg s3  }
0xa9: {  	[dreg:$0x3] =	wrdreg s5  }
0xaa: {  	[dreg:$0x4] =	wrdreg $0xC0  }
0xab: {  	_ =	task [dreg:s7], $0x5FFFF  }
0xac: {  	[dreg:$0x1] =	wrdreg $0xFFFFFFFF  }
0xad: {  	[dreg:$0x0] =	wrdreg $0x60  }
0xae: {  	[dreg:$0x2] =	wrdreg s24  }
0xaf: {  	[dreg:$0x3] =	wrdreg s2  }
0xb0: {  	[dreg:$0x4] =	wrdreg $0x6C000  }
0xb1: {  	[dreg:$0x5] =	wrdreg $0x9  }
0xb2: {  	_ =	task.clear_ibuf [dreg:s7], $0x6FFFF;
	_ =	strace $0x90000046  }
0xb3: {  	s29 =	simm.s32 $0x9;
	_ =	strace $0x80000048  }
0xb4: {  	_ =	swait.ge [sflag:s29], $0x1  }
0xb5: {  	[sflag:s29] =	ssyncadd.s32 $0xFFFFFFFF  }
0xb6: {  	_ =	strace $0x90000048  }
0xb7: {  	_ =	sfence  }
0xb8: {  	s30 =	sld [smem:$0x0];
	_ =	sdelay $0x2  }
0xb9: {  	s31 =	sshll.u32 s1, $0xD;
	s1 =	sshrl.u32 s1, $0x2  }
0xba: {  	s3 =	sand.u32 $0x4000, s31;
	s1 =	sadd.s32 s1, s30  }
0xbb: {  	s0 =	sor.u32 s3, s0;
	s1 =	sshll.u32 s1, $0x11  }
0xbc: {  	s0 =	sor.u32 s1, s0  }
0xbd: {  	s0 =	sadd.s32 $0x8F2B, s0  }
0xbe: {  	[sflag:s0] =	ssyncadd.remote.s32 $0x1  }
0xbf: {  	_ =	sfence.sel $0xFFFF  }
0xc0: {  	[dreg:$0x0] =	wrdreg $0xFFFFFFFF;
	(pc) =	sbr.abs _section_cstart, $3  }
0xc1: {  	[dreg:$0x1] =	wrdreg $0xFFFFFFFF  }
0xc2: {  	_ =	task.clear_ibuf [dreg:s7], $0x2FFFF;
	_ =	strace $0x9FFFFFFF  }
0xc3: {  	(tm) =	ssettm $0x7FFFFFFF  }
tec
execute0_lowered:
.L_overlay_start_1:
0x0: {  	(tag) =	ssettag $0x1  }
0x1: {  	s6 =	rddreg [dreg:$0x0];
	s1 =	srdreg.scid  }
0x2: {  	s0 =	stileid.u32;
	s12 =	rddreg [dreg:$0x1]  }
0x3: {  	s2 =	rddreg [dreg:$0x2];
	s3 =	simm.s32 $0x0;
	s15 =	simm.s32 $0x1  }
0x4: {  	s16 =	simm.s32 $0x80;
	s19 =	simm.s32 $0x0;
	s5 =	sand.u32 $0x1, s1  }
0x5: {  	s31 =	sshll.u32 s0, $0x1;
	s1 =	rddreg [dreg:$0x3];
	s7 =	smul.u32 $0x50000, s0  }
0x6: {  	[smem:$0x7FF] =	sst s3;
	s13 =	smul.u32 $0x14000, s0;
	s17 =	sshll.u32 s0, $0x6  }
0x7: {  	s4 =	sor.u32 s5, s31;
	_ =	strace $0x80000047;
	s10 =	smul.u32 $0x140000, s5  }
0x8: {  	s8 =	ssub.s32 $0x2, s5;
	s4 =	smul.u32 $0x580, s4;
	s7 =	sshrl.u32 s7, $0x2  }
0x9: {  	s17 =	sor.u32 $0x1C01, s17;
	s9 =	sshrl.u32 s8, $0x1;
	s5 =	sadd.s32 s7, s2  }
0xa: {  	s14 =	ssub.s32 s8, s9;
	s13 =	sadd.s32 s13, s10;
	s11 =	sadd.s32 s4, s6  }
0xb: {  	s4 =	sadd.s32 $0x18000, s6;
	s6 =	sadd.s32 $0x17800, s6;
	s7 =	sadd.s32 $0x4000, s5  }
0xc: {  	s8 =	sadd.s32 $0x8000, s5;
	s9 =	sadd.s32 $0xC000, s5;
	s10 =	sadd.s32 $0x10000, s5  }
0xd: {  	s13 =	sshrl.u32 s13, $0x3;
	s18 =	sshrl.u32 s5, $0x3;
	s11 =	sadd.s32 $0xC800, s11  }
0xe: {  	s12 =	sadd.s32 s12, s13;
	s13 =	smax.u32 s14, $0x1;
	s14 =	simm.s32 $0x2C00  }
.LBB2_1:
0xf: {  	[tilespmem:s14], [sflag:$0x1] =	stream.linear.gather [hbm4b:s6+s3], $0x4000, $0x38;
	[tilespmem:$0x1AC00] =	vst v63  }
0x10: {  	_ =	swait.ge [sflag:s15], $0x4000  }
0x11: {  	[sflag:s15] =	ssyncset.done $0x0  }
0x12: {  	[sflag:s15] =	ssyncadd.s32 $0xFFFFC000  }
0x13: {  	[spmem:s5] =	stream.linear.scatter [tilespmem:s14], [sflag:$0x1], $0x4000, $0x38;
	[tilespmem:$0x1AC00] =	vst v63  }
0x14: {  	_ =	swait.ge [sflag:s15], $0x4000  }
0x15: {  	[sflag:s15] =	ssyncset.done $0x0  }
0x16: {  	[sflag:s15] =	ssyncadd.s32 $0xFFFFC000  }
0x17: {  	[spmem:s7] =	stream.linear.scatter [tilespmem:s14], [sflag:$0x1], $0x4000, $0x38;
	[tilespmem:$0x1AC00] =	vst v63  }
0x18: {  	_ =	swait.ge [sflag:s15], $0x4000  }
0x19: {  	[sflag:s15] =	ssyncset.done $0x0  }
0x1a: {  	[sflag:s15] =	ssyncadd.s32 $0xFFFFC000  }
0x1b: {  	[spmem:s8] =	stream.linear.scatter [tilespmem:s14], [sflag:$0x1], $0x4000, $0x38;
	[tilespmem:$0x1AC00] =	vst v63  }
0x1c: {  	_ =	swait.ge [sflag:s15], $0x4000  }
0x1d: {  	[sflag:s15] =	ssyncset.done $0x0  }
0x1e: {  	[sflag:s15] =	ssyncadd.s32 $0xFFFFC000  }
0x1f: {  	[spmem:s9] =	stream.linear.scatter [tilespmem:s14], [sflag:$0x1], $0x4000, $0x38;
	[tilespmem:$0x1AC00] =	vst v63  }
0x20: {  	_ =	swait.ge [sflag:s15], $0x4000  }
0x21: {  	[sflag:s15] =	ssyncset.done $0x0  }
0x22: {  	[sflag:s15] =	ssyncadd.s32 $0xFFFFC000  }
0x23: {  	[spmem:s10] =	stream.linear.scatter [tilespmem:s14], [sflag:$0x1], $0x4000, $0x38;
	[tilespmem:$0x1AC00] =	vst v63  }
0x24: {  	_ =	swait.ge [sflag:s15], $0x4000  }
0x25: {  	[sflag:s15] =	ssyncset.done $0x0  }
0x26: {  	[sflag:s15] =	ssyncadd.s32 $0xFFFFC000  }
0x27: {  	[tilespmem:s14], [sflag:$0x1] =	stream.linear.gather [hbm4b:s4+s3], $0x4000, $0x38;
	[tilespmem:$0x1AC00] =	vst v63  }
0x28: {  	_ =	swait.ge [sflag:s15], $0x4000  }
0x29: {  	[sflag:s15] =	ssyncset.done $0x0  }
0x2a: {  	[sflag:s15] =	ssyncadd.s32 $0xFFFFC000  }
0x2b: {  	[tilespmem:s3], [sflag:$0x1] =	stream.linear.gather [hbm4b:s11+s3], $0x2880, $0x38;
	[tilespmem:$0x1AC00] =	vst v63  }
0x2c: {  	_ =	swait.ge [sflag:s15], $0x2880  }
0x2d: {  	[sflag:s15] =	ssyncset.done $0x0  }
0x2e: {  	[sflag:s15] =	ssyncadd.s32 $0xFFFFD780  }
0x2f: {  	s20 =	simm.s32 $0x0;
	[bflag:$0x0] =	sbarrier.arrive $0xFFFF  }
0x30: {  	[spmem:s2] =	stream.indirect.scatter.add.f32 [tilespmem:s14], [sflag:$0x1], $0x80, s20, s16, $0xb8;
	[tilespmem:$0x1AC00] =	vst v63  }
0x31: {  	_ =	swait.ge [sflag:s15], $0x4000  }
0x32: {  	s20 =	simm.s32 $0x200;
	[sflag:s15] =	ssyncset.done $0x0  }
.LBB2_2:
0x33: {  	s21 =	sshra.s32 s20, $0x2;
	[sflag:s15] =	ssyncadd.s32 $0xFFFFC000;
	p0 =	sne.s32 s20, $0x9C00  }
0x34: {  	[spmem:s2] =	stream.indirect.scatter.add.f32 [tilespmem:s14], [sflag:$0x1], $0x80, s21, s16, $0xb8;
	[tilespmem:$0x1AC00] =	vst v63  }
.Ltmp0:
0x35: {  	_ = 	snop;
	(pc) =	sbr.rel @p0 .LBB2_2-.Ltmp0, $4  }
0x36: {  	_ = 	snop  }
0x37: {  	s20 =	sadd.s32 $0x200, s20  }
0x38: {  	_ =	swait.ge [sflag:s15], $0x4000  }
0x39: {  	[sflag:s15] =	ssyncset.done $0x0  }
0x3a: {  	s19 =	sadd.s32 $0x1, s19  }
0x3b: {  	[sflag:s15] =	ssyncadd.s32 $0xFFFFC000;
	p0 =	sne.s32 s19, s13  }
.Ltmp1:
0x3c: {  	[bflag:$0x0] =	sbarrier.arrive $0xFFFF;
	(pc) =	sbr.rel @p0 .LBB2_1-.Ltmp1, $4  }
0x3d: {  	[hbm:s12], [sflag:s17] =	dma.local [spmem:s18], $0x2800  }
0x3e: {  	_ =	swait.ge [sflag:s15], $0x2800  }
0x3f: {  	[sflag:s15] =	ssyncset.done $0x0  }
0x40: {  	[sflag:s15] =	ssyncadd.s32 $0xFFFFD800  }
0x41: {  	_ =	sfence.sel $0x180000  }
0x42: {  	[bflag:$0x0] =	sbarrier.arrive $0xFFFF  }
0x43: {  	p0 =	sne.s32 s0, $0x0;
	_ =	strace $0x90000047  }
0x44: {  	s0 =	sadd.s32 @!p0 $0x100000, s1;
	[bflag:$0x2] =	sbarrier.arrive $0xFFFF  }
0x45: {  	[sflag:s0] =	ssyncadd.tile.s32 @!p0 $0x1;
	_ =	shalt  }
.Lfunc_end2:
_tile_overlayer_lowered:
.L_overlay_start_2:
0x46: {  	(tag) =	ssettag $0x2  }
0x47: {  	s0 =	rddreg [dreg:$0x0];
	s2 =	stileid.u32  }
0x48: {  	s1 =	rddreg [dreg:$0x1];
	p0 =	sne.s32 s2, $0x0  }
0x49: {  	s3 =	rddreg [dreg:$0x2];
	[bflag:$0x3] =	sbarrier.arrive $0xFFFF;
	s2 =	simm.s32 @!p0 $0x1C01  }
0x4a: {  	[timem:s3], [sflag:s2] =	dma.local @!p0 [hbm:s0], s1  }
0x4b: {  	s0 =	simm.s32 @!p0 $0x1  }
0x4c: {  	_ =	swait.ge @!p0 [sflag:s0], s1  }
0x4d: {  	s1 =	ssub.s32 @!p0 $0x0, s1;
	[sflag:s0] =	ssyncset.done @!p0 $0x0  }
0x4e: {  	[sflag:s0] =	ssyncadd.s32 @!p0 s1  }
0x4f: {  	[bflag:$0x3] =	sbarrier.arrive $0xFFFF  }
0x50: {  	_ =	shalt  }

</sc_bundles>
